<compile_context>
chip_gen: v7x
topology: tpu7x:2x2x1
jax: 0.10.2.dev20260603
libtpu: 0.0.44.dev20260713+nightly
codegen_flags: <defaults>
</compile_context>

<pallas_src>
import functools

import jax
import jax.numpy as jnp
from jax import lax
from jax.experimental import pallas as pl
from jax.experimental.pallas import tpu as pltpu
from jax.experimental.pallas import tpu_sc as plsc

NUM_EMB = 1_000_000
DIM = 64
PAD_DIM = 128
BATCH = 16384
FIELDS = 26

NC = 2
NS = 16
NW = NC * NS
B_PER_W = BATCH // NW
CHUNK_B = 16
NCHUNK = B_PER_W // CHUNK_B
NPAIR = NCHUNK // 2

_mesh = plsc.VectorSubcoreMesh(core_axis_name="c", subcore_axis_name="s")


@functools.partial(
    pl.kernel,
    out_type=jax.ShapeDtypeStruct((BATCH, FIELDS, DIM), jnp.float32),
    mesh=_mesh,
    scratch_types=[
        pltpu.VMEM((B_PER_W, FIELDS), jnp.int32),
        pltpu.VMEM((2, CHUNK_B, FIELDS, DIM), jnp.float32),
        pltpu.SemaphoreType.DMA,
        pltpu.SemaphoreType.DMA,
    ],
    compiler_params=pltpu.CompilerParams(
        use_tc_tiling_on_sc=False, needs_layout_passes=False
    ),
)
def _gather_kernel(idx_hbm, table_hbm, out_hbm, idx_v, rows_v, gsem0, gsem1):
    wid = lax.axis_index("s") * NC + lax.axis_index("c")
    base = wid * B_PER_W
    pltpu.sync_copy(idx_hbm.at[pl.ds(base, B_PER_W), :], idx_v)

    def fire(c, buf, sem):
        s = c * CHUNK_B
        for i in range(CHUNK_B):
            pltpu.async_copy(
                table_hbm.at[idx_v.at[s + i, :]], rows_v.at[buf, i], sem
            )

    def drain(buf, sem):
        for i in range(CHUNK_B):
            pltpu.make_async_copy(
                table_hbm.at[idx_v.at[i, :]], rows_v.at[buf, i], sem
            ).wait()

    def store(c, buf):
        pltpu.sync_copy(
            rows_v.at[buf], out_hbm.at[pl.ds(base + c * CHUNK_B, CHUNK_B)]
        )

    fire(0, 0, gsem0)

    def body(k, carry):
        del carry
        e, o = 2 * k, 2 * k + 1
        fire(o, 1, gsem1)
        drain(0, gsem0)
        store(e, 0)

        @pl.when(k < NPAIR - 1)
        def _():
            fire(o + 1, 0, gsem0)

        drain(1, gsem1)
        store(o, 1)
        return 0

    lax.fori_loop(0, NPAIR, body, 0)


def kernel(token_ids, weights):
    wpad = jnp.pad(weights, ((0, 0), (0, PAD_DIM - DIM)))
    w2 = wpad.reshape(2 * NUM_EMB, DIM)
    idx2 = token_ids.astype(jnp.int32) * 2
    return _gather_kernel(idx2, w2)

# --- scband reference (transcript-rebuilt; emitter-appended) ---
"""Pipeline reference for scband-embedding-56324201120091 (READ-ONLY COPY).

The authoritative reference and input builder live on the scoring server;
editing this copy changes nothing except your own understanding.
"""

import jax, jax.numpy as jnp
import numpy as np

NUM_EMBEDDINGS = 1000000
EMBEDDING_DIM = 64
BATCH = 16384
FIELDS = 26


def setup_inputs(seed: int = 0) -> dict:
    key = jax.random.key(seed)
    k_idx, k_w = jax.random.split(key)
    token_ids = jax.random.randint(k_idx, (BATCH, FIELDS), 0, NUM_EMBEDDINGS, dtype=jnp.int64 if jax.config.jax_enable_x64 else jnp.int32)
    # trunc_normal(mean=0, std=1, a=-3, b=3) approximated with truncated_normal
    weights = jax.random.truncated_normal(k_w, -3.0, 3.0, (NUM_EMBEDDINGS, EMBEDDING_DIM), dtype=jnp.float32)
    return {"token_ids": token_ids, "weights": weights}


def reference(token_ids, weights):
    # Faithful translation of: return self.weights[token_ids]
    return jnp.take(weights, token_ids, axis=0)

if __name__ == "__main__":
    import jax
    _d = setup_inputs()
    print(jax.jit(kernel)(*tuple(_d.values())))

</pallas_src>

<mosaic_0001>
#map = affine_map<(d0, d1) -> (0, 0)>
#map1 = affine_map<(d0, d1) -> (0, 0, 0)>
module attributes {stable_mosaic.version = 14 : i64} {
  func.func @_gather_kernel(%arg0: i32, %arg1: i32, %arg2: memref<16384x26xi32, #tpu.memory_space<hbm>>, %arg3: memref<2000000x64xf32, #tpu.memory_space<hbm>>, %arg4: memref<16384x26x64xf32, #tpu.memory_space<hbm>>, %arg5: memref<512x26xi32, #tpu.memory_space<vmem>>, %arg6: memref<2x16x26x64xf32, #tpu.memory_space<vmem>>, %arg7: memref<!tpu.dma_semaphore, #tpu.memory_space<semaphore_mem>>, %arg8: memref<!tpu.dma_semaphore, #tpu.memory_space<semaphore_mem>>) attributes {dimension_semantics = [#tpu.dimension_semantics<core_parallel>, #tpu.dimension_semantics<subcore_parallel>], iteration_bounds = array<i64: 2, 16>, scalar_prefetch = 0 : i64, scratch_operands = 4 : i64, tpu.core_type = #tpu.core_type<sc_vector_subcore>, window_params = [{transform_indices = #map}, {transform_indices = #map}, {transform_indices = #map1}]} {
    %mul3A = arith.constant 2 : i32
    %mul3A_0 = arith.muli %arg1, %mul3A : i32
    %add3A = arith.addi %mul3A_0, %arg0 : i32
    %mul3A_1 = arith.constant 512 : i32
    %mul3A_2 = arith.muli %add3A, %mul3A_1 : i32
    "tpu.region"() ({
      %run_scoped3A = tpu.sem_alloc : memref<!tpu.dma_semaphore, #tpu.memory_space<semaphore_mem>>
      %dma_start3A_216 = arith.constant 0 : i32
      %dma_start3A_217 = tpu.memref_slice %arg2[%mul3A_2, %dma_start3A_216] : memref<16384x26xi32, #tpu.memory_space<hbm>> -> memref<512x26xi32, #tpu.memory_space<hbm>>
      %dma_start3A_218 = arith.constant 0 : i32
      %dma_start3A_219 = tpu.memref_slice %arg2[%mul3A_2, %dma_start3A_218] : memref<16384x26xi32, #tpu.memory_space<hbm>> -> memref<512x26xi32, #tpu.memory_space<hbm>>
      tpu.enqueue_dma source(%dma_start3A_219 : memref<512x26xi32, #tpu.memory_space<hbm>>) target(%arg5 : memref<512x26xi32, #tpu.memory_space<vmem>>) target_semaphore(%run_scoped3A : memref<!tpu.dma_semaphore, #tpu.memory_space<semaphore_mem>>)
      %dma_wait3A = arith.constant 0 : i32
      %dma_wait3A_220 = tpu.memref_slice %arg2[%mul3A_2, %dma_wait3A] : memref<16384x26xi32, #tpu.memory_space<hbm>> -> memref<512x26xi32, #tpu.memory_space<hbm>>
      %dma_wait3A_221 = arith.constant 0 : i32
      %dma_wait3A_222 = tpu.memref_slice %arg2[%mul3A_2, %dma_wait3A_221] : memref<16384x26xi32, #tpu.memory_space<hbm>> -> memref<512x26xi32, #tpu.memory_space<hbm>>
      tpu.wait_dma2 semaphore(%run_scoped3A : memref<!tpu.dma_semaphore, #tpu.memory_space<semaphore_mem>>) src(%dma_wait3A_222 : memref<512x26xi32, #tpu.memory_space<hbm>>) dst(%arg5 : memref<512x26xi32, #tpu.memory_space<vmem>>)
      tpu.yield
    }) : () -> ()
    %dma_start3A = arith.constant 0 : i32
    %dma_start3A_3 = arith.constant 0 : i32
    %dma_start3A_4 = arith.constant 0 : i32
    %dma_start3A_5 = arith.constant 0 : i32
    %dma_start3A_6 = arith.constant 0 : i32
    %dma_start3A_7 = tpu.memref_slice %arg6[%dma_start3A_3, %dma_start3A_4, %dma_start3A_5, %dma_start3A_6] : memref<2x16x26x64xf32, #tpu.memory_space<vmem>> -> memref<1x1x26x64xf32, #tpu.memory_space<vmem>>
    %dma_start3A_8 = tpu.memref_squeeze %dma_start3A_7 : memref<1x1x26x64xf32, #tpu.memory_space<vmem>> -> memref<26x64xf32, #tpu.memory_space<vmem>>
    %dma_start3A_9 = arith.constant 0 : i32
    %dma_start3A_10 = tpu.memref_slice %arg5[%dma_start3A, %dma_start3A_9] : memref<512x26xi32, #tpu.memory_space<vmem>> -> memref<1x26xi32, #tpu.memory_space<vmem>>
    %dma_start3A_11 = tpu.memref_squeeze %dma_start3A_10 : memref<1x26xi32, #tpu.memory_space<vmem>> -> memref<26xi32, #tpu.memory_space<vmem>>
    %dma_start3A_12 = arith.constant 0 : i32
    %dma_start3A_13 = arith.constant 0 : i32
    %dma_start3A_14 = tpu.memref_slice %arg3[%dma_start3A_12, %dma_start3A_13] : memref<2000000x64xf32, #tpu.memory_space<hbm>> -> memref<2000000x64xf32, #tpu.memory_space<hbm>>
    tpu.enqueue_indirect_dma source(%dma_start3A_14 : memref<2000000x64xf32, #tpu.memory_space<hbm>>) target(%dma_start3A_8 : memref<26x64xf32, #tpu.memory_space<vmem>>) offsets(%dma_start3A_11 : memref<26xi32, #tpu.memory_space<vmem>>) semaphore(%arg7 : memref<!tpu.dma_semaphore, #tpu.memory_space<semaphore_mem>>)
    %dma_start3A_15 = arith.constant 1 : i32
    %dma_start3A_16 = arith.constant 0 : i32
    %dma_start3A_17 = arith.constant 1 : i32
    %dma_start3A_18 = arith.constant 0 : i32
    %dma_start3A_19 = arith.constant 0 : i32
    %dma_start3A_20 = tpu.memref_slice %arg6[%dma_start3A_16, %dma_start3A_17, %dma_start3A_18, %dma_start3A_19] : memref<2x16x26x64xf32, #tpu.memory_space<vmem>> -> memref<1x1x26x64xf32, #tpu.memory_space<vmem>>
    %dma_start3A_21 = tpu.memref_squeeze %dma_start3A_20 : memref<1x1x26x64xf32, #tpu.memory_space<vmem>> -> memref<26x64xf32, #tpu.memory_space<vmem>>
    %dma_start3A_22 = arith.constant 0 : i32
    %dma_start3A_23 = tpu.memref_slice %arg5[%dma_start3A_15, %dma_start3A_22] : memref<512x26xi32, #tpu.memory_space<vmem>> -> memref<1x26xi32, #tpu.memory_space<vmem>>
    %dma_start3A_24 = tpu.memref_squeeze %dma_start3A_23 : memref<1x26xi32, #tpu.memory_space<vmem>> -> memref<26xi32, #tpu.memory_space<vmem>>
    %dma_start3A_25 = arith.constant 0 : i32
    %dma_start3A_26 = arith.constant 0 : i32
    %dma_start3A_27 = tpu.memref_slice %arg3[%dma_start3A_25, %dma_start3A_26] : memref<2000000x64xf32, #tpu.memory_space<hbm>> -> memref<2000000x64xf32, #tpu.memory_space<hbm>>
    tpu.enqueue_indirect_dma source(%dma_start3A_27 : memref<2000000x64xf32, #tpu.memory_space<hbm>>) target(%dma_start3A_21 : memref<26x64xf32, #tpu.memory_space<vmem>>) offsets(%dma_start3A_24 : memref<26xi32, #tpu.memory_space<vmem>>) semaphore(%arg7 : memref<!tpu.dma_semaphore, #tpu.memory_space<semaphore_mem>>)
    %dma_start3A_28 = arith.constant 2 : i32
    %dma_start3A_29 = arith.constant 0 : i32
    %dma_start3A_30 = arith.constant 2 : i32
    %dma_start3A_31 = arith.constant 0 : i32
    %dma_start3A_32 = arith.constant 0 : i32
    %dma_start3A_33 = tpu.memref_slice %arg6[%dma_start3A_29, %dma_start3A_30, %dma_start3A_31, %dma_start3A_32] : memref<2x16x26x64xf32, #tpu.memory_space<vmem>> -> memref<1x1x26x64xf32, #tpu.memory_space<vmem>>
    %dma_start3A_34 = tpu.memref_squeeze %dma_start3A_33 : memref<1x1x26x64xf32, #tpu.memory_space<vmem>> -> memref<26x64xf32, #tpu.memory_space<vmem>>
    %dma_start3A_35 = arith.constant 0 : i32
    %dma_start3A_36 = tpu.memref_slice %arg5[%dma_start3A_28, %dma_start3A_35] : memref<512x26xi32, #tpu.memory_space<vmem>> -> memref<1x26xi32, #tpu.memory_space<vmem>>
    %dma_start3A_37 = tpu.memref_squeeze %dma_start3A_36 : memref<1x26xi32, #tpu.memory_space<vmem>> -> memref<26xi32, #tpu.memory_space<vmem>>
    %dma_start3A_38 = arith.constant 0 : i32
    %dma_start3A_39 = arith.constant 0 : i32
    %dma_start3A_40 = tpu.memref_slice %arg3[%dma_start3A_38, %dma_start3A_39] : memref<2000000x64xf32, #tpu.memory_space<hbm>> -> memref<2000000x64xf32, #tpu.memory_space<hbm>>
    tpu.enqueue_indirect_dma source(%dma_start3A_40 : memref<2000000x64xf32, #tpu.memory_space<hbm>>) target(%dma_start3A_34 : memref<26x64xf32, #tpu.memory_space<vmem>>) offsets(%dma_start3A_37 : memref<26xi32, #tpu.memory_space<vmem>>) semaphore(%arg7 : memref<!tpu.dma_semaphore, #tpu.memory_space<semaphore_mem>>)
    %dma_start3A_41 = arith.constant 3 : i32
    %dma_start3A_42 = arith.constant 0 : i32
    %dma_start3A_43 = arith.constant 3 : i32
    %dma_start3A_44 = arith.constant 0 : i32
    %dma_start3A_45 = arith.constant 0 : i32
    %dma_start3A_46 = tpu.memref_slice %arg6[%dma_start3A_42, %dma_start3A_43, %dma_start3A_44, %dma_start3A_45] : memref<2x16x26x64xf32, #tpu.memory_space<vmem>> -> memref<1x1x26x64xf32, #tpu.memory_space<vmem>>
    %dma_start3A_47 = tpu.memref_squeeze %dma_start3A_46 : memref<1x1x26x64xf32, #tpu.memory_space<vmem>> -> memref<26x64xf32, #tpu.memory_space<vmem>>
    %dma_start3A_48 = arith.constant 0 : i32
    %dma_start3A_49 = tpu.memref_slice %arg5[%dma_start3A_41, %dma_start3A_48] : memref<512x26xi32, #tpu.memory_space<vmem>> -> memref<1x26xi32, #tpu.memory_space<vmem>>
    %dma_start3A_50 = tpu.memref_squeeze %dma_start3A_49 : memref<1x26xi32, #tpu.memory_space<vmem>> -> memref<26xi32, #tpu.memory_space<vmem>>
    %dma_start3A_51 = arith.constant 0 : i32
    %dma_start3A_52 = arith.constant 0 : i32
    %dma_start3A_53 = tpu.memref_slice %arg3[%dma_start3A_51, %dma_start3A_52] : memref<2000000x64xf32, #tpu.memory_space<hbm>> -> memref<2000000x64xf32, #tpu.memory_space<hbm>>
    tpu.enqueue_indirect_dma source(%dma_start3A_53 : memref<2000000x64xf32, #tpu.memory_space<hbm>>) target(%dma_start3A_47 : memref<26x64xf32, #tpu.memory_space<vmem>>) offsets(%dma_start3A_50 : memref<26xi32, #tpu.memory_space<vmem>>) semaphore(%arg7 : memref<!tpu.dma_semaphore, #tpu.memory_space<semaphore_mem>>)
    %dma_start3A_54 = arith.constant 4 : i32
    %dma_start3A_55 = arith.constant 0 : i32
    %dma_start3A_56 = arith.constant 4 : i32
    %dma_start3A_57 = arith.constant 0 : i32
    %dma_start3A_58 = arith.constant 0 : i32
    %dma_start3A_59 = tpu.memref_slice %arg6[%dma_start3A_55, %dma_start3A_56, %dma_start3A_57, %dma_start3A_58] : memref<2x16x26x64xf32, #tpu.memory_space<vmem>> -> memref<1x1x26x64xf32, #tpu.memory_space<vmem>>
    %dma_start3A_60 = tpu.memref_squeeze %dma_start3A_59 : memref<1x1x26x64xf32, #tpu.memory_space<vmem>> -> memref<26x64xf32, #tpu.memory_space<vmem>>
    %dma_start3A_61 = arith.constant 0 : i32
    %dma_start3A_62 = tpu.memref_slice %arg5[%dma_start3A_54, %dma_start3A_61] : memref<512x26xi32, #tpu.memory_space<vmem>> -> memref<1x26xi32, #tpu.memory_space<vmem>>
    %dma_start3A_63 = tpu.memref_squeeze %dma_start3A_62 : memref<1x26xi32, #tpu.memory_space<vmem>> -> memref<26xi32, #tpu.memory_space<vmem>>
    %dma_start3A_64 = arith.constant 0 : i32
    %dma_start3A_65 = arith.constant 0 : i32
    %dma_start3A_66 = tpu.memref_slice %arg3[%dma_start3A_64, %dma_start3A_65] : memref<2000000x64xf32, #tpu.memory_space<hbm>> -> memref<2000000x64xf32, #tpu.memory_space<hbm>>
    tpu.enqueue_indirect_dma source(%dma_start3A_66 : memref<2000000x64xf32, #tpu.memory_space<hbm>>) target(%dma_start3A_60 : memref<26x64xf32, #tpu.memory_space<vmem>>) offsets(%dma_start3A_63 : memref<26xi32, #tpu.memory_space<vmem>>) semaphore(%arg7 : memref<!tpu.dma_semaphore, #tpu.memory_space<semaphore_mem>>)
    %dma_start3A_67 = arith.constant 5 : i32
    %dma_start3A_68 = arith.constant 0 : i32
    %dma_start3A_69 = arith.constant 5 : i32
    %dma_start3A_70 = arith.constant 0 : i32
    %dma_start3A_71 = arith.constant 0 : i32
    %dma_start3A_72 = tpu.memref_slice %arg6[%dma_start3A_68, %dma_start3A_69, %dma_start3A_70, %dma_start3A_71] : memref<2x16x26x64xf32, #tpu.memory_space<vmem>> -> memref<1x1x26x64xf32, #tpu.memory_space<vmem>>
    %dma_start3A_73 = tpu.memref_squeeze %dma_start3A_72 : memref<1x1x26x64xf32, #tpu.memory_space<vmem>> -> memref<26x64xf32, #tpu.memory_space<vmem>>
    %dma_start3A_74 = arith.constant 0 : i32
    %dma_start3A_75 = tpu.memref_slice %arg5[%dma_start3A_67, %dma_start3A_74] : memref<512x26xi32, #tpu.memory_space<vmem>> -> memref<1x26xi32, #tpu.memory_space<vmem>>
    %dma_start3A_76 = tpu.memref_squeeze %dma_start3A_75 : memref<1x26xi32, #tpu.memory_space<vmem>> -> memref<26xi32, #tpu.memory_space<vmem>>
    %dma_start3A_77 = arith.constant 0 : i32
    %dma_start3A_78 = arith.constant 0 : i32
    %dma_start3A_79 = tpu.memref_slice %arg3[%dma_start3A_77, %dma_start3A_78] : memref<2000000x64xf32, #tpu.memory_space<hbm>> -> memref<2000000x64xf32, #tpu.memory_space<hbm>>
    tpu.enqueue_indirect_dma source(%dma_start3A_79 : memref<2000000x64xf32, #tpu.memory_space<hbm>>) target(%dma_start3A_73 : memref<26x64xf32, #tpu.memory_space<vmem>>) offsets(%dma_start3A_76 : memref<26xi32, #tpu.memory_space<vmem>>) semaphore(%arg7 : memref<!tpu.dma_semaphore, #tpu.memory_space<semaphore_mem>>)
    %dma_start3A_80 = arith.constant 6 : i32
    %dma_start3A_81 = arith.constant 0 : i32
    %dma_start3A_82 = arith.constant 6 : i32
    %dma_start3A_83 = arith.constant 0 : i32
    %dma_start3A_84 = arith.constant 0 : i32
    %dma_start3A_85 = tpu.memref_slice %arg6[%dma_start3A_81, %dma_start3A_82, %dma_start3A_83, %dma_start3A_84] : memref<2x16x26x64xf32, #tpu.memory_space<vmem>> -> memref<1x1x26x64xf32, #tpu.memory_space<vmem>>
    %dma_start3A_86 = tpu.memref_squeeze %dma_start3A_85 : memref<1x1x26x64xf32, #tpu.memory_space<vmem>> -> memref<26x64xf32, #tpu.memory_space<vmem>>
    %dma_start3A_87 = arith.constant 0 : i32
    %dma_start3A_88 = tpu.memref_slice %arg5[%dma_start3A_80, %dma_start3A_87] : memref<512x26xi32, #tpu.memory_space<vmem>> -> memref<1x26xi32, #tpu.memory_space<vmem>>
    %dma_start3A_89 = tpu.memref_squeeze %dma_start3A_88 : memref<1x26xi32, #tpu.memory_space<vmem>> -> memref<26xi32, #tpu.memory_space<vmem>>
    %dma_start3A_90 = arith.constant 0 : i32
    %dma_start3A_91 = arith.constant 0 : i32
    %dma_start3A_92 = tpu.memref_slice %arg3[%dma_start3A_90, %dma_start3A_91] : memref<2000000x64xf32, #tpu.memory_space<hbm>> -> memref<2000000x64xf32, #tpu.memory_space<hbm>>
    tpu.enqueue_indirect_dma source(%dma_start3A_92 : memref<2000000x64xf32, #tpu.memory_space<hbm>>) target(%dma_start3A_86 : memref<26x64xf32, #tpu.memory_space<vmem>>) offsets(%dma_start3A_89 : memref<26xi32, #tpu.memory_space<vmem>>) semaphore(%arg7 : memref<!tpu.dma_semaphore, #tpu.memory_space<semaphore_mem>>)
    %dma_start3A_93 = arith.constant 7 : i32
    %dma_start3A_94 = arith.constant 0 : i32
    %dma_start3A_95 = arith.constant 7 : i32
    %dma_start3A_96 = arith.constant 0 : i32
    %dma_start3A_97 = arith.constant 0 : i32
    %dma_start3A_98 = tpu.memref_slice %arg6[%dma_start3A_94, %dma_start3A_95, %dma_start3A_96, %dma_start3A_97] : memref<2x16x26x64xf32, #tpu.memory_space<vmem>> -> memref<1x1x26x64xf32, #tpu.memory_space<vmem>>
    %dma_start3A_99 = tpu.memref_squeeze %dma_start3A_98 : memref<1x1x26x64xf32, #tpu.memory_space<vmem>> -> memref<26x64xf32, #tpu.memory_space<vmem>>
    %dma_start3A_100 = arith.constant 0 : i32
    %dma_start3A_101 = tpu.memref_slice %arg5[%dma_start3A_93, %dma_start3A_100] : memref<512x26xi32, #tpu.memory_space<vmem>> -> memref<1x26xi32, #tpu.memory_space<vmem>>
    %dma_start3A_102 = tpu.memref_squeeze %dma_start3A_101 : memref<1x26xi32, #tpu.memory_space<vmem>> -> memref<26xi32, #tpu.memory_space<vmem>>
    %dma_start3A_103 = arith.constant 0 : i32
    %dma_start3A_104 = arith.constant 0 : i32
    %dma_start3A_105 = tpu.memref_slice %arg3[%dma_start3A_103, %dma_start3A_104] : memref<2000000x64xf32, #tpu.memory_space<hbm>> -> memref<2000000x64xf32, #tpu.memory_space<hbm>>
    tpu.enqueue_indirect_dma source(%dma_start3A_105 : memref<2000000x64xf32, #tpu.memory_space<hbm>>) target(%dma_start3A_99 : memref<26x64xf32, #tpu.memory_space<vmem>>) offsets(%dma_start3A_102 : memref<26xi32, #tpu.memory_space<vmem>>) semaphore(%arg7 : memref<!tpu.dma_semaphore, #tpu.memory_space<semaphore_mem>>)
    %dma_start3A_106 = arith.constant 8 : i32
    %dma_start3A_107 = arith.constant 0 : i32
    %dma_start3A_108 = arith.constant 8 : i32
    %dma_start3A_109 = arith.constant 0 : i32
    %dma_start3A_110 = arith.constant 0 : i32
    %dma_start3A_111 = tpu.memref_slice %arg6[%dma_start3A_107, %dma_start3A_108, %dma_start3A_109, %dma_start3A_110] : memref<2x16x26x64xf32, #tpu.memory_space<vmem>> -> memref<1x1x26x64xf32, #tpu.memory_space<vmem>>
    %dma_start3A_112 = tpu.memref_squeeze %dma_start3A_111 : memref<1x1x26x64xf32, #tpu.memory_space<vmem>> -> memref<26x64xf32, #tpu.memory_space<vmem>>
    %dma_start3A_113 = arith.constant 0 : i32
    %dma_start3A_114 = tpu.memref_slice %arg5[%dma_start3A_106, %dma_start3A_113] : memref<512x26xi32, #tpu.memory_space<vmem>> -> memref<1x26xi32, #tpu.memory_space<vmem>>
    %dma_start3A_115 = tpu.memref_squeeze %dma_start3A_114 : memref<1x26xi32, #tpu.memory_space<vmem>> -> memref<26xi32, #tpu.memory_space<vmem>>
    %dma_start3A_116 = arith.constant 0 : i32
    %dma_start3A_117 = arith.constant 0 : i32
    %dma_start3A_118 = tpu.memref_slice %arg3[%dma_start3A_116, %dma_start3A_117] : memref<2000000x64xf32, #tpu.memory_space<hbm>> -> memref<2000000x64xf32, #tpu.memory_space<hbm>>
    tpu.enqueue_indirect_dma source(%dma_start3A_118 : memref<2000000x64xf32, #tpu.memory_space<hbm>>) target(%dma_start3A_112 : memref<26x64xf32, #tpu.memory_space<vmem>>) offsets(%dma_start3A_115 : memref<26xi32, #tpu.memory_space<vmem>>) semaphore(%arg7 : memref<!tpu.dma_semaphore, #tpu.memory_space<semaphore_mem>>)
    %dma_start3A_119 = arith.constant 9 : i32
    %dma_start3A_120 = arith.constant 0 : i32
    %dma_start3A_121 = arith.constant 9 : i32
    %dma_start3A_122 = arith.constant 0 : i32
    %dma_start3A_123 = arith.constant 0 : i32
    %dma_start3A_124 = tpu.memref_slice %arg6[%dma_start3A_120, %dma_start3A_121, %dma_start3A_122, %dma_start3A_123] : memref<2x16x26x64xf32, #tpu.memory_space<vmem>> -> memref<1x1x26x64xf32, #tpu.memory_space<vmem>>
    %dma_start3A_125 = tpu.memref_squeeze %dma_start3A_124 : memref<1x1x26x64xf32, #tpu.memory_space<vmem>> -> memref<26x64xf32, #tpu.memory_space<vmem>>
    %dma_start3A_126 = arith.constant 0 : i32
    %dma_start3A_127 = tpu.memref_slice %arg5[%dma_start3A_119, %dma_start3A_126] : memref<512x26xi32, #tpu.memory_space<vmem>> -> memref<1x26xi32, #tpu.memory_space<vmem>>
    %dma_start3A_128 = tpu.memref_squeeze %dma_start3A_127 : memref<1x26xi32, #tpu.memory_space<vmem>> -> memref<26xi32, #tpu.memory_space<vmem>>
    %dma_start3A_129 = arith.constant 0 : i32
    %dma_start3A_130 = arith.constant 0 : i32
    %dma_start3A_131 = tpu.memref_slice %arg3[%dma_start3A_129, %dma_start3A_130] : memref<2000000x64xf32, #tpu.memory_space<hbm>> -> memref<2000000x64xf32, #tpu.memory_space<hbm>>
    tpu.enqueue_indirect_dma source(%dma_start3A_131 : memref<2000000x64xf32, #tpu.memory_space<hbm>>) target(%dma_start3A_125 : memref<26x64xf32, #tpu.memory_space<vmem>>) offsets(%dma_start3A_128 : memref<26xi32, #tpu.memory_space<vmem>>) semaphore(%arg7 : memref<!tpu.dma_semaphore, #tpu.memory_space<semaphore_mem>>)
    %dma_start3A_132 = arith.constant 10 : i32
    %dma_start3A_133 = arith.constant 0 : i32
    %dma_start3A_134 = arith.constant 10 : i32
    %dma_start3A_135 = arith.constant 0 : i32
    %dma_start3A_136 = arith.constant 0 : i32
    %dma_start3A_137 = tpu.memref_slice %arg6[%dma_start3A_133, %dma_start3A_134, %dma_start3A_135, %dma_start3A_136] : memref<2x16x26x64xf32, #tpu.memory_space<vmem>> -> memref<1x1x26x64xf32, #tpu.memory_space<vmem>>
    %dma_start3A_138 = tpu.memref_squeeze %dma_start3A_137 : memref<1x1x26x64xf32, #tpu.memory_space<vmem>> -> memref<26x64xf32, #tpu.memory_space<vmem>>
    %dma_start3A_139 = arith.constant 0 : i32
    %dma_start3A_140 = tpu.memref_slice %arg5[%dma_start3A_132, %dma_start3A_139] : memref<512x26xi32, #tpu.memory_space<vmem>> -> memref<1x26xi32, #tpu.memory_space<vmem>>
    %dma_start3A_141 = tpu.memref_squeeze %dma_start3A_140 : memref<1x26xi32, #tpu.memory_space<vmem>> -> memref<26xi32, #tpu.memory_space<vmem>>
    %dma_start3A_142 = arith.constant 0 : i32
    %dma_start3A_143 = arith.constant 0 : i32
    %dma_start3A_144 = tpu.memref_slice %arg3[%dma_start3A_142, %dma_start3A_143] : memref<2000000x64xf32, #tpu.memory_space<hbm>> -> memref<2000000x64xf32, #tpu.memory_space<hbm>>
    tpu.enqueue_indirect_dma source(%dma_start3A_144 : memref<2000000x64xf32, #tpu.memory_space<hbm>>) target(%dma_start3A_138 : memref<26x64xf32, #tpu.memory_space<vmem>>) offsets(%dma_start3A_141 : memref<26xi32, #tpu.memory_space<vmem>>) semaphore(%arg7 : memref<!tpu.dma_semaphore, #tpu.memory_space<semaphore_mem>>)
    %dma_start3A_145 = arith.constant 11 : i32
    %dma_start3A_146 = arith.constant 0 : i32
    %dma_start3A_147 = arith.constant 11 : i32
    %dma_start3A_148 = arith.constant 0 : i32
    %dma_start3A_149 = arith.constant 0 : i32
    %dma_start3A_150 = tpu.memref_slice %arg6[%dma_start3A_146, %dma_start3A_147, %dma_start3A_148, %dma_start3A_149] : memref<2x16x26x64xf32, #tpu.memory_space<vmem>> -> memref<1x1x26x64xf32, #tpu.memory_space<vmem>>
    %dma_start3A_151 = tpu.memref_squeeze %dma_start3A_150 : memref<1x1x26x64xf32, #tpu.memory_space<vmem>> -> memref<26x64xf32, #tpu.memory_space<vmem>>
    %dma_start3A_152 = arith.constant 0 : i32
    %dma_start3A_153 = tpu.memref_slice %arg5[%dma_start3A_145, %dma_start3A_152] : memref<512x26xi32, #tpu.memory_space<vmem>> -> memref<1x26xi32, #tpu.memory_space<vmem>>
    %dma_start3A_154 = tpu.memref_squeeze %dma_start3A_153 : memref<1x26xi32, #tpu.memory_space<vmem>> -> memref<26xi32, #tpu.memory_space<vmem>>
    %dma_start3A_155 = arith.constant 0 : i32
    %dma_start3A_156 = arith.constant 0 : i32
    %dma_start3A_157 = tpu.memref_slice %arg3[%dma_start3A_155, %dma_start3A_156] : memref<2000000x64xf32, #tpu.memory_space<hbm>> -> memref<2000000x64xf32, #tpu.memory_space<hbm>>
    tpu.enqueue_indirect_dma source(%dma_start3A_157 : memref<2000000x64xf32, #tpu.memory_space<hbm>>) target(%dma_start3A_151 : memref<26x64xf32, #tpu.memory_space<vmem>>) offsets(%dma_start3A_154 : memref<26xi32, #tpu.memory_space<vmem>>) semaphore(%arg7 : memref<!tpu.dma_semaphore, #tpu.memory_space<semaphore_mem>>)
    %dma_start3A_158 = arith.constant 12 : i32
    %dma_start3A_159 = arith.constant 0 : i32
    %dma_start3A_160 = arith.constant 12 : i32
    %dma_start3A_161 = arith.constant 0 : i32
    %dma_start3A_162 = arith.constant 0 : i32
    %dma_start3A_163 = tpu.memref_slice %arg6[%dma_start3A_159, %dma_start3A_160, %dma_start3A_161, %dma_start3A_162] : memref<2x16x26x64xf32, #tpu.memory_space<vmem>> -> memref<1x1x26x64xf32, #tpu.memory_space<vmem>>
    %dma_start3A_164 = tpu.memref_squeeze %dma_start3A_163 : memref<1x1x26x64xf32, #tpu.memory_space<vmem>> -> memref<26x64xf32, #tpu.memory_space<vmem>>
    %dma_start3A_165 = arith.constant 0 : i32
    %dma_start3A_166 = tpu.memref_slice %arg5[%dma_start3A_158, %dma_start3A_165] : memref<512x26xi32, #tpu.memory_space<vmem>> -> memref<1x26xi32, #tpu.memory_space<vmem>>
    %dma_start3A_167 = tpu.memref_squeeze %dma_start3A_166 : memref<1x26xi32, #tpu.memory_space<vmem>> -> memref<26xi32, #tpu.memory_space<vmem>>
    %dma_start3A_168 = arith.constant 0 : i32
    %dma_start3A_169 = arith.constant 0 : i32
    %dma_start3A_170 = tpu.memref_slice %arg3[%dma_start3A_168, %dma_start3A_169] : memref<2000000x64xf32, #tpu.memory_space<hbm>> -> memref<2000000x64xf32, #tpu.memory_space<hbm>>
    tpu.enqueue_indirect_dma source(%dma_start3A_170 : memref<2000000x64xf32, #tpu.memory_space<hbm>>) target(%dma_start3A_164 : memref<26x64xf32, #tpu.memory_space<vmem>>) offsets(%dma_start3A_167 : memref<26xi32, #tpu.memory_space<vmem>>) semaphore(%arg7 : memref<!tpu.dma_semaphore, #tpu.memory_space<semaphore_mem>>)
    %dma_start3A_171 = arith.constant 13 : i32
    %dma_start3A_172 = arith.constant 0 : i32
    %dma_start3A_173 = arith.constant 13 : i32
    %dma_start3A_174 = arith.constant 0 : i32
    %dma_start3A_175 = arith.constant 0 : i32
    %dma_start3A_176 = tpu.memref_slice %arg6[%dma_start3A_172, %dma_start3A_173, %dma_start3A_174, %dma_start3A_175] : memref<2x16x26x64xf32, #tpu.memory_space<vmem>> -> memref<1x1x26x64xf32, #tpu.memory_space<vmem>>
    %dma_start3A_177 = tpu.memref_squeeze %dma_start3A_176 : memref<1x1x26x64xf32, #tpu.memory_space<vmem>> -> memref<26x64xf32, #tpu.memory_space<vmem>>
    %dma_start3A_178 = arith.constant 0 : i32
    %dma_start3A_179 = tpu.memref_slice %arg5[%dma_start3A_171, %dma_start3A_178] : memref<512x26xi32, #tpu.memory_space<vmem>> -> memref<1x26xi32, #tpu.memory_space<vmem>>
    %dma_start3A_180 = tpu.memref_squeeze %dma_start3A_179 : memref<1x26xi32, #tpu.memory_space<vmem>> -> memref<26xi32, #tpu.memory_space<vmem>>
    %dma_start3A_181 = arith.constant 0 : i32
    %dma_start3A_182 = arith.constant 0 : i32
    %dma_start3A_183 = tpu.memref_slice %arg3[%dma_start3A_181, %dma_start3A_182] : memref<2000000x64xf32, #tpu.memory_space<hbm>> -> memref<2000000x64xf32, #tpu.memory_space<hbm>>
    tpu.enqueue_indirect_dma source(%dma_start3A_183 : memref<2000000x64xf32, #tpu.memory_space<hbm>>) target(%dma_start3A_177 : memref<26x64xf32, #tpu.memory_space<vmem>>) offsets(%dma_start3A_180 : memref<26xi32, #tpu.memory_space<vmem>>) semaphore(%arg7 : memref<!tpu.dma_semaphore, #tpu.memory_space<semaphore_mem>>)
    %dma_start3A_184 = arith.constant 14 : i32
    %dma_start3A_185 = arith.constant 0 : i32
    %dma_start3A_186 = arith.constant 14 : i32
    %dma_start3A_187 = arith.constant 0 : i32
    %dma_start3A_188 = arith.constant 0 : i32
    %dma_start3A_189 = tpu.memref_slice %arg6[%dma_start3A_185, %dma_start3A_186, %dma_start3A_187, %dma_start3A_188] : memref<2x16x26x64xf32, #tpu.memory_space<vmem>> -> memref<1x1x26x64xf32, #tpu.memory_space<vmem>>
    %dma_start3A_190 = tpu.memref_squeeze %dma_start3A_189 : memref<1x1x26x64xf32, #tpu.memory_space<vmem>> -> memref<26x64xf32, #tpu.memory_space<vmem>>
    %dma_start3A_191 = arith.constant 0 : i32
    %dma_start3A_192 = tpu.memref_slice %arg5[%dma_start3A_184, %dma_start3A_191] : memref<512x26xi32, #tpu.memory_space<vmem>> -> memref<1x26xi32, #tpu.memory_space<vmem>>
    %dma_start3A_193 = tpu.memref_squeeze %dma_start3A_192 : memref<1x26xi32, #tpu.memory_space<vmem>> -> memref<26xi32, #tpu.memory_space<vmem>>
    %dma_start3A_194 = arith.constant 0 : i32
    %dma_start3A_195 = arith.constant 0 : i32
    %dma_start3A_196 = tpu.memref_slice %arg3[%dma_start3A_194, %dma_start3A_195] : memref<2000000x64xf32, #tpu.memory_space<hbm>> -> memref<2000000x64xf32, #tpu.memory_space<hbm>>
    tpu.enqueue_indirect_dma source(%dma_start3A_196 : memref<2000000x64xf32, #tpu.memory_space<hbm>>) target(%dma_start3A_190 : memref<26x64xf32, #tpu.memory_space<vmem>>) offsets(%dma_start3A_193 : memref<26xi32, #tpu.memory_space<vmem>>) semaphore(%arg7 : memref<!tpu.dma_semaphore, #tpu.memory_space<semaphore_mem>>)
    %dma_start3A_197 = arith.constant 15 : i32
    %dma_start3A_198 = arith.constant 0 : i32
    %dma_start3A_199 = arith.constant 15 : i32
    %dma_start3A_200 = arith.constant 0 : i32
    %dma_start3A_201 = arith.constant 0 : i32
    %dma_start3A_202 = tpu.memref_slice %arg6[%dma_start3A_198, %dma_start3A_199, %dma_start3A_200, %dma_start3A_201] : memref<2x16x26x64xf32, #tpu.memory_space<vmem>> -> memref<1x1x26x64xf32, #tpu.memory_space<vmem>>
    %dma_start3A_203 = tpu.memref_squeeze %dma_start3A_202 : memref<1x1x26x64xf32, #tpu.memory_space<vmem>> -> memref<26x64xf32, #tpu.memory_space<vmem>>
    %dma_start3A_204 = arith.constant 0 : i32
    %dma_start3A_205 = tpu.memref_slice %arg5[%dma_start3A_197, %dma_start3A_204] : memref<512x26xi32, #tpu.memory_space<vmem>> -> memref<1x26xi32, #tpu.memory_space<vmem>>
    %dma_start3A_206 = tpu.memref_squeeze %dma_start3A_205 : memref<1x26xi32, #tpu.memory_space<vmem>> -> memref<26xi32, #tpu.memory_space<vmem>>
    %dma_start3A_207 = arith.constant 0 : i32
    %dma_start3A_208 = arith.constant 0 : i32
    %dma_start3A_209 = tpu.memref_slice %arg3[%dma_start3A_207, %dma_start3A_208] : memref<2000000x64xf32, #tpu.memory_space<hbm>> -> memref<2000000x64xf32, #tpu.memory_space<hbm>>
    tpu.enqueue_indirect_dma source(%dma_start3A_209 : memref<2000000x64xf32, #tpu.memory_space<hbm>>) target(%dma_start3A_203 : memref<26x64xf32, #tpu.memory_space<vmem>>) offsets(%dma_start3A_206 : memref<26xi32, #tpu.memory_space<vmem>>) semaphore(%arg7 : memref<!tpu.dma_semaphore, #tpu.memory_space<semaphore_mem>>)
    %scan3A = arith.constant 0 : i32
    %scan3A_210 = arith.constant 0 : i32
    %scan3A_211 = arith.constant 16 : i32
    %scan3A_212 = arith.addi %scan3A_210, %scan3A_211 : i32
    %scan3A_213 = arith.constant 1 : i32
    %scan3A_214 = scf.for %scan3A_216 = %scan3A_210 to %scan3A_212 step %scan3A_213 iter_args(%scan3A_217 = %scan3A) -> (i32)  : i32 {
      %mul3A_218 = arith.constant 2 : i32
      %mul3A_219 = arith.muli %mul3A_218, %scan3A_216 : i32
      %mul3A_220 = arith.constant 2 : i32
      %mul3A_221 = arith.muli %mul3A_220, %scan3A_216 : i32
      %add3A_222 = arith.constant 1 : i32
      %add3A_223 = arith.addi %mul3A_221, %add3A_222 : i32
      %mul3A_224 = arith.constant 16 : i32
      %mul3A_225 = arith.muli %add3A_223, %mul3A_224 : i32
      %add3A_226 = arith.constant 0 : i32
      %add3A_227 = arith.addi %mul3A_225, %add3A_226 : i32
      %dma_start3A_228 = arith.constant 1 : i32
      %dma_start3A_229 = arith.constant 0 : i32
      %dma_start3A_230 = arith.constant 0 : i32
      %dma_start3A_231 = arith.constant 0 : i32
      %dma_start3A_232 = tpu.memref_slice %arg6[%dma_start3A_228, %dma_start3A_229, %dma_start3A_230, %dma_start3A_231] : memref<2x16x26x64xf32, #tpu.memory_space<vmem>> -> memref<1x1x26x64xf32, #tpu.memory_space<vmem>>
      %dma_start3A_233 = tpu.memref_squeeze %dma_start3A_232 : memref<1x1x26x64xf32, #tpu.memory_space<vmem>> -> memref<26x64xf32, #tpu.memory_space<vmem>>
      %dma_start3A_234 = arith.constant 0 : i32
      %dma_start3A_235 = tpu.memref_slice %arg5[%add3A_227, %dma_start3A_234] : memref<512x26xi32, #tpu.memory_space<vmem>> -> memref<1x26xi32, #tpu.memory_space<vmem>>
      %dma_start3A_236 = tpu.memref_squeeze %dma_start3A_235 : memref<1x26xi32, #tpu.memory_space<vmem>> -> memref<26xi32, #tpu.memory_space<vmem>>
      %dma_start3A_237 = arith.constant 0 : i32
      %dma_start3A_238 = arith.constant 0 : i32
      %dma_start3A_239 = tpu.memref_slice %arg3[%dma_start3A_237, %dma_start3A_238] : memref<2000000x64xf32, #tpu.memory_space<hbm>> -> memref<2000000x64xf32, #tpu.memory_space<hbm>>
      tpu.enqueue_indirect_dma source(%dma_start3A_239 : memref<2000000x64xf32, #tpu.memory_space<hbm>>) target(%dma_start3A_233 : memref<26x64xf32, #tpu.memory_space<vmem>>) offsets(%dma_start3A_236 : memref<26xi32, #tpu.memory_space<vmem>>) semaphore(%arg8 : memref<!tpu.dma_semaphore, #tpu.memory_space<semaphore_mem>>)
      %add3A_240 = arith.constant 1 : i32
      %add3A_241 = arith.addi %mul3A_225, %add3A_240 : i32
      %dma_start3A_242 = arith.constant 1 : i32
      %dma_start3A_243 = arith.constant 1 : i32
      %dma_start3A_244 = arith.constant 0 : i32
      %dma_start3A_245 = arith.constant 0 : i32
      %dma_start3A_246 = tpu.memref_slice %arg6[%dma_start3A_242, %dma_start3A_243, %dma_start3A_244, %dma_start3A_245] : memref<2x16x26x64xf32, #tpu.memory_space<vmem>> -> memref<1x1x26x64xf32, #tpu.memory_space<vmem>>
      %dma_start3A_247 = tpu.memref_squeeze %dma_start3A_246 : memref<1x1x26x64xf32, #tpu.memory_space<vmem>> -> memref<26x64xf32, #tpu.memory_space<vmem>>
      %dma_start3A_248 = arith.constant 0 : i32
      %dma_start3A_249 = tpu.memref_slice %arg5[%add3A_241, %dma_start3A_248] : memref<512x26xi32, #tpu.memory_space<vmem>> -> memref<1x26xi32, #tpu.memory_space<vmem>>
      %dma_start3A_250 = tpu.memref_squeeze %dma_start3A_249 : memref<1x26xi32, #tpu.memory_space<vmem>> -> memref<26xi32, #tpu.memory_space<vmem>>
      %dma_start3A_251 = arith.constant 0 : i32
      %dma_start3A_252 = arith.constant 0 : i32
      %dma_start3A_253 = tpu.memref_slice %arg3[%dma_start3A_251, %dma_start3A_252] : memref<2000000x64xf32, #tpu.memory_space<hbm>> -> memref<2000000x64xf32, #tpu.memory_space<hbm>>
      tpu.enqueue_indirect_dma source(%dma_start3A_253 : memref<2000000x64xf32, #tpu.memory_space<hbm>>) target(%dma_start3A_247 : memref<26x64xf32, #tpu.memory_space<vmem>>) offsets(%dma_start3A_250 : memref<26xi32, #tpu.memory_space<vmem>>) semaphore(%arg8 : memref<!tpu.dma_semaphore, #tpu.memory_space<semaphore_mem>>)
      %add3A_254 = arith.constant 2 : i32
      %add3A_255 = arith.addi %mul3A_225, %add3A_254 : i32
      %dma_start3A_256 = arith.constant 1 : i32
      %dma_start3A_257 = arith.constant 2 : i32
      %dma_start3A_258 = arith.constant 0 : i32
      %dma_start3A_259 = arith.constant 0 : i32
      %dma_start3A_260 = tpu.memref_slice %arg6[%dma_start3A_256, %dma_start3A_257, %dma_start3A_258, %dma_start3A_259] : memref<2x16x26x64xf32, #tpu.memory_space<vmem>> -> memref<1x1x26x64xf32, #tpu.memory_space<vmem>>
      %dma_start3A_261 = tpu.memref_squeeze %dma_start3A_260 : memref<1x1x26x64xf32, #tpu.memory_space<vmem>> -> memref<26x64xf32, #tpu.memory_space<vmem>>
      %dma_start3A_262 = arith.constant 0 : i32
      %dma_start3A_263 = tpu.memref_slice %arg5[%add3A_255, %dma_start3A_262] : memref<512x26xi32, #tpu.memory_space<vmem>> -> memref<1x26xi32, #tpu.memory_space<vmem>>
      %dma_start3A_264 = tpu.memref_squeeze %dma_start3A_263 : memref<1x26xi32, #tpu.memory_space<vmem>> -> memref<26xi32, #tpu.memory_space<vmem>>
      %dma_start3A_265 = arith.constant 0 : i32
      %dma_start3A_266 = arith.constant 0 : i32
      %dma_start3A_267 = tpu.memref_slice %arg3[%dma_start3A_265, %dma_start3A_266] : memref<2000000x64xf32, #tpu.memory_space<hbm>> -> memref<2000000x64xf32, #tpu.memory_space<hbm>>
      tpu.enqueue_indirect_dma source(%dma_start3A_267 : memref<2000000x64xf32, #tpu.memory_space<hbm>>) target(%dma_start3A_261 : memref<26x64xf32, #tpu.memory_space<vmem>>) offsets(%dma_start3A_264 : memref<26xi32, #tpu.memory_space<vmem>>) semaphore(%arg8 : memref<!tpu.dma_semaphore, #tpu.memory_space<semaphore_mem>>)
      %add3A_268 = arith.constant 3 : i32
      %add3A_269 = arith.addi %mul3A_225, %add3A_268 : i32
      %dma_start3A_270 = arith.constant 1 : i32
      %dma_start3A_271 = arith.constant 3 : i32
      %dma_start3A_272 = arith.constant 0 : i32
      %dma_start3A_273 = arith.constant 0 : i32
      %dma_start3A_274 = tpu.memref_slice %arg6[%dma_start3A_270, %dma_start3A_271, %dma_start3A_272, %dma_start3A_273] : memref<2x16x26x64xf32, #tpu.memory_space<vmem>> -> memref<1x1x26x64xf32, #tpu.memory_space<vmem>>
      %dma_start3A_275 = tpu.memref_squeeze %dma_start3A_274 : memref<1x1x26x64xf32, #tpu.memory_space<vmem>> -> memref<26x64xf32, #tpu.memory_space<vmem>>
      %dma_start3A_276 = arith.constant 0 : i32
      %dma_start3A_277 = tpu.memref_slice %arg5[%add3A_269, %dma_start3A_276] : memref<512x26xi32, #tpu.memory_space<vmem>> -> memref<1x26xi32, #tpu.memory_space<vmem>>
      %dma_start3A_278 = tpu.memref_squeeze %dma_start3A_277 : memref<1x26xi32, #tpu.memory_space<vmem>> -> memref<26xi32, #tpu.memory_space<vmem>>
      %dma_start3A_279 = arith.constant 0 : i32
      %dma_start3A_280 = arith.constant 0 : i32
      %dma_start3A_281 = tpu.memref_slice %arg3[%dma_start3A_279, %dma_start3A_280] : memref<2000000x64xf32, #tpu.memory_space<hbm>> -> memref<2000000x64xf32, #tpu.memory_space<hbm>>
      tpu.enqueue_indirect_dma source(%dma_start3A_281 : memref<2000000x64xf32, #tpu.memory_space<hbm>>) target(%dma_start3A_275 : memref<26x64xf32, #tpu.memory_space<vmem>>) offsets(%dma_start3A_278 : memref<26xi32, #tpu.memory_space<vmem>>) semaphore(%arg8 : memref<!tpu.dma_semaphore, #tpu.memory_space<semaphore_mem>>)
      %add3A_282 = arith.constant 4 : i32
      %add3A_283 = arith.addi %mul3A_225, %add3A_282 : i32
      %dma_start3A_284 = arith.constant 1 : i32
      %dma_start3A_285 = arith.constant 4 : i32
      %dma_start3A_286 = arith.constant 0 : i32
      %dma_start3A_287 = arith.constant 0 : i32
      %dma_start3A_288 = tpu.memref_slice %arg6[%dma_start3A_284, %dma_start3A_285, %dma_start3A_286, %dma_start3A_287] : memref<2x16x26x64xf32, #tpu.memory_space<vmem>> -> memref<1x1x26x64xf32, #tpu.memory_space<vmem>>
      %dma_start3A_289 = tpu.memref_squeeze %dma_start3A_288 : memref<1x1x26x64xf32, #tpu.memory_space<vmem>> -> memref<26x64xf32, #tpu.memory_space<vmem>>
      %dma_start3A_290 = arith.constant 0 : i32
      %dma_start3A_291 = tpu.memref_slice %arg5[%add3A_283, %dma_start3A_290] : memref<512x26xi32, #tpu.memory_space<vmem>> -> memref<1x26xi32, #tpu.memory_space<vmem>>
      %dma_start3A_292 = tpu.memref_squeeze %dma_start3A_291 : memref<1x26xi32, #tpu.memory_space<vmem>> -> memref<26xi32, #tpu.memory_space<vmem>>
      %dma_start3A_293 = arith.constant 0 : i32
      %dma_start3A_294 = arith.constant 0 : i32
      %dma_start3A_295 = tpu.memref_slice %arg3[%dma_start3A_293, %dma_start3A_294] : memref<2000000x64xf32, #tpu.memory_space<hbm>> -> memref<2000000x64xf32, #tpu.memory_space<hbm>>
      tpu.enqueue_indirect_dma source(%dma_start3A_295 : memref<2000000x64xf32, #tpu.memory_space<hbm>>) target(%dma_start3A_289 : memref<26x64xf32, #tpu.memory_space<vmem>>) offsets(%dma_start3A_292 : memref<26xi32, #tpu.memory_space<vmem>>) semaphore(%arg8 : memref<!tpu.dma_semaphore, #tpu.memory_space<semaphore_mem>>)
      %add3A_296 = arith.constant 5 : i32
      %add3A_297 = arith.addi %mul3A_225, %add3A_296 : i32
      %dma_start3A_298 = arith.constant 1 : i32
      %dma_start3A_299 = arith.constant 5 : i32
      %dma_start3A_300 = arith.constant 0 : i32
      %dma_start3A_301 = arith.constant 0 : i32
      %dma_start3A_302 = tpu.memref_slice %arg6[%dma_start3A_298, %dma_start3A_299, %dma_start3A_300, %dma_start3A_301] : memref<2x16x26x64xf32, #tpu.memory_space<vmem>> -> memref<1x1x26x64xf32, #tpu.memory_space<vmem>>
      %dma_start3A_303 = tpu.memref_squeeze %dma_start3A_302 : memref<1x1x26x64xf32, #tpu.memory_space<vmem>> -> memref<26x64xf32, #tpu.memory_space<vmem>>
      %dma_start3A_304 = arith.constant 0 : i32
      %dma_start3A_305 = tpu.memref_slice %arg5[%add3A_297, %dma_start3A_304] : memref<512x26xi32, #tpu.memory_space<vmem>> -> memref<1x26xi32, #tpu.memory_space<vmem>>
      %dma_start3A_306 = tpu.memref_squeeze %dma_start3A_305 : memref<1x26xi32, #tpu.memory_space<vmem>> -> memref<26xi32, #tpu.memory_space<vmem>>
      %dma_start3A_307 = arith.constant 0 : i32
      %dma_start3A_308 = arith.constant 0 : i32
      %dma_start3A_309 = tpu.memref_slice %arg3[%dma_start3A_307, %dma_start3A_308] : memref<2000000x64xf32, #tpu.memory_space<hbm>> -> memref<2000000x64xf32, #tpu.memory_space<hbm>>
      tpu.enqueue_indirect_dma source(%dma_start3A_309 : memref<2000000x64xf32, #tpu.memory_space<hbm>>) target(%dma_start3A_303 : memref<26x64xf32, #tpu.memory_space<vmem>>) offsets(%dma_start3A_306 : memref<26xi32, #tpu.memory_space<vmem>>) semaphore(%arg8 : memref<!tpu.dma_semaphore, #tpu.memory_space<semaphore_mem>>)
      %add3A_310 = arith.constant 6 : i32
      %add3A_311 = arith.addi %mul3A_225, %add3A_310 : i32
      %dma_start3A_312 = arith.constant 1 : i32
      %dma_start3A_313 = arith.constant 6 : i32
      %dma_start3A_314 = arith.constant 0 : i32
      %dma_start3A_315 = arith.constant 0 : i32
      %dma_start3A_316 = tpu.memref_slice %arg6[%dma_start3A_312, %dma_start3A_313, %dma_start3A_314, %dma_start3A_315] : memref<2x16x26x64xf32, #tpu.memory_space<vmem>> -> memref<1x1x26x64xf32, #tpu.memory_space<vmem>>
      %dma_start3A_317 = tpu.memref_squeeze %dma_start3A_316 : memref<1x1x26x64xf32, #tpu.memory_space<vmem>> -> memref<26x64xf32, #tpu.memory_space<vmem>>
      %dma_start3A_318 = arith.constant 0 : i32
      %dma_start3A_319 = tpu.memref_slice %arg5[%add3A_311, %dma_start3A_318] : memref<512x26xi32, #tpu.memory_space<vmem>> -> memref<1x26xi32, #tpu.memory_space<vmem>>
      %dma_start3A_320 = tpu.memref_squeeze %dma_start3A_319 : memref<1x26xi32, #tpu.memory_space<vmem>> -> memref<26xi32, #tpu.memory_space<vmem>>
      %dma_start3A_321 = arith.constant 0 : i32
      %dma_start3A_322 = arith.constant 0 : i32
      %dma_start3A_323 = tpu.memref_slice %arg3[%dma_start3A_321, %dma_start3A_322] : memref<2000000x64xf32, #tpu.memory_space<hbm>> -> memref<2000000x64xf32, #tpu.memory_space<hbm>>
      tpu.enqueue_indirect_dma source(%dma_start3A_323 : memref<2000000x64xf32, #tpu.memory_space<hbm>>) target(%dma_start3A_317 : memref<26x64xf32, #tpu.memory_space<vmem>>) offsets(%dma_start3A_320 : memref<26xi32, #tpu.memory_space<vmem>>) semaphore(%arg8 : memref<!tpu.dma_semaphore, #tpu.memory_space<semaphore_mem>>)
      %add3A_324 = arith.constant 7 : i32
      %add3A_325 = arith.addi %mul3A_225, %add3A_324 : i32
      %dma_start3A_326 = arith.constant 1 : i32
      %dma_start3A_327 = arith.constant 7 : i32
      %dma_start3A_328 = arith.constant 0 : i32
      %dma_start3A_329 = arith.constant 0 : i32
      %dma_start3A_330 = tpu.memref_slice %arg6[%dma_start3A_326, %dma_start3A_327, %dma_start3A_328, %dma_start3A_329] : memref<2x16x26x64xf32, #tpu.memory_space<vmem>> -> memref<1x1x26x64xf32, #tpu.memory_space<vmem>>
      %dma_start3A_331 = tpu.memref_squeeze %dma_start3A_330 : memref<1x1x26x64xf32, #tpu.memory_space<vmem>> -> memref<26x64xf32, #tpu.memory_space<vmem>>
      %dma_start3A_332 = arith.constant 0 : i32
      %dma_start3A_333 = tpu.memref_slice %arg5[%add3A_325, %dma_start3A_332] : memref<512x26xi32, #tpu.memory_space<vmem>> -> memref<1x26xi32, #tpu.memory_space<vmem>>
      %dma_start3A_334 = tpu.memref_squeeze %dma_start3A_333 : memref<1x26xi32, #tpu.memory_space<vmem>> -> memref<26xi32, #tpu.memory_space<vmem>>
      %dma_start3A_335 = arith.constant 0 : i32
      %dma_start3A_336 = arith.constant 0 : i32
      %dma_start3A_337 = tpu.memref_slice %arg3[%dma_start3A_335, %dma_start3A_336] : memref<2000000x64xf32, #tpu.memory_space<hbm>> -> memref<2000000x64xf32, #tpu.memory_space<hbm>>
      tpu.enqueue_indirect_dma source(%dma_start3A_337 : memref<2000000x64xf32, #tpu.memory_space<hbm>>) target(%dma_start3A_331 : memref<26x64xf32, #tpu.memory_space<vmem>>) offsets(%dma_start3A_334 : memref<26xi32, #tpu.memory_space<vmem>>) semaphore(%arg8 : memref<!tpu.dma_semaphore, #tpu.memory_space<semaphore_mem>>)
      %add3A_338 = arith.constant 8 : i32
      %add3A_339 = arith.addi %mul3A_225, %add3A_338 : i32
      %dma_start3A_340 = arith.constant 1 : i32
      %dma_start3A_341 = arith.constant 8 : i32
      %dma_start3A_342 = arith.constant 0 : i32
      %dma_start3A_343 = arith.constant 0 : i32
      %dma_start3A_344 = tpu.memref_slice %arg6[%dma_start3A_340, %dma_start3A_341, %dma_start3A_342, %dma_start3A_343] : memref<2x16x26x64xf32, #tpu.memory_space<vmem>> -> memref<1x1x26x64xf32, #tpu.memory_space<vmem>>
      %dma_start3A_345 = tpu.memref_squeeze %dma_start3A_344 : memref<1x1x26x64xf32, #tpu.memory_space<vmem>> -> memref<26x64xf32, #tpu.memory_space<vmem>>
      %dma_start3A_346 = arith.constant 0 : i32
      %dma_start3A_347 = tpu.memref_slice %arg5[%add3A_339, %dma_start3A_346] : memref<512x26xi32, #tpu.memory_space<vmem>> -> memref<1x26xi32, #tpu.memory_space<vmem>>
      %dma_start3A_348 = tpu.memref_squeeze %dma_start3A_347 : memref<1x26xi32, #tpu.memory_space<vmem>> -> memref<26xi32, #tpu.memory_space<vmem>>
      %dma_start3A_349 = arith.constant 0 : i32
      %dma_start3A_350 = arith.constant 0 : i32
      %dma_start3A_351 = tpu.memref_slice %arg3[%dma_start3A_349, %dma_start3A_350] : memref<2000000x64xf32, #tpu.memory_space<hbm>> -> memref<2000000x64xf32, #tpu.memory_space<hbm>>
      tpu.enqueue_indirect_dma source(%dma_start3A_351 : memref<2000000x64xf32, #tpu.memory_space<hbm>>) target(%dma_start3A_345 : memref<26x64xf32, #tpu.memory_space<vmem>>) offsets(%dma_start3A_348 : memref<26xi32, #tpu.memory_space<vmem>>) semaphore(%arg8 : memref<!tpu.dma_semaphore, #tpu.memory_space<semaphore_mem>>)
      %add3A_352 = arith.constant 9 : i32
      %add3A_353 = arith.addi %mul3A_225, %add3A_352 : i32
      %dma_start3A_354 = arith.constant 1 : i32
      %dma_start3A_355 = arith.constant 9 : i32
      %dma_start3A_356 = arith.constant 0 : i32
      %dma_start3A_357 = arith.constant 0 : i32
      %dma_start3A_358 = tpu.memref_slice %arg6[%dma_start3A_354, %dma_start3A_355, %dma_start3A_356, %dma_start3A_357] : memref<2x16x26x64xf32, #tpu.memory_space<vmem>> -> memref<1x1x26x64xf32, #tpu.memory_space<vmem>>
      %dma_start3A_359 = tpu.memref_squeeze %dma_start3A_358 : memref<1x1x26x64xf32, #tpu.memory_space<vmem>> -> memref<26x64xf32, #tpu.memory_space<vmem>>
      %dma_start3A_360 = arith.constant 0 : i32
      %dma_start3A_361 = tpu.memref_slice %arg5[%add3A_353, %dma_start3A_360] : memref<512x26xi32, #tpu.memory_space<vmem>> -> memref<1x26xi32, #tpu.memory_space<vmem>>
      %dma_start3A_362 = tpu.memref_squeeze %dma_start3A_361 : memref<1x26xi32, #tpu.memory_space<vmem>> -> memref<26xi32, #tpu.memory_space<vmem>>
      %dma_start3A_363 = arith.constant 0 : i32
      %dma_start3A_364 = arith.constant 0 : i32
      %dma_start3A_365 = tpu.memref_slice %arg3[%dma_start3A_363, %dma_start3A_364] : memref<2000000x64xf32, #tpu.memory_space<hbm>> -> memref<2000000x64xf32, #tpu.memory_space<hbm>>
      tpu.enqueue_indirect_dma source(%dma_start3A_365 : memref<2000000x64xf32, #tpu.memory_space<hbm>>) target(%dma_start3A_359 : memref<26x64xf32, #tpu.memory_space<vmem>>) offsets(%dma_start3A_362 : memref<26xi32, #tpu.memory_space<vmem>>) semaphore(%arg8 : memref<!tpu.dma_semaphore, #tpu.memory_space<semaphore_mem>>)
      %add3A_366 = arith.constant 10 : i32
      %add3A_367 = arith.addi %mul3A_225, %add3A_366 : i32
      %dma_start3A_368 = arith.constant 1 : i32
      %dma_start3A_369 = arith.constant 10 : i32
      %dma_start3A_370 = arith.constant 0 : i32
      %dma_start3A_371 = arith.constant 0 : i32
      %dma_start3A_372 = tpu.memref_slice %arg6[%dma_start3A_368, %dma_start3A_369, %dma_start3A_370, %dma_start3A_371] : memref<2x16x26x64xf32, #tpu.memory_space<vmem>> -> memref<1x1x26x64xf32, #tpu.memory_space<vmem>>
      %dma_start3A_373 = tpu.memref_squeeze %dma_start3A_372 : memref<1x1x26x64xf32, #tpu.memory_space<vmem>> -> memref<26x64xf32, #tpu.memory_space<vmem>>
      %dma_start3A_374 = arith.constant 0 : i32
      %dma_start3A_375 = tpu.memref_slice %arg5[%add3A_367, %dma_start3A_374] : memref<512x26xi32, #tpu.memory_space<vmem>> -> memref<1x26xi32, #tpu.memory_space<vmem>>
      %dma_start3A_376 = tpu.memref_squeeze %dma_start3A_375 : memref<1x26xi32, #tpu.memory_space<vmem>> -> memref<26xi32, #tpu.memory_space<vmem>>
      %dma_start3A_377 = arith.constant 0 : i32
      %dma_start3A_378 = arith.constant 0 : i32
      %dma_start3A_379 = tpu.memref_slice %arg3[%dma_start3A_377, %dma_start3A_378] : memref<2000000x64xf32, #tpu.memory_space<hbm>> -> memref<2000000x64xf32, #tpu.memory_space<hbm>>
      tpu.enqueue_indirect_dma source(%dma_start3A_379 : memref<2000000x64xf32, #tpu.memory_space<hbm>>) target(%dma_start3A_373 : memref<26x64xf32, #tpu.memory_space<vmem>>) offsets(%dma_start3A_376 : memref<26xi32, #tpu.memory_space<vmem>>) semaphore(%arg8 : memref<!tpu.dma_semaphore, #tpu.memory_space<semaphore_mem>>)
      %add3A_380 = arith.constant 11 : i32
      %add3A_381 = arith.addi %mul3A_225, %add3A_380 : i32
      %dma_start3A_382 = arith.constant 1 : i32
      %dma_start3A_383 = arith.constant 11 : i32
      %dma_start3A_384 = arith.constant 0 : i32
      %dma_start3A_385 = arith.constant 0 : i32
      %dma_start3A_386 = tpu.memref_slice %arg6[%dma_start3A_382, %dma_start3A_383, %dma_start3A_384, %dma_start3A_385] : memref<2x16x26x64xf32, #tpu.memory_space<vmem>> -> memref<1x1x26x64xf32, #tpu.memory_space<vmem>>
      %dma_start3A_387 = tpu.memref_squeeze %dma_start3A_386 : memref<1x1x26x64xf32, #tpu.memory_space<vmem>> -> memref<26x64xf32, #tpu.memory_space<vmem>>
      %dma_start3A_388 = arith.constant 0 : i32
      %dma_start3A_389 = tpu.memref_slice %arg5[%add3A_381, %dma_start3A_388] : memref<512x26xi32, #tpu.memory_space<vmem>> -> memref<1x26xi32, #tpu.memory_space<vmem>>
      %dma_start3A_390 = tpu.memref_squeeze %dma_start3A_389 : memref<1x26xi32, #tpu.memory_space<vmem>> -> memref<26xi32, #tpu.memory_space<vmem>>
      %dma_start3A_391 = arith.constant 0 : i32
      %dma_start3A_392 = arith.constant 0 : i32
      %dma_start3A_393 = tpu.memref_slice %arg3[%dma_start3A_391, %dma_start3A_392] : memref<2000000x64xf32, #tpu.memory_space<hbm>> -> memref<2000000x64xf32, #tpu.memory_space<hbm>>
      tpu.enqueue_indirect_dma source(%dma_start3A_393 : memref<2000000x64xf32, #tpu.memory_space<hbm>>) target(%dma_start3A_387 : memref<26x64xf32, #tpu.memory_space<vmem>>) offsets(%dma_start3A_390 : memref<26xi32, #tpu.memory_space<vmem>>) semaphore(%arg8 : memref<!tpu.dma_semaphore, #tpu.memory_space<semaphore_mem>>)
      %add3A_394 = arith.constant 12 : i32
      %add3A_395 = arith.addi %mul3A_225, %add3A_394 : i32
      %dma_start3A_396 = arith.constant 1 : i32
      %dma_start3A_397 = arith.constant 12 : i32
      %dma_start3A_398 = arith.constant 0 : i32
      %dma_start3A_399 = arith.constant 0 : i32
      %dma_start3A_400 = tpu.memref_slice %arg6[%dma_start3A_396, %dma_start3A_397, %dma_start3A_398, %dma_start3A_399] : memref<2x16x26x64xf32, #tpu.memory_space<vmem>> -> memref<1x1x26x64xf32, #tpu.memory_space<vmem>>
      %dma_start3A_401 = tpu.memref_squeeze %dma_start3A_400 : memref<1x1x26x64xf32, #tpu.memory_space<vmem>> -> memref<26x64xf32, #tpu.memory_space<vmem>>
      %dma_start3A_402 = arith.constant 0 : i32
      %dma_start3A_403 = tpu.memref_slice %arg5[%add3A_395, %dma_start3A_402] : memref<512x26xi32, #tpu.memory_space<vmem>> -> memref<1x26xi32, #tpu.memory_space<vmem>>
      %dma_start3A_404 = tpu.memref_squeeze %dma_start3A_403 : memref<1x26xi32, #tpu.memory_space<vmem>> -> memref<26xi32, #tpu.memory_space<vmem>>
      %dma_start3A_405 = arith.constant 0 : i32
      %dma_start3A_406 = arith.constant 0 : i32
      %dma_start3A_407 = tpu.memref_slice %arg3[%dma_start3A_405, %dma_start3A_406] : memref<2000000x64xf32, #tpu.memory_space<hbm>> -> memref<2000000x64xf32, #tpu.memory_space<hbm>>
      tpu.enqueue_indirect_dma source(%dma_start3A_407 : memref<2000000x64xf32, #tpu.memory_space<hbm>>) target(%dma_start3A_401 : memref<26x64xf32, #tpu.memory_space<vmem>>) offsets(%dma_start3A_404 : memref<26xi32, #tpu.memory_space<vmem>>) semaphore(%arg8 : memref<!tpu.dma_semaphore, #tpu.memory_space<semaphore_mem>>)
      %add3A_408 = arith.constant 13 : i32
      %add3A_409 = arith.addi %mul3A_225, %add3A_408 : i32
      %dma_start3A_410 = arith.constant 1 : i32
      %dma_start3A_411 = arith.constant 13 : i32
      %dma_start3A_412 = arith.constant 0 : i32
      %dma_start3A_413 = arith.constant 0 : i32
      %dma_start3A_414 = tpu.memref_slice %arg6[%dma_start3A_410, %dma_start3A_411, %dma_start3A_412, %dma_start3A_413] : memref<2x16x26x64xf32, #tpu.memory_space<vmem>> -> memref<1x1x26x64xf32, #tpu.memory_space<vmem>>
      %dma_start3A_415 = tpu.memref_squeeze %dma_start3A_414 : memref<1x1x26x64xf32, #tpu.memory_space<vmem>> -> memref<26x64xf32, #tpu.memory_space<vmem>>
      %dma_start3A_416 = arith.constant 0 : i32
      %dma_start3A_417 = tpu.memref_slice %arg5[%add3A_409, %dma_start3A_416] : memref<512x26xi32, #tpu.memory_space<vmem>> -> memref<1x26xi32, #tpu.memory_space<vmem>>
      %dma_start3A_418 = tpu.memref_squeeze %dma_start3A_417 : memref<1x26xi32, #tpu.memory_space<vmem>> -> memref<26xi32, #tpu.memory_space<vmem>>
      %dma_start3A_419 = arith.constant 0 : i32
      %dma_start3A_420 = arith.constant 0 : i32
      %dma_start3A_421 = tpu.memref_slice %arg3[%dma_start3A_419, %dma_start3A_420] : memref<2000000x64xf32, #tpu.memory_space<hbm>> -> memref<2000000x64xf32, #tpu.memory_space<hbm>>
      tpu.enqueue_indirect_dma source(%dma_start3A_421 : memref<2000000x64xf32, #tpu.memory_space<hbm>>) target(%dma_start3A_415 : memref<26x64xf32, #tpu.memory_space<vmem>>) offsets(%dma_start3A_418 : memref<26xi32, #tpu.memory_space<vmem>>) semaphore(%arg8 : memref<!tpu.dma_semaphore, #tpu.memory_space<semaphore_mem>>)
      %add3A_422 = arith.constant 14 : i32
      %add3A_423 = arith.addi %mul3A_225, %add3A_422 : i32
      %dma_start3A_424 = arith.constant 1 : i32
      %dma_start3A_425 = arith.constant 14 : i32
      %dma_start3A_426 = arith.constant 0 : i32
      %dma_start3A_427 = arith.constant 0 : i32
      %dma_start3A_428 = tpu.memref_slice %arg6[%dma_start3A_424, %dma_start3A_425, %dma_start3A_426, %dma_start3A_427] : memref<2x16x26x64xf32, #tpu.memory_space<vmem>> -> memref<1x1x26x64xf32, #tpu.memory_space<vmem>>
      %dma_start3A_429 = tpu.memref_squeeze %dma_start3A_428 : memref<1x1x26x64xf32, #tpu.memory_space<vmem>> -> memref<26x64xf32, #tpu.memory_space<vmem>>
      %dma_start3A_430 = arith.constant 0 : i32
      %dma_start3A_431 = tpu.memref_slice %arg5[%add3A_423, %dma_start3A_430] : memref<512x26xi32, #tpu.memory_space<vmem>> -> memref<1x26xi32, #tpu.memory_space<vmem>>
      %dma_start3A_432 = tpu.memref_squeeze %dma_start3A_431 : memref<1x26xi32, #tpu.memory_space<vmem>> -> memref<26xi32, #tpu.memory_space<vmem>>
      %dma_start3A_433 = arith.constant 0 : i32
      %dma_start3A_434 = arith.constant 0 : i32
      %dma_start3A_435 = tpu.memref_slice %arg3[%dma_start3A_433, %dma_start3A_434] : memref<2000000x64xf32, #tpu.memory_space<hbm>> -> memref<2000000x64xf32, #tpu.memory_space<hbm>>
      tpu.enqueue_indirect_dma source(%dma_start3A_435 : memref<2000000x64xf32, #tpu.memory_space<hbm>>) target(%dma_start3A_429 : memref<26x64xf32, #tpu.memory_space<vmem>>) offsets(%dma_start3A_432 : memref<26xi32, #tpu.memory_space<vmem>>) semaphore(%arg8 : memref<!tpu.dma_semaphore, #tpu.memory_space<semaphore_mem>>)
      %add3A_436 = arith.constant 15 : i32
      %add3A_437 = arith.addi %mul3A_225, %add3A_436 : i32
      %dma_start3A_438 = arith.constant 1 : i32
      %dma_start3A_439 = arith.constant 15 : i32
      %dma_start3A_440 = arith.constant 0 : i32
      %dma_start3A_441 = arith.constant 0 : i32
      %dma_start3A_442 = tpu.memref_slice %arg6[%dma_start3A_438, %dma_start3A_439, %dma_start3A_440, %dma_start3A_441] : memref<2x16x26x64xf32, #tpu.memory_space<vmem>> -> memref<1x1x26x64xf32, #tpu.memory_space<vmem>>
      %dma_start3A_443 = tpu.memref_squeeze %dma_start3A_442 : memref<1x1x26x64xf32, #tpu.memory_space<vmem>> -> memref<26x64xf32, #tpu.memory_space<vmem>>
      %dma_start3A_444 = arith.constant 0 : i32
      %dma_start3A_445 = tpu.memref_slice %arg5[%add3A_437, %dma_start3A_444] : memref<512x26xi32, #tpu.memory_space<vmem>> -> memref<1x26xi32, #tpu.memory_space<vmem>>
      %dma_start3A_446 = tpu.memref_squeeze %dma_start3A_445 : memref<1x26xi32, #tpu.memory_space<vmem>> -> memref<26xi32, #tpu.memory_space<vmem>>
      %dma_start3A_447 = arith.constant 0 : i32
      %dma_start3A_448 = arith.constant 0 : i32
      %dma_start3A_449 = tpu.memref_slice %arg3[%dma_start3A_447, %dma_start3A_448] : memref<2000000x64xf32, #tpu.memory_space<hbm>> -> memref<2000000x64xf32, #tpu.memory_space<hbm>>
      tpu.enqueue_indirect_dma source(%dma_start3A_449 : memref<2000000x64xf32, #tpu.memory_space<hbm>>) target(%dma_start3A_443 : memref<26x64xf32, #tpu.memory_space<vmem>>) offsets(%dma_start3A_446 : memref<26xi32, #tpu.memory_space<vmem>>) semaphore(%arg8 : memref<!tpu.dma_semaphore, #tpu.memory_space<semaphore_mem>>)
      %dma_wait3A = arith.constant 0 : i32
      %dma_wait3A_450 = arith.constant 0 : i32
      %dma_wait3A_451 = arith.constant 0 : i32
      %dma_wait3A_452 = arith.constant 0 : i32
      %dma_wait3A_453 = arith.constant 0 : i32
      %dma_wait3A_454 = tpu.memref_slice %arg6[%dma_wait3A_450, %dma_wait3A_451, %dma_wait3A_452, %dma_wait3A_453] : memref<2x16x26x64xf32, #tpu.memory_space<vmem>> -> memref<1x1x26x64xf32, #tpu.memory_space<vmem>>
      %dma_wait3A_455 = tpu.memref_squeeze %dma_wait3A_454 : memref<1x1x26x64xf32, #tpu.memory_space<vmem>> -> memref<26x64xf32, #tpu.memory_space<vmem>>
      %dma_wait3A_456 = arith.constant 0 : i32
      %dma_wait3A_457 = tpu.memref_slice %arg5[%dma_wait3A, %dma_wait3A_456] : memref<512x26xi32, #tpu.memory_space<vmem>> -> memref<1x26xi32, #tpu.memory_space<vmem>>
      %dma_wait3A_458 = tpu.memref_squeeze %dma_wait3A_457 : memref<1x26xi32, #tpu.memory_space<vmem>> -> memref<26xi32, #tpu.memory_space<vmem>>
      %dma_wait3A_459 = arith.constant 0 : i32
      %dma_wait3A_460 = arith.constant 0 : i32
      %dma_wait3A_461 = tpu.memref_slice %arg3[%dma_wait3A_459, %dma_wait3A_460] : memref<2000000x64xf32, #tpu.memory_space<hbm>> -> memref<2000000x64xf32, #tpu.memory_space<hbm>>
      tpu.wait_indirect_dma semaphore(%arg7 : memref<!tpu.dma_semaphore, #tpu.memory_space<semaphore_mem>>) src(%dma_wait3A_461 : memref<2000000x64xf32, #tpu.memory_space<hbm>>) dst(%dma_wait3A_455 : memref<26x64xf32, #tpu.memory_space<vmem>>)
      %dma_wait3A_462 = arith.constant 1 : i32
      %dma_wait3A_463 = arith.constant 0 : i32
      %dma_wait3A_464 = arith.constant 1 : i32
      %dma_wait3A_465 = arith.constant 0 : i32
      %dma_wait3A_466 = arith.constant 0 : i32
      %dma_wait3A_467 = tpu.memref_slice %arg6[%dma_wait3A_463, %dma_wait3A_464, %dma_wait3A_465, %dma_wait3A_466] : memref<2x16x26x64xf32, #tpu.memory_space<vmem>> -> memref<1x1x26x64xf32, #tpu.memory_space<vmem>>
      %dma_wait3A_468 = tpu.memref_squeeze %dma_wait3A_467 : memref<1x1x26x64xf32, #tpu.memory_space<vmem>> -> memref<26x64xf32, #tpu.memory_space<vmem>>
      %dma_wait3A_469 = arith.constant 0 : i32
      %dma_wait3A_470 = tpu.memref_slice %arg5[%dma_wait3A_462, %dma_wait3A_469] : memref<512x26xi32, #tpu.memory_space<vmem>> -> memref<1x26xi32, #tpu.memory_space<vmem>>
      %dma_wait3A_471 = tpu.memref_squeeze %dma_wait3A_470 : memref<1x26xi32, #tpu.memory_space<vmem>> -> memref<26xi32, #tpu.memory_space<vmem>>
      %dma_wait3A_472 = arith.constant 0 : i32
      %dma_wait3A_473 = arith.constant 0 : i32
      %dma_wait3A_474 = tpu.memref_slice %arg3[%dma_wait3A_472, %dma_wait3A_473] : memref<2000000x64xf32, #tpu.memory_space<hbm>> -> memref<2000000x64xf32, #tpu.memory_space<hbm>>
      tpu.wait_indirect_dma semaphore(%arg7 : memref<!tpu.dma_semaphore, #tpu.memory_space<semaphore_mem>>) src(%dma_wait3A_474 : memref<2000000x64xf32, #tpu.memory_space<hbm>>) dst(%dma_wait3A_468 : memref<26x64xf32, #tpu.memory_space<vmem>>)
      %dma_wait3A_475 = arith.constant 2 : i32
      %dma_wait3A_476 = arith.constant 0 : i32
      %dma_wait3A_477 = arith.constant 2 : i32
      %dma_wait3A_478 = arith.constant 0 : i32
      %dma_wait3A_479 = arith.constant 0 : i32
      %dma_wait3A_480 = tpu.memref_slice %arg6[%dma_wait3A_476, %dma_wait3A_477, %dma_wait3A_478, %dma_wait3A_479] : memref<2x16x26x64xf32, #tpu.memory_space<vmem>> -> memref<1x1x26x64xf32, #tpu.memory_space<vmem>>
      %dma_wait3A_481 = tpu.memref_squeeze %dma_wait3A_480 : memref<1x1x26x64xf32, #tpu.memory_space<vmem>> -> memref<26x64xf32, #tpu.memory_space<vmem>>
      %dma_wait3A_482 = arith.constant 0 : i32
      %dma_wait3A_483 = tpu.memref_slice %arg5[%dma_wait3A_475, %dma_wait3A_482] : memref<512x26xi32, #tpu.memory_space<vmem>> -> memref<1x26xi32, #tpu.memory_space<vmem>>
      %dma_wait3A_484 = tpu.memref_squeeze %dma_wait3A_483 : memref<1x26xi32, #tpu.memory_space<vmem>> -> memref<26xi32, #tpu.memory_space<vmem>>
      %dma_wait3A_485 = arith.constant 0 : i32
      %dma_wait3A_486 = arith.constant 0 : i32
      %dma_wait3A_487 = tpu.memref_slice %arg3[%dma_wait3A_485, %dma_wait3A_486] : memref<2000000x64xf32, #tpu.memory_space<hbm>> -> memref<2000000x64xf32, #tpu.memory_space<hbm>>
      tpu.wait_indirect_dma semaphore(%arg7 : memref<!tpu.dma_semaphore, #tpu.memory_space<semaphore_mem>>) src(%dma_wait3A_487 : memref<2000000x64xf32, #tpu.memory_space<hbm>>) dst(%dma_wait3A_481 : memref<26x64xf32, #tpu.memory_space<vmem>>)
      %dma_wait3A_488 = arith.constant 3 : i32
      %dma_wait3A_489 = arith.constant 0 : i32
      %dma_wait3A_490 = arith.constant 3 : i32
      %dma_wait3A_491 = arith.constant 0 : i32
      %dma_wait3A_492 = arith.constant 0 : i32
      %dma_wait3A_493 = tpu.memref_slice %arg6[%dma_wait3A_489, %dma_wait3A_490, %dma_wait3A_491, %dma_wait3A_492] : memref<2x16x26x64xf32, #tpu.memory_space<vmem>> -> memref<1x1x26x64xf32, #tpu.memory_space<vmem>>
      %dma_wait3A_494 = tpu.memref_squeeze %dma_wait3A_493 : memref<1x1x26x64xf32, #tpu.memory_space<vmem>> -> memref<26x64xf32, #tpu.memory_space<vmem>>
      %dma_wait3A_495 = arith.constant 0 : i32
      %dma_wait3A_496 = tpu.memref_slice %arg5[%dma_wait3A_488, %dma_wait3A_495] : memref<512x26xi32, #tpu.memory_space<vmem>> -> memref<1x26xi32, #tpu.memory_space<vmem>>
      %dma_wait3A_497 = tpu.memref_squeeze %dma_wait3A_496 : memref<1x26xi32, #tpu.memory_space<vmem>> -> memref<26xi32, #tpu.memory_space<vmem>>
      %dma_wait3A_498 = arith.constant 0 : i32
      %dma_wait3A_499 = arith.constant 0 : i32
      %dma_wait3A_500 = tpu.memref_slice %arg3[%dma_wait3A_498, %dma_wait3A_499] : memref<2000000x64xf32, #tpu.memory_space<hbm>> -> memref<2000000x64xf32, #tpu.memory_space<hbm>>
      tpu.wait_indirect_dma semaphore(%arg7 : memref<!tpu.dma_semaphore, #tpu.memory_space<semaphore_mem>>) src(%dma_wait3A_500 : memref<2000000x64xf32, #tpu.memory_space<hbm>>) dst(%dma_wait3A_494 : memref<26x64xf32, #tpu.memory_space<vmem>>)
      %dma_wait3A_501 = arith.constant 4 : i32
      %dma_wait3A_502 = arith.constant 0 : i32
      %dma_wait3A_503 = arith.constant 4 : i32
      %dma_wait3A_504 = arith.constant 0 : i32
      %dma_wait3A_505 = arith.constant 0 : i32
      %dma_wait3A_506 = tpu.memref_slice %arg6[%dma_wait3A_502, %dma_wait3A_503, %dma_wait3A_504, %dma_wait3A_505] : memref<2x16x26x64xf32, #tpu.memory_space<vmem>> -> memref<1x1x26x64xf32, #tpu.memory_space<vmem>>
      %dma_wait3A_507 = tpu.memref_squeeze %dma_wait3A_506 : memref<1x1x26x64xf32, #tpu.memory_space<vmem>> -> memref<26x64xf32, #tpu.memory_space<vmem>>
      %dma_wait3A_508 = arith.constant 0 : i32
      %dma_wait3A_509 = tpu.memref_slice %arg5[%dma_wait3A_501, %dma_wait3A_508] : memref<512x26xi32, #tpu.memory_space<vmem>> -> memref<1x26xi32, #tpu.memory_space<vmem>>
      %dma_wait3A_510 = tpu.memref_squeeze %dma_wait3A_509 : memref<1x26xi32, #tpu.memory_space<vmem>> -> memref<26xi32, #tpu.memory_space<vmem>>
      %dma_wait3A_511 = arith.constant 0 : i32
      %dma_wait3A_512 = arith.constant 0 : i32
      %dma_wait3A_513 = tpu.memref_slice %arg3[%dma_wait3A_511, %dma_wait3A_512] : memref<2000000x64xf32, #tpu.memory_space<hbm>> -> memref<2000000x64xf32, #tpu.memory_space<hbm>>
      tpu.wait_indirect_dma semaphore(%arg7 : memref<!tpu.dma_semaphore, #tpu.memory_space<semaphore_mem>>) src(%dma_wait3A_513 : memref<2000000x64xf32, #tpu.memory_space<hbm>>) dst(%dma_wait3A_507 : memref<26x64xf32, #tpu.memory_space<vmem>>)
      %dma_wait3A_514 = arith.constant 5 : i32
      %dma_wait3A_515 = arith.constant 0 : i32
      %dma_wait3A_516 = arith.constant 5 : i32
      %dma_wait3A_517 = arith.constant 0 : i32
      %dma_wait3A_518 = arith.constant 0 : i32
      %dma_wait3A_519 = tpu.memref_slice %arg6[%dma_wait3A_515, %dma_wait3A_516, %dma_wait3A_517, %dma_wait3A_518] : memref<2x16x26x64xf32, #tpu.memory_space<vmem>> -> memref<1x1x26x64xf32, #tpu.memory_space<vmem>>
      %dma_wait3A_520 = tpu.memref_squeeze %dma_wait3A_519 : memref<1x1x26x64xf32, #tpu.memory_space<vmem>> -> memref<26x64xf32, #tpu.memory_space<vmem>>
      %dma_wait3A_521 = arith.constant 0 : i32
      %dma_wait3A_522 = tpu.memref_slice %arg5[%dma_wait3A_514, %dma_wait3A_521] : memref<512x26xi32, #tpu.memory_space<vmem>> -> memref<1x26xi32, #tpu.memory_space<vmem>>
      %dma_wait3A_523 = tpu.memref_squeeze %dma_wait3A_522 : memref<1x26xi32, #tpu.memory_space<vmem>> -> memref<26xi32, #tpu.memory_space<vmem>>
      %dma_wait3A_524 = arith.constant 0 : i32
      %dma_wait3A_525 = arith.constant 0 : i32
      %dma_wait3A_526 = tpu.memref_slice %arg3[%dma_wait3A_524, %dma_wait3A_525] : memref<2000000x64xf32, #tpu.memory_space<hbm>> -> memref<2000000x64xf32, #tpu.memory_space<hbm>>
      tpu.wait_indirect_dma semaphore(%arg7 : memref<!tpu.dma_semaphore, #tpu.memory_space<semaphore_mem>>) src(%dma_wait3A_526 : memref<2000000x64xf32, #tpu.memory_space<hbm>>) dst(%dma_wait3A_520 : memref<26x64xf32, #tpu.memory_space<vmem>>)
      %dma_wait3A_527 = arith.constant 6 : i32
      %dma_wait3A_528 = arith.constant 0 : i32
      %dma_wait3A_529 = arith.constant 6 : i32
      %dma_wait3A_530 = arith.constant 0 : i32
      %dma_wait3A_531 = arith.constant 0 : i32
      %dma_wait3A_532 = tpu.memref_slice %arg6[%dma_wait3A_528, %dma_wait3A_529, %dma_wait3A_530, %dma_wait3A_531] : memref<2x16x26x64xf32, #tpu.memory_space<vmem>> -> memref<1x1x26x64xf32, #tpu.memory_space<vmem>>
      %dma_wait3A_533 = tpu.memref_squeeze %dma_wait3A_532 : memref<1x1x26x64xf32, #tpu.memory_space<vmem>> -> memref<26x64xf32, #tpu.memory_space<vmem>>
      %dma_wait3A_534 = arith.constant 0 : i32
      %dma_wait3A_535 = tpu.memref_slice %arg5[%dma_wait3A_527, %dma_wait3A_534] : memref<512x26xi32, #tpu.memory_space<vmem>> -> memref<1x26xi32, #tpu.memory_space<vmem>>
      %dma_wait3A_536 = tpu.memref_squeeze %dma_wait3A_535 : memref<1x26xi32, #tpu.memory_space<vmem>> -> memref<26xi32, #tpu.memory_space<vmem>>
      %dma_wait3A_537 = arith.constant 0 : i32
      %dma_wait3A_538 = arith.constant 0 : i32
      %dma_wait3A_539 = tpu.memref_slice %arg3[%dma_wait3A_537, %dma_wait3A_538] : memref<2000000x64xf32, #tpu.memory_space<hbm>> -> memref<2000000x64xf32, #tpu.memory_space<hbm>>
      tpu.wait_indirect_dma semaphore(%arg7 : memref<!tpu.dma_semaphore, #tpu.memory_space<semaphore_mem>>) src(%dma_wait3A_539 : memref<2000000x64xf32, #tpu.memory_space<hbm>>) dst(%dma_wait3A_533 : memref<26x64xf32, #tpu.memory_space<vmem>>)
      %dma_wait3A_540 = arith.constant 7 : i32
      %dma_wait3A_541 = arith.constant 0 : i32
      %dma_wait3A_542 = arith.constant 7 : i32
      %dma_wait3A_543 = arith.constant 0 : i32
      %dma_wait3A_544 = arith.constant 0 : i32
      %dma_wait3A_545 = tpu.memref_slice %arg6[%dma_wait3A_541, %dma_wait3A_542, %dma_wait3A_543, %dma_wait3A_544] : memref<2x16x26x64xf32, #tpu.memory_space<vmem>> -> memref<1x1x26x64xf32, #tpu.memory_space<vmem>>
      %dma_wait3A_546 = tpu.memref_squeeze %dma_wait3A_545 : memref<1x1x26x64xf32, #tpu.memory_space<vmem>> -> memref<26x64xf32, #tpu.memory_space<vmem>>
      %dma_wait3A_547 = arith.constant 0 : i32
      %dma_wait3A_548 = tpu.memref_slice %arg5[%dma_wait3A_540, %dma_wait3A_547] : memref<512x26xi32, #tpu.memory_space<vmem>> -> memref<1x26xi32, #tpu.memory_space<vmem>>
      %dma_wait3A_549 = tpu.memref_squeeze %dma_wait3A_548 : memref<1x26xi32, #tpu.memory_space<vmem>> -> memref<26xi32, #tpu.memory_space<vmem>>
      %dma_wait3A_550 = arith.constant 0 : i32
      %dma_wait3A_551 = arith.constant 0 : i32
      %dma_wait3A_552 = tpu.memref_slice %arg3[%dma_wait3A_550, %dma_wait3A_551] : memref<2000000x64xf32, #tpu.memory_space<hbm>> -> memref<2000000x64xf32, #tpu.memory_space<hbm>>
      tpu.wait_indirect_dma semaphore(%arg7 : memref<!tpu.dma_semaphore, #tpu.memory_space<semaphore_mem>>) src(%dma_wait3A_552 : memref<2000000x64xf32, #tpu.memory_space<hbm>>) dst(%dma_wait3A_546 : memref<26x64xf32, #tpu.memory_space<vmem>>)
      %dma_wait3A_553 = arith.constant 8 : i32
      %dma_wait3A_554 = arith.constant 0 : i32
      %dma_wait3A_555 = arith.constant 8 : i32
      %dma_wait3A_556 = arith.constant 0 : i32
      %dma_wait3A_557 = arith.constant 0 : i32
      %dma_wait3A_558 = tpu.memref_slice %arg6[%dma_wait3A_554, %dma_wait3A_555, %dma_wait3A_556, %dma_wait3A_557] : memref<2x16x26x64xf32, #tpu.memory_space<vmem>> -> memref<1x1x26x64xf32, #tpu.memory_space<vmem>>
      %dma_wait3A_559 = tpu.memref_squeeze %dma_wait3A_558 : memref<1x1x26x64xf32, #tpu.memory_space<vmem>> -> memref<26x64xf32, #tpu.memory_space<vmem>>
      %dma_wait3A_560 = arith.constant 0 : i32
      %dma_wait3A_561 = tpu.memref_slice %arg5[%dma_wait3A_553, %dma_wait3A_560] : memref<512x26xi32, #tpu.memory_space<vmem>> -> memref<1x26xi32, #tpu.memory_space<vmem>>
      %dma_wait3A_562 = tpu.memref_squeeze %dma_wait3A_561 : memref<1x26xi32, #tpu.memory_space<vmem>> -> memref<26xi32, #tpu.memory_space<vmem>>
      %dma_wait3A_563 = arith.constant 0 : i32
      %dma_wait3A_564 = arith.constant 0 : i32
      %dma_wait3A_565 = tpu.memref_slice %arg3[%dma_wait3A_563, %dma_wait3A_564] : memref<2000000x64xf32, #tpu.memory_space<hbm>> -> memref<2000000x64xf32, #tpu.memory_space<hbm>>
      tpu.wait_indirect_dma semaphore(%arg7 : memref<!tpu.dma_semaphore, #tpu.memory_space<semaphore_mem>>) src(%dma_wait3A_565 : memref<2000000x64xf32, #tpu.memory_space<hbm>>) dst(%dma_wait3A_559 : memref<26x64xf32, #tpu.memory_space<vmem>>)
      %dma_wait3A_566 = arith.constant 9 : i32
      %dma_wait3A_567 = arith.constant 0 : i32
      %dma_wait3A_568 = arith.constant 9 : i32
      %dma_wait3A_569 = arith.constant 0 : i32
      %dma_wait3A_570 = arith.constant 0 : i32
      %dma_wait3A_571 = tpu.memref_slice %arg6[%dma_wait3A_567, %dma_wait3A_568, %dma_wait3A_569, %dma_wait3A_570] : memref<2x16x26x64xf32, #tpu.memory_space<vmem>> -> memref<1x1x26x64xf32, #tpu.memory_space<vmem>>
      %dma_wait3A_572 = tpu.memref_squeeze %dma_wait3A_571 : memref<1x1x26x64xf32, #tpu.memory_space<vmem>> -> memref<26x64xf32, #tpu.memory_space<vmem>>
      %dma_wait3A_573 = arith.constant 0 : i32
      %dma_wait3A_574 = tpu.memref_slice %arg5[%dma_wait3A_566, %dma_wait3A_573] : memref<512x26xi32, #tpu.memory_space<vmem>> -> memref<1x26xi32, #tpu.memory_space<vmem>>
      %dma_wait3A_575 = tpu.memref_squeeze %dma_wait3A_574 : memref<1x26xi32, #tpu.memory_space<vmem>> -> memref<26xi32, #tpu.memory_space<vmem>>
      %dma_wait3A_576 = arith.constant 0 : i32
      %dma_wait3A_577 = arith.constant 0 : i32
      %dma_wait3A_578 = tpu.memref_slice %arg3[%dma_wait3A_576, %dma_wait3A_577] : memref<2000000x64xf32, #tpu.memory_space<hbm>> -> memref<2000000x64xf32, #tpu.memory_space<hbm>>
      tpu.wait_indirect_dma semaphore(%arg7 : memref<!tpu.dma_semaphore, #tpu.memory_space<semaphore_mem>>) src(%dma_wait3A_578 : memref<2000000x64xf32, #tpu.memory_space<hbm>>) dst(%dma_wait3A_572 : memref<26x64xf32, #tpu.memory_space<vmem>>)
      %dma_wait3A_579 = arith.constant 10 : i32
      %dma_wait3A_580 = arith.constant 0 : i32
      %dma_wait3A_581 = arith.constant 10 : i32
      %dma_wait3A_582 = arith.constant 0 : i32
      %dma_wait3A_583 = arith.constant 0 : i32
      %dma_wait3A_584 = tpu.memref_slice %arg6[%dma_wait3A_580, %dma_wait3A_581, %dma_wait3A_582, %dma_wait3A_583] : memref<2x16x26x64xf32, #tpu.memory_space<vmem>> -> memref<1x1x26x64xf32, #tpu.memory_space<vmem>>
      %dma_wait3A_585 = tpu.memref_squeeze %dma_wait3A_584 : memref<1x1x26x64xf32, #tpu.memory_space<vmem>> -> memref<26x64xf32, #tpu.memory_space<vmem>>
      %dma_wait3A_586 = arith.constant 0 : i32
      %dma_wait3A_587 = tpu.memref_slice %arg5[%dma_wait3A_579, %dma_wait3A_586] : memref<512x26xi32, #tpu.memory_space<vmem>> -> memref<1x26xi32, #tpu.memory_space<vmem>>
      %dma_wait3A_588 = tpu.memref_squeeze %dma_wait3A_587 : memref<1x26xi32, #tpu.memory_space<vmem>> -> memref<26xi32, #tpu.memory_space<vmem>>
      %dma_wait3A_589 = arith.constant 0 : i32
      %dma_wait3A_590 = arith.constant 0 : i32
      %dma_wait3A_591 = tpu.memref_slice %arg3[%dma_wait3A_589, %dma_wait3A_590] : memref<2000000x64xf32, #tpu.memory_space<hbm>> -> memref<2000000x64xf32, #tpu.memory_space<hbm>>
      tpu.wait_indirect_dma semaphore(%arg7 : memref<!tpu.dma_semaphore, #tpu.memory_space<semaphore_mem>>) src(%dma_wait3A_591 : memref<2000000x64xf32, #tpu.memory_space<hbm>>) dst(%dma_wait3A_585 : memref<26x64xf32, #tpu.memory_space<vmem>>)
      %dma_wait3A_592 = arith.constant 11 : i32
      %dma_wait3A_593 = arith.constant 0 : i32
      %dma_wait3A_594 = arith.constant 11 : i32
      %dma_wait3A_595 = arith.constant 0 : i32
      %dma_wait3A_596 = arith.constant 0 : i32
      %dma_wait3A_597 = tpu.memref_slice %arg6[%dma_wait3A_593, %dma_wait3A_594, %dma_wait3A_595, %dma_wait3A_596] : memref<2x16x26x64xf32, #tpu.memory_space<vmem>> -> memref<1x1x26x64xf32, #tpu.memory_space<vmem>>
      %dma_wait3A_598 = tpu.memref_squeeze %dma_wait3A_597 : memref<1x1x26x64xf32, #tpu.memory_space<vmem>> -> memref<26x64xf32, #tpu.memory_space<vmem>>
      %dma_wait3A_599 = arith.constant 0 : i32
      %dma_wait3A_600 = tpu.memref_slice %arg5[%dma_wait3A_592, %dma_wait3A_599] : memref<512x26xi32, #tpu.memory_space<vmem>> -> memref<1x26xi32, #tpu.memory_space<vmem>>
      %dma_wait3A_601 = tpu.memref_squeeze %dma_wait3A_600 : memref<1x26xi32, #tpu.memory_space<vmem>> -> memref<26xi32, #tpu.memory_space<vmem>>
      %dma_wait3A_602 = arith.constant 0 : i32
      %dma_wait3A_603 = arith.constant 0 : i32
      %dma_wait3A_604 = tpu.memref_slice %arg3[%dma_wait3A_602, %dma_wait3A_603] : memref<2000000x64xf32, #tpu.memory_space<hbm>> -> memref<2000000x64xf32, #tpu.memory_space<hbm>>
      tpu.wait_indirect_dma semaphore(%arg7 : memref<!tpu.dma_semaphore, #tpu.memory_space<semaphore_mem>>) src(%dma_wait3A_604 : memref<2000000x64xf32, #tpu.memory_space<hbm>>) dst(%dma_wait3A_598 : memref<26x64xf32, #tpu.memory_space<vmem>>)
      %dma_wait3A_605 = arith.constant 12 : i32
      %dma_wait3A_606 = arith.constant 0 : i32
      %dma_wait3A_607 = arith.constant 12 : i32
      %dma_wait3A_608 = arith.constant 0 : i32
      %dma_wait3A_609 = arith.constant 0 : i32
      %dma_wait3A_610 = tpu.memref_slice %arg6[%dma_wait3A_606, %dma_wait3A_607, %dma_wait3A_608, %dma_wait3A_609] : memref<2x16x26x64xf32, #tpu.memory_space<vmem>> -> memref<1x1x26x64xf32, #tpu.memory_space<vmem>>
      %dma_wait3A_611 = tpu.memref_squeeze %dma_wait3A_610 : memref<1x1x26x64xf32, #tpu.memory_space<vmem>> -> memref<26x64xf32, #tpu.memory_space<vmem>>
      %dma_wait3A_612 = arith.constant 0 : i32
      %dma_wait3A_613 = tpu.memref_slice %arg5[%dma_wait3A_605, %dma_wait3A_612] : memref<512x26xi32, #tpu.memory_space<vmem>> -> memref<1x26xi32, #tpu.memory_space<vmem>>
      %dma_wait3A_614 = tpu.memref_squeeze %dma_wait3A_613 : memref<1x26xi32, #tpu.memory_space<vmem>> -> memref<26xi32, #tpu.memory_space<vmem>>
      %dma_wait3A_615 = arith.constant 0 : i32
      %dma_wait3A_616 = arith.constant 0 : i32
      %dma_wait3A_617 = tpu.memref_slice %arg3[%dma_wait3A_615, %dma_wait3A_616] : memref<2000000x64xf32, #tpu.memory_space<hbm>> -> memref<2000000x64xf32, #tpu.memory_space<hbm>>
      tpu.wait_indirect_dma semaphore(%arg7 : memref<!tpu.dma_semaphore, #tpu.memory_space<semaphore_mem>>) src(%dma_wait3A_617 : memref<2000000x64xf32, #tpu.memory_space<hbm>>) dst(%dma_wait3A_611 : memref<26x64xf32, #tpu.memory_space<vmem>>)
      %dma_wait3A_618 = arith.constant 13 : i32
      %dma_wait3A_619 = arith.constant 0 : i32
      %dma_wait3A_620 = arith.constant 13 : i32
      %dma_wait3A_621 = arith.constant 0 : i32
      %dma_wait3A_622 = arith.constant 0 : i32
      %dma_wait3A_623 = tpu.memref_slice %arg6[%dma_wait3A_619, %dma_wait3A_620, %dma_wait3A_621, %dma_wait3A_622] : memref<2x16x26x64xf32, #tpu.memory_space<vmem>> -> memref<1x1x26x64xf32, #tpu.memory_space<vmem>>
      %dma_wait3A_624 = tpu.memref_squeeze %dma_wait3A_623 : memref<1x1x26x64xf32, #tpu.memory_space<vmem>> -> memref<26x64xf32, #tpu.memory_space<vmem>>
      %dma_wait3A_625 = arith.constant 0 : i32
      %dma_wait3A_626 = tpu.memref_slice %arg5[%dma_wait3A_618, %dma_wait3A_625] : memref<512x26xi32, #tpu.memory_space<vmem>> -> memref<1x26xi32, #tpu.memory_space<vmem>>
      %dma_wait3A_627 = tpu.memref_squeeze %dma_wait3A_626 : memref<1x26xi32, #tpu.memory_space<vmem>> -> memref<26xi32, #tpu.memory_space<vmem>>
      %dma_wait3A_628 = arith.constant 0 : i32
      %dma_wait3A_629 = arith.constant 0 : i32
      %dma_wait3A_630 = tpu.memref_slice %arg3[%dma_wait3A_628, %dma_wait3A_629] : memref<2000000x64xf32, #tpu.memory_space<hbm>> -> memref<2000000x64xf32, #tpu.memory_space<hbm>>
      tpu.wait_indirect_dma semaphore(%arg7 : memref<!tpu.dma_semaphore, #tpu.memory_space<semaphore_mem>>) src(%dma_wait3A_630 : memref<2000000x64xf32, #tpu.memory_space<hbm>>) dst(%dma_wait3A_624 : memref<26x64xf32, #tpu.memory_space<vmem>>)
      %dma_wait3A_631 = arith.constant 14 : i32
      %dma_wait3A_632 = arith.constant 0 : i32
      %dma_wait3A_633 = arith.constant 14 : i32
      %dma_wait3A_634 = arith.constant 0 : i32
      %dma_wait3A_635 = arith.constant 0 : i32
      %dma_wait3A_636 = tpu.memref_slice %arg6[%dma_wait3A_632, %dma_wait3A_633, %dma_wait3A_634, %dma_wait3A_635] : memref<2x16x26x64xf32, #tpu.memory_space<vmem>> -> memref<1x1x26x64xf32, #tpu.memory_space<vmem>>
      %dma_wait3A_637 = tpu.memref_squeeze %dma_wait3A_636 : memref<1x1x26x64xf32, #tpu.memory_space<vmem>> -> memref<26x64xf32, #tpu.memory_space<vmem>>
      %dma_wait3A_638 = arith.constant 0 : i32
      %dma_wait3A_639 = tpu.memref_slice %arg5[%dma_wait3A_631, %dma_wait3A_638] : memref<512x26xi32, #tpu.memory_space<vmem>> -> memref<1x26xi32, #tpu.memory_space<vmem>>
      %dma_wait3A_640 = tpu.memref_squeeze %dma_wait3A_639 : memref<1x26xi32, #tpu.memory_space<vmem>> -> memref<26xi32, #tpu.memory_space<vmem>>
      %dma_wait3A_641 = arith.constant 0 : i32
      %dma_wait3A_642 = arith.constant 0 : i32
      %dma_wait3A_643 = tpu.memref_slice %arg3[%dma_wait3A_641, %dma_wait3A_642] : memref<2000000x64xf32, #tpu.memory_space<hbm>> -> memref<2000000x64xf32, #tpu.memory_space<hbm>>
      tpu.wait_indirect_dma semaphore(%arg7 : memref<!tpu.dma_semaphore, #tpu.memory_space<semaphore_mem>>) src(%dma_wait3A_643 : memref<2000000x64xf32, #tpu.memory_space<hbm>>) dst(%dma_wait3A_637 : memref<26x64xf32, #tpu.memory_space<vmem>>)
      %dma_wait3A_644 = arith.constant 15 : i32
      %dma_wait3A_645 = arith.constant 0 : i32
      %dma_wait3A_646 = arith.constant 15 : i32
      %dma_wait3A_647 = arith.constant 0 : i32
      %dma_wait3A_648 = arith.constant 0 : i32
      %dma_wait3A_649 = tpu.memref_slice %arg6[%dma_wait3A_645, %dma_wait3A_646, %dma_wait3A_647, %dma_wait3A_648] : memref<2x16x26x64xf32, #tpu.memory_space<vmem>> -> memref<1x1x26x64xf32, #tpu.memory_space<vmem>>
      %dma_wait3A_650 = tpu.memref_squeeze %dma_wait3A_649 : memref<1x1x26x64xf32, #tpu.memory_space<vmem>> -> memref<26x64xf32, #tpu.memory_space<vmem>>
      %dma_wait3A_651 = arith.constant 0 : i32
      %dma_wait3A_652 = tpu.memref_slice %arg5[%dma_wait3A_644, %dma_wait3A_651] : memref<512x26xi32, #tpu.memory_space<vmem>> -> memref<1x26xi32, #tpu.memory_space<vmem>>
      %dma_wait3A_653 = tpu.memref_squeeze %dma_wait3A_652 : memref<1x26xi32, #tpu.memory_space<vmem>> -> memref<26xi32, #tpu.memory_space<vmem>>
      %dma_wait3A_654 = arith.constant 0 : i32
      %dma_wait3A_655 = arith.constant 0 : i32
      %dma_wait3A_656 = tpu.memref_slice %arg3[%dma_wait3A_654, %dma_wait3A_655] : memref<2000000x64xf32, #tpu.memory_space<hbm>> -> memref<2000000x64xf32, #tpu.memory_space<hbm>>
      tpu.wait_indirect_dma semaphore(%arg7 : memref<!tpu.dma_semaphore, #tpu.memory_space<semaphore_mem>>) src(%dma_wait3A_656 : memref<2000000x64xf32, #tpu.memory_space<hbm>>) dst(%dma_wait3A_650 : memref<26x64xf32, #tpu.memory_space<vmem>>)
      %mul3A_657 = arith.constant 16 : i32
      %mul3A_658 = arith.muli %mul3A_219, %mul3A_657 : i32
      %add3A_659 = arith.addi %mul3A_2, %mul3A_658 : i32
      %run_scoped3A = arith.constant 0 : i32
      "tpu.region"() ({
        %run_scoped3A_875 = tpu.sem_alloc : memref<!tpu.dma_semaphore, #tpu.memory_space<semaphore_mem>>
        %dma_start3A_876 = arith.constant 0 : i32
        %dma_start3A_877 = arith.constant 0 : i32
        %dma_start3A_878 = arith.constant 0 : i32
        %dma_start3A_879 = tpu.memref_slice %arg6[%run_scoped3A, %dma_start3A_876, %dma_start3A_877, %dma_start3A_878] : memref<2x16x26x64xf32, #tpu.memory_space<vmem>> -> memref<1x16x26x64xf32, #tpu.memory_space<vmem>>
        %dma_start3A_880 = tpu.memref_squeeze %dma_start3A_879 : memref<1x16x26x64xf32, #tpu.memory_space<vmem>> -> memref<16x26x64xf32, #tpu.memory_space<vmem>>
        %dma_start3A_881 = arith.constant 0 : i32
        %dma_start3A_882 = arith.constant 0 : i32
        %dma_start3A_883 = tpu.memref_slice %arg4[%add3A_659, %dma_start3A_881, %dma_start3A_882] : memref<16384x26x64xf32, #tpu.memory_space<hbm>> -> memref<16x26x64xf32, #tpu.memory_space<hbm>>
        %dma_start3A_884 = arith.constant 0 : i32
        %dma_start3A_885 = arith.constant 0 : i32
        %dma_start3A_886 = tpu.memref_slice %arg4[%add3A_659, %dma_start3A_884, %dma_start3A_885] : memref<16384x26x64xf32, #tpu.memory_space<hbm>> -> memref<16x26x64xf32, #tpu.memory_space<hbm>>
        %dma_start3A_887 = arith.constant 0 : i32
        %dma_start3A_888 = arith.constant 0 : i32
        %dma_start3A_889 = arith.constant 0 : i32
        %dma_start3A_890 = tpu.memref_slice %arg6[%run_scoped3A, %dma_start3A_887, %dma_start3A_888, %dma_start3A_889] : memref<2x16x26x64xf32, #tpu.memory_space<vmem>> -> memref<1x16x26x64xf32, #tpu.memory_space<vmem>>
        %dma_start3A_891 = tpu.memref_squeeze %dma_start3A_890 : memref<1x16x26x64xf32, #tpu.memory_space<vmem>> -> memref<16x26x64xf32, #tpu.memory_space<vmem>>
        tpu.enqueue_dma source(%dma_start3A_891 : memref<16x26x64xf32, #tpu.memory_space<vmem>>) target(%dma_start3A_886 : memref<16x26x64xf32, #tpu.memory_space<hbm>>) target_semaphore(%run_scoped3A_875 : memref<!tpu.dma_semaphore, #tpu.memory_space<semaphore_mem>>)
        %dma_wait3A_892 = arith.constant 0 : i32
        %dma_wait3A_893 = arith.constant 0 : i32
        %dma_wait3A_894 = arith.constant 0 : i32
        %dma_wait3A_895 = tpu.memref_slice %arg6[%run_scoped3A, %dma_wait3A_892, %dma_wait3A_893, %dma_wait3A_894] : memref<2x16x26x64xf32, #tpu.memory_space<vmem>> -> memref<1x16x26x64xf32, #tpu.memory_space<vmem>>
        %dma_wait3A_896 = tpu.memref_squeeze %dma_wait3A_895 : memref<1x16x26x64xf32, #tpu.memory_space<vmem>> -> memref<16x26x64xf32, #tpu.memory_space<vmem>>
        %dma_wait3A_897 = arith.constant 0 : i32
        %dma_wait3A_898 = arith.constant 0 : i32
        %dma_wait3A_899 = tpu.memref_slice %arg4[%add3A_659, %dma_wait3A_897, %dma_wait3A_898] : memref<16384x26x64xf32, #tpu.memory_space<hbm>> -> memref<16x26x64xf32, #tpu.memory_space<hbm>>
        %dma_wait3A_900 = arith.constant 0 : i32
        %dma_wait3A_901 = arith.constant 0 : i32
        %dma_wait3A_902 = tpu.memref_slice %arg4[%add3A_659, %dma_wait3A_900, %dma_wait3A_901] : memref<16384x26x64xf32, #tpu.memory_space<hbm>> -> memref<16x26x64xf32, #tpu.memory_space<hbm>>
        %dma_wait3A_903 = arith.constant 0 : i32
        %dma_wait3A_904 = arith.constant 0 : i32
        %dma_wait3A_905 = arith.constant 0 : i32
        %dma_wait3A_906 = tpu.memref_slice %arg6[%run_scoped3A, %dma_wait3A_903, %dma_wait3A_904, %dma_wait3A_905] : memref<2x16x26x64xf32, #tpu.memory_space<vmem>> -> memref<1x16x26x64xf32, #tpu.memory_space<vmem>>
        %dma_wait3A_907 = tpu.memref_squeeze %dma_wait3A_906 : memref<1x16x26x64xf32, #tpu.memory_space<vmem>> -> memref<16x26x64xf32, #tpu.memory_space<vmem>>
        tpu.wait_dma2 semaphore(%run_scoped3A_875 : memref<!tpu.dma_semaphore, #tpu.memory_space<semaphore_mem>>) src(%dma_wait3A_907 : memref<16x26x64xf32, #tpu.memory_space<vmem>>) dst(%dma_wait3A_902 : memref<16x26x64xf32, #tpu.memory_space<hbm>>)
        tpu.yield
      }) : () -> ()
      %lt3A = arith.constant 15 : i32
      %lt3A_660 = arith.cmpi slt, %scan3A_216, %lt3A : i32
      %convert_element_type3A = arith.extui %lt3A_660 : i1 to i32
      %cond3A = arith.constant 0 : i32
      %cond3A_661 = arith.cmpi ne, %convert_element_type3A, %cond3A : i32
      scf.if %cond3A_661 {
        %add3A_875 = arith.constant 1 : i32
        %add3A_876 = arith.addi %add3A_223, %add3A_875 : i32
        %mul3A_877 = arith.constant 16 : i32
        %mul3A_878 = arith.muli %add3A_876, %mul3A_877 : i32
        %add3A_879 = arith.constant 0 : i32
        %add3A_880 = arith.addi %mul3A_878, %add3A_879 : i32
        %dma_start3A_881 = arith.constant 0 : i32
        %dma_start3A_882 = arith.constant 0 : i32
        %dma_start3A_883 = arith.constant 0 : i32
        %dma_start3A_884 = arith.constant 0 : i32
        %dma_start3A_885 = tpu.memref_slice %arg6[%dma_start3A_881, %dma_start3A_882, %dma_start3A_883, %dma_start3A_884] : memref<2x16x26x64xf32, #tpu.memory_space<vmem>> -> memref<1x1x26x64xf32, #tpu.memory_space<vmem>>
        %dma_start3A_886 = tpu.memref_squeeze %dma_start3A_885 : memref<1x1x26x64xf32, #tpu.memory_space<vmem>> -> memref<26x64xf32, #tpu.memory_space<vmem>>
        %dma_start3A_887 = arith.constant 0 : i32
        %dma_start3A_888 = tpu.memref_slice %arg5[%add3A_880, %dma_start3A_887] : memref<512x26xi32, #tpu.memory_space<vmem>> -> memref<1x26xi32, #tpu.memory_space<vmem>>
        %dma_start3A_889 = tpu.memref_squeeze %dma_start3A_888 : memref<1x26xi32, #tpu.memory_space<vmem>> -> memref<26xi32, #tpu.memory_space<vmem>>
        %dma_start3A_890 = arith.constant 0 : i32
        %dma_start3A_891 = arith.constant 0 : i32
        %dma_start3A_892 = tpu.memref_slice %arg3[%dma_start3A_890, %dma_start3A_891] : memref<2000000x64xf32, #tpu.memory_space<hbm>> -> memref<2000000x64xf32, #tpu.memory_space<hbm>>
        tpu.enqueue_indirect_dma source(%dma_start3A_892 : memref<2000000x64xf32, #tpu.memory_space<hbm>>) target(%dma_start3A_886 : memref<26x64xf32, #tpu.memory_space<vmem>>) offsets(%dma_start3A_889 : memref<26xi32, #tpu.memory_space<vmem>>) semaphore(%arg7 : memref<!tpu.dma_semaphore, #tpu.memory_space<semaphore_mem>>)
        %add3A_893 = arith.constant 1 : i32
        %add3A_894 = arith.addi %mul3A_878, %add3A_893 : i32
        %dma_start3A_895 = arith.constant 0 : i32
        %dma_start3A_896 = arith.constant 1 : i32
        %dma_start3A_897 = arith.constant 0 : i32
        %dma_start3A_898 = arith.constant 0 : i32
        %dma_start3A_899 = tpu.memref_slice %arg6[%dma_start3A_895, %dma_start3A_896, %dma_start3A_897, %dma_start3A_898] : memref<2x16x26x64xf32, #tpu.memory_space<vmem>> -> memref<1x1x26x64xf32, #tpu.memory_space<vmem>>
        %dma_start3A_900 = tpu.memref_squeeze %dma_start3A_899 : memref<1x1x26x64xf32, #tpu.memory_space<vmem>> -> memref<26x64xf32, #tpu.memory_space<vmem>>
        %dma_start3A_901 = arith.constant 0 : i32
        %dma_start3A_902 = tpu.memref_slice %arg5[%add3A_894, %dma_start3A_901] : memref<512x26xi32, #tpu.memory_space<vmem>> -> memref<1x26xi32, #tpu.memory_space<vmem>>
        %dma_start3A_903 = tpu.memref_squeeze %dma_start3A_902 : memref<1x26xi32, #tpu.memory_space<vmem>> -> memref<26xi32, #tpu.memory_space<vmem>>
        %dma_start3A_904 = arith.constant 0 : i32
        %dma_start3A_905 = arith.constant 0 : i32
        %dma_start3A_906 = tpu.memref_slice %arg3[%dma_start3A_904, %dma_start3A_905] : memref<2000000x64xf32, #tpu.memory_space<hbm>> -> memref<2000000x64xf32, #tpu.memory_space<hbm>>
        tpu.enqueue_indirect_dma source(%dma_start3A_906 : memref<2000000x64xf32, #tpu.memory_space<hbm>>) target(%dma_start3A_900 : memref<26x64xf32, #tpu.memory_space<vmem>>) offsets(%dma_start3A_903 : memref<26xi32, #tpu.memory_space<vmem>>) semaphore(%arg7 : memref<!tpu.dma_semaphore, #tpu.memory_space<semaphore_mem>>)
        %add3A_907 = arith.constant 2 : i32
        %add3A_908 = arith.addi %mul3A_878, %add3A_907 : i32
        %dma_start3A_909 = arith.constant 0 : i32
        %dma_start3A_910 = arith.constant 2 : i32
        %dma_start3A_911 = arith.constant 0 : i32
        %dma_start3A_912 = arith.constant 0 : i32
        %dma_start3A_913 = tpu.memref_slice %arg6[%dma_start3A_909, %dma_start3A_910, %dma_start3A_911, %dma_start3A_912] : memref<2x16x26x64xf32, #tpu.memory_space<vmem>> -> memref<1x1x26x64xf32, #tpu.memory_space<vmem>>
        %dma_start3A_914 = tpu.memref_squeeze %dma_start3A_913 : memref<1x1x26x64xf32, #tpu.memory_space<vmem>> -> memref<26x64xf32, #tpu.memory_space<vmem>>
        %dma_start3A_915 = arith.constant 0 : i32
        %dma_start3A_916 = tpu.memref_slice %arg5[%add3A_908, %dma_start3A_915] : memref<512x26xi32, #tpu.memory_space<vmem>> -> memref<1x26xi32, #tpu.memory_space<vmem>>
        %dma_start3A_917 = tpu.memref_squeeze %dma_start3A_916 : memref<1x26xi32, #tpu.memory_space<vmem>> -> memref<26xi32, #tpu.memory_space<vmem>>
        %dma_start3A_918 = arith.constant 0 : i32
        %dma_start3A_919 = arith.constant 0 : i32
        %dma_start3A_920 = tpu.memref_slice %arg3[%dma_start3A_918, %dma_start3A_919] : memref<2000000x64xf32, #tpu.memory_space<hbm>> -> memref<2000000x64xf32, #tpu.memory_space<hbm>>
        tpu.enqueue_indirect_dma source(%dma_start3A_920 : memref<2000000x64xf32, #tpu.memory_space<hbm>>) target(%dma_start3A_914 : memref<26x64xf32, #tpu.memory_space<vmem>>) offsets(%dma_start3A_917 : memref<26xi32, #tpu.memory_space<vmem>>) semaphore(%arg7 : memref<!tpu.dma_semaphore, #tpu.memory_space<semaphore_mem>>)
        %add3A_921 = arith.constant 3 : i32
        %add3A_922 = arith.addi %mul3A_878, %add3A_921 : i32
        %dma_start3A_923 = arith.constant 0 : i32
        %dma_start3A_924 = arith.constant 3 : i32
        %dma_start3A_925 = arith.constant 0 : i32
        %dma_start3A_926 = arith.constant 0 : i32
        %dma_start3A_927 = tpu.memref_slice %arg6[%dma_start3A_923, %dma_start3A_924, %dma_start3A_925, %dma_start3A_926] : memref<2x16x26x64xf32, #tpu.memory_space<vmem>> -> memref<1x1x26x64xf32, #tpu.memory_space<vmem>>
        %dma_start3A_928 = tpu.memref_squeeze %dma_start3A_927 : memref<1x1x26x64xf32, #tpu.memory_space<vmem>> -> memref<26x64xf32, #tpu.memory_space<vmem>>
        %dma_start3A_929 = arith.constant 0 : i32
        %dma_start3A_930 = tpu.memref_slice %arg5[%add3A_922, %dma_start3A_929] : memref<512x26xi32, #tpu.memory_space<vmem>> -> memref<1x26xi32, #tpu.memory_space<vmem>>
        %dma_start3A_931 = tpu.memref_squeeze %dma_start3A_930 : memref<1x26xi32, #tpu.memory_space<vmem>> -> memref<26xi32, #tpu.memory_space<vmem>>
        %dma_start3A_932 = arith.constant 0 : i32
        %dma_start3A_933 = arith.constant 0 : i32
        %dma_start3A_934 = tpu.memref_slice %arg3[%dma_start3A_932, %dma_start3A_933] : memref<2000000x64xf32, #tpu.memory_space<hbm>> -> memref<2000000x64xf32, #tpu.memory_space<hbm>>
        tpu.enqueue_indirect_dma source(%dma_start3A_934 : memref<2000000x64xf32, #tpu.memory_space<hbm>>) target(%dma_start3A_928 : memref<26x64xf32, #tpu.memory_space<vmem>>) offsets(%dma_start3A_931 : memref<26xi32, #tpu.memory_space<vmem>>) semaphore(%arg7 : memref<!tpu.dma_semaphore, #tpu.memory_space<semaphore_mem>>)
        %add3A_935 = arith.constant 4 : i32
        %add3A_936 = arith.addi %mul3A_878, %add3A_935 : i32
        %dma_start3A_937 = arith.constant 0 : i32
        %dma_start3A_938 = arith.constant 4 : i32
        %dma_start3A_939 = arith.constant 0 : i32
        %dma_start3A_940 = arith.constant 0 : i32
        %dma_start3A_941 = tpu.memref_slice %arg6[%dma_start3A_937, %dma_start3A_938, %dma_start3A_939, %dma_start3A_940] : memref<2x16x26x64xf32, #tpu.memory_space<vmem>> -> memref<1x1x26x64xf32, #tpu.memory_space<vmem>>
        %dma_start3A_942 = tpu.memref_squeeze %dma_start3A_941 : memref<1x1x26x64xf32, #tpu.memory_space<vmem>> -> memref<26x64xf32, #tpu.memory_space<vmem>>
        %dma_start3A_943 = arith.constant 0 : i32
        %dma_start3A_944 = tpu.memref_slice %arg5[%add3A_936, %dma_start3A_943] : memref<512x26xi32, #tpu.memory_space<vmem>> -> memref<1x26xi32, #tpu.memory_space<vmem>>
        %dma_start3A_945 = tpu.memref_squeeze %dma_start3A_944 : memref<1x26xi32, #tpu.memory_space<vmem>> -> memref<26xi32, #tpu.memory_space<vmem>>
        %dma_start3A_946 = arith.constant 0 : i32
        %dma_start3A_947 = arith.constant 0 : i32
        %dma_start3A_948 = tpu.memref_slice %arg3[%dma_start3A_946, %dma_start3A_947] : memref<2000000x64xf32, #tpu.memory_space<hbm>> -> memref<2000000x64xf32, #tpu.memory_space<hbm>>
        tpu.enqueue_indirect_dma source(%dma_start3A_948 : memref<2000000x64xf32, #tpu.memory_space<hbm>>) target(%dma_start3A_942 : memref<26x64xf32, #tpu.memory_space<vmem>>) offsets(%dma_start3A_945 : memref<26xi32, #tpu.memory_space<vmem>>) semaphore(%arg7 : memref<!tpu.dma_semaphore, #tpu.memory_space<semaphore_mem>>)
        %add3A_949 = arith.constant 5 : i32
        %add3A_950 = arith.addi %mul3A_878, %add3A_949 : i32
        %dma_start3A_951 = arith.constant 0 : i32
        %dma_start3A_952 = arith.constant 5 : i32
        %dma_start3A_953 = arith.constant 0 : i32
        %dma_start3A_954 = arith.constant 0 : i32
        %dma_start3A_955 = tpu.memref_slice %arg6[%dma_start3A_951, %dma_start3A_952, %dma_start3A_953, %dma_start3A_954] : memref<2x16x26x64xf32, #tpu.memory_space<vmem>> -> memref<1x1x26x64xf32, #tpu.memory_space<vmem>>
        %dma_start3A_956 = tpu.memref_squeeze %dma_start3A_955 : memref<1x1x26x64xf32, #tpu.memory_space<vmem>> -> memref<26x64xf32, #tpu.memory_space<vmem>>
        %dma_start3A_957 = arith.constant 0 : i32
        %dma_start3A_958 = tpu.memref_slice %arg5[%add3A_950, %dma_start3A_957] : memref<512x26xi32, #tpu.memory_space<vmem>> -> memref<1x26xi32, #tpu.memory_space<vmem>>
        %dma_start3A_959 = tpu.memref_squeeze %dma_start3A_958 : memref<1x26xi32, #tpu.memory_space<vmem>> -> memref<26xi32, #tpu.memory_space<vmem>>
        %dma_start3A_960 = arith.constant 0 : i32
        %dma_start3A_961 = arith.constant 0 : i32
        %dma_start3A_962 = tpu.memref_slice %arg3[%dma_start3A_960, %dma_start3A_961] : memref<2000000x64xf32, #tpu.memory_space<hbm>> -> memref<2000000x64xf32, #tpu.memory_space<hbm>>
        tpu.enqueue_indirect_dma source(%dma_start3A_962 : memref<2000000x64xf32, #tpu.memory_space<hbm>>) target(%dma_start3A_956 : memref<26x64xf32, #tpu.memory_space<vmem>>) offsets(%dma_start3A_959 : memref<26xi32, #tpu.memory_space<vmem>>) semaphore(%arg7 : memref<!tpu.dma_semaphore, #tpu.memory_space<semaphore_mem>>)
        %add3A_963 = arith.constant 6 : i32
        %add3A_964 = arith.addi %mul3A_878, %add3A_963 : i32
        %dma_start3A_965 = arith.constant 0 : i32
        %dma_start3A_966 = arith.constant 6 : i32
        %dma_start3A_967 = arith.constant 0 : i32
        %dma_start3A_968 = arith.constant 0 : i32
        %dma_start3A_969 = tpu.memref_slice %arg6[%dma_start3A_965, %dma_start3A_966, %dma_start3A_967, %dma_start3A_968] : memref<2x16x26x64xf32, #tpu.memory_space<vmem>> -> memref<1x1x26x64xf32, #tpu.memory_space<vmem>>
        %dma_start3A_970 = tpu.memref_squeeze %dma_start3A_969 : memref<1x1x26x64xf32, #tpu.memory_space<vmem>> -> memref<26x64xf32, #tpu.memory_space<vmem>>
        %dma_start3A_971 = arith.constant 0 : i32
        %dma_start3A_972 = tpu.memref_slice %arg5[%add3A_964, %dma_start3A_971] : memref<512x26xi32, #tpu.memory_space<vmem>> -> memref<1x26xi32, #tpu.memory_space<vmem>>
        %dma_start3A_973 = tpu.memref_squeeze %dma_start3A_972 : memref<1x26xi32, #tpu.memory_space<vmem>> -> memref<26xi32, #tpu.memory_space<vmem>>
        %dma_start3A_974 = arith.constant 0 : i32
        %dma_start3A_975 = arith.constant 0 : i32
        %dma_start3A_976 = tpu.memref_slice %arg3[%dma_start3A_974, %dma_start3A_975] : memref<2000000x64xf32, #tpu.memory_space<hbm>> -> memref<2000000x64xf32, #tpu.memory_space<hbm>>
        tpu.enqueue_indirect_dma source(%dma_start3A_976 : memref<2000000x64xf32, #tpu.memory_space<hbm>>) target(%dma_start3A_970 : memref<26x64xf32, #tpu.memory_space<vmem>>) offsets(%dma_start3A_973 : memref<26xi32, #tpu.memory_space<vmem>>) semaphore(%arg7 : memref<!tpu.dma_semaphore, #tpu.memory_space<semaphore_mem>>)
        %add3A_977 = arith.constant 7 : i32
        %add3A_978 = arith.addi %mul3A_878, %add3A_977 : i32
        %dma_start3A_979 = arith.constant 0 : i32
        %dma_start3A_980 = arith.constant 7 : i32
        %dma_start3A_981 = arith.constant 0 : i32
        %dma_start3A_982 = arith.constant 0 : i32
        %dma_start3A_983 = tpu.memref_slice %arg6[%dma_start3A_979, %dma_start3A_980, %dma_start3A_981, %dma_start3A_982] : memref<2x16x26x64xf32, #tpu.memory_space<vmem>> -> memref<1x1x26x64xf32, #tpu.memory_space<vmem>>
        %dma_start3A_984 = tpu.memref_squeeze %dma_start3A_983 : memref<1x1x26x64xf32, #tpu.memory_space<vmem>> -> memref<26x64xf32, #tpu.memory_space<vmem>>
        %dma_start3A_985 = arith.constant 0 : i32
        %dma_start3A_986 = tpu.memref_slice %arg5[%add3A_978, %dma_start3A_985] : memref<512x26xi32, #tpu.memory_space<vmem>> -> memref<1x26xi32, #tpu.memory_space<vmem>>
        %dma_start3A_987 = tpu.memref_squeeze %dma_start3A_986 : memref<1x26xi32, #tpu.memory_space<vmem>> -> memref<26xi32, #tpu.memory_space<vmem>>
        %dma_start3A_988 = arith.constant 0 : i32
        %dma_start3A_989 = arith.constant 0 : i32
        %dma_start3A_990 = tpu.memref_slice %arg3[%dma_start3A_988, %dma_start3A_989] : memref<2000000x64xf32, #tpu.memory_space<hbm>> -> memref<2000000x64xf32, #tpu.memory_space<hbm>>
        tpu.enqueue_indirect_dma source(%dma_start3A_990 : memref<2000000x64xf32, #tpu.memory_space<hbm>>) target(%dma_start3A_984 : memref<26x64xf32, #tpu.memory_space<vmem>>) offsets(%dma_start3A_987 : memref<26xi32, #tpu.memory_space<vmem>>) semaphore(%arg7 : memref<!tpu.dma_semaphore, #tpu.memory_space<semaphore_mem>>)
        %add3A_991 = arith.constant 8 : i32
        %add3A_992 = arith.addi %mul3A_878, %add3A_991 : i32
        %dma_start3A_993 = arith.constant 0 : i32
        %dma_start3A_994 = arith.constant 8 : i32
        %dma_start3A_995 = arith.constant 0 : i32
        %dma_start3A_996 = arith.constant 0 : i32
        %dma_start3A_997 = tpu.memref_slice %arg6[%dma_start3A_993, %dma_start3A_994, %dma_start3A_995, %dma_start3A_996] : memref<2x16x26x64xf32, #tpu.memory_space<vmem>> -> memref<1x1x26x64xf32, #tpu.memory_space<vmem>>
        %dma_start3A_998 = tpu.memref_squeeze %dma_start3A_997 : memref<1x1x26x64xf32, #tpu.memory_space<vmem>> -> memref<26x64xf32, #tpu.memory_space<vmem>>
        %dma_start3A_999 = arith.constant 0 : i32
        %dma_start3A_1000 = tpu.memref_slice %arg5[%add3A_992, %dma_start3A_999] : memref<512x26xi32, #tpu.memory_space<vmem>> -> memref<1x26xi32, #tpu.memory_space<vmem>>
        %dma_start3A_1001 = tpu.memref_squeeze %dma_start3A_1000 : memref<1x26xi32, #tpu.memory_space<vmem>> -> memref<26xi32, #tpu.memory_space<vmem>>
        %dma_start3A_1002 = arith.constant 0 : i32
        %dma_start3A_1003 = arith.constant 0 : i32
        %dma_start3A_1004 = tpu.memref_slice %arg3[%dma_start3A_1002, %dma_start3A_1003] : memref<2000000x64xf32, #tpu.memory_space<hbm>> -> memref<2000000x64xf32, #tpu.memory_space<hbm>>
        tpu.enqueue_indirect_dma source(%dma_start3A_1004 : memref<2000000x64xf32, #tpu.memory_space<hbm>>) target(%dma_start3A_998 : memref<26x64xf32, #tpu.memory_space<vmem>>) offsets(%dma_start3A_1001 : memref<26xi32, #tpu.memory_space<vmem>>) semaphore(%arg7 : memref<!tpu.dma_semaphore, #tpu.memory_space<semaphore_mem>>)
        %add3A_1005 = arith.constant 9 : i32
        %add3A_1006 = arith.addi %mul3A_878, %add3A_1005 : i32
        %dma_start3A_1007 = arith.constant 0 : i32
        %dma_start3A_1008 = arith.constant 9 : i32
        %dma_start3A_1009 = arith.constant 0 : i32
        %dma_start3A_1010 = arith.constant 0 : i32
        %dma_start3A_1011 = tpu.memref_slice %arg6[%dma_start3A_1007, %dma_start3A_1008, %dma_start3A_1009, %dma_start3A_1010] : memref<2x16x26x64xf32, #tpu.memory_space<vmem>> -> memref<1x1x26x64xf32, #tpu.memory_space<vmem>>
        %dma_start3A_1012 = tpu.memref_squeeze %dma_start3A_1011 : memref<1x1x26x64xf32, #tpu.memory_space<vmem>> -> memref<26x64xf32, #tpu.memory_space<vmem>>
        %dma_start3A_1013 = arith.constant 0 : i32
        %dma_start3A_1014 = tpu.memref_slice %arg5[%add3A_1006, %dma_start3A_1013] : memref<512x26xi32, #tpu.memory_space<vmem>> -> memref<1x26xi32, #tpu.memory_space<vmem>>
        %dma_start3A_1015 = tpu.memref_squeeze %dma_start3A_1014 : memref<1x26xi32, #tpu.memory_space<vmem>> -> memref<26xi32, #tpu.memory_space<vmem>>
        %dma_start3A_1016 = arith.constant 0 : i32
        %dma_start3A_1017 = arith.constant 0 : i32
        %dma_start3A_1018 = tpu.memref_slice %arg3[%dma_start3A_1016, %dma_start3A_1017] : memref<2000000x64xf32, #tpu.memory_space<hbm>> -> memref<2000000x64xf32, #tpu.memory_space<hbm>>
        tpu.enqueue_indirect_dma source(%dma_start3A_1018 : memref<2000000x64xf32, #tpu.memory_space<hbm>>) target(%dma_start3A_1012 : memref<26x64xf32, #tpu.memory_space<vmem>>) offsets(%dma_start3A_1015 : memref<26xi32, #tpu.memory_space<vmem>>) semaphore(%arg7 : memref<!tpu.dma_semaphore, #tpu.memory_space<semaphore_mem>>)
        %add3A_1019 = arith.constant 10 : i32
        %add3A_1020 = arith.addi %mul3A_878, %add3A_1019 : i32
        %dma_start3A_1021 = arith.constant 0 : i32
        %dma_start3A_1022 = arith.constant 10 : i32
        %dma_start3A_1023 = arith.constant 0 : i32
        %dma_start3A_1024 = arith.constant 0 : i32
        %dma_start3A_1025 = tpu.memref_slice %arg6[%dma_start3A_1021, %dma_start3A_1022, %dma_start3A_1023, %dma_start3A_1024] : memref<2x16x26x64xf32, #tpu.memory_space<vmem>> -> memref<1x1x26x64xf32, #tpu.memory_space<vmem>>
        %dma_start3A_1026 = tpu.memref_squeeze %dma_start3A_1025 : memref<1x1x26x64xf32, #tpu.memory_space<vmem>> -> memref<26x64xf32, #tpu.memory_space<vmem>>
        %dma_start3A_1027 = arith.constant 0 : i32
        %dma_start3A_1028 = tpu.memref_slice %arg5[%add3A_1020, %dma_start3A_1027] : memref<512x26xi32, #tpu.memory_space<vmem>> -> memref<1x26xi32, #tpu.memory_space<vmem>>
        %dma_start3A_1029 = tpu.memref_squeeze %dma_start3A_1028 : memref<1x26xi32, #tpu.memory_space<vmem>> -> memref<26xi32, #tpu.memory_space<vmem>>
        %dma_start3A_1030 = arith.constant 0 : i32
        %dma_start3A_1031 = arith.constant 0 : i32
        %dma_start3A_1032 = tpu.memref_slice %arg3[%dma_start3A_1030, %dma_start3A_1031] : memref<2000000x64xf32, #tpu.memory_space<hbm>> -> memref<2000000x64xf32, #tpu.memory_space<hbm>>
        tpu.enqueue_indirect_dma source(%dma_start3A_1032 : memref<2000000x64xf32, #tpu.memory_space<hbm>>) target(%dma_start3A_1026 : memref<26x64xf32, #tpu.memory_space<vmem>>) offsets(%dma_start3A_1029 : memref<26xi32, #tpu.memory_space<vmem>>) semaphore(%arg7 : memref<!tpu.dma_semaphore, #tpu.memory_space<semaphore_mem>>)
        %add3A_1033 = arith.constant 11 : i32
        %add3A_1034 = arith.addi %mul3A_878, %add3A_1033 : i32
        %dma_start3A_1035 = arith.constant 0 : i32
        %dma_start3A_1036 = arith.constant 11 : i32
        %dma_start3A_1037 = arith.constant 0 : i32
        %dma_start3A_1038 = arith.constant 0 : i32
        %dma_start3A_1039 = tpu.memref_slice %arg6[%dma_start3A_1035, %dma_start3A_1036, %dma_start3A_1037, %dma_start3A_1038] : memref<2x16x26x64xf32, #tpu.memory_space<vmem>> -> memref<1x1x26x64xf32, #tpu.memory_space<vmem>>
        %dma_start3A_1040 = tpu.memref_squeeze %dma_start3A_1039 : memref<1x1x26x64xf32, #tpu.memory_space<vmem>> -> memref<26x64xf32, #tpu.memory_space<vmem>>
        %dma_start3A_1041 = arith.constant 0 : i32
        %dma_start3A_1042 = tpu.memref_slice %arg5[%add3A_1034, %dma_start3A_1041] : memref<512x26xi32, #tpu.memory_space<vmem>> -> memref<1x26xi32, #tpu.memory_space<vmem>>
        %dma_start3A_1043 = tpu.memref_squeeze %dma_start3A_1042 : memref<1x26xi32, #tpu.memory_space<vmem>> -> memref<26xi32, #tpu.memory_space<vmem>>
        %dma_start3A_1044 = arith.constant 0 : i32
        %dma_start3A_1045 = arith.constant 0 : i32
        %dma_start3A_1046 = tpu.memref_slice %arg3[%dma_start3A_1044, %dma_start3A_1045] : memref<2000000x64xf32, #tpu.memory_space<hbm>> -> memref<2000000x64xf32, #tpu.memory_space<hbm>>
        tpu.enqueue_indirect_dma source(%dma_start3A_1046 : memref<2000000x64xf32, #tpu.memory_space<hbm>>) target(%dma_start3A_1040 : memref<26x64xf32, #tpu.memory_space<vmem>>) offsets(%dma_start3A_1043 : memref<26xi32, #tpu.memory_space<vmem>>) semaphore(%arg7 : memref<!tpu.dma_semaphore, #tpu.memory_space<semaphore_mem>>)
        %add3A_1047 = arith.constant 12 : i32
        %add3A_1048 = arith.addi %mul3A_878, %add3A_1047 : i32
        %dma_start3A_1049 = arith.constant 0 : i32
        %dma_start3A_1050 = arith.constant 12 : i32
        %dma_start3A_1051 = arith.constant 0 : i32
        %dma_start3A_1052 = arith.constant 0 : i32
        %dma_start3A_1053 = tpu.memref_slice %arg6[%dma_start3A_1049, %dma_start3A_1050, %dma_start3A_1051, %dma_start3A_1052] : memref<2x16x26x64xf32, #tpu.memory_space<vmem>> -> memref<1x1x26x64xf32, #tpu.memory_space<vmem>>
        %dma_start3A_1054 = tpu.memref_squeeze %dma_start3A_1053 : memref<1x1x26x64xf32, #tpu.memory_space<vmem>> -> memref<26x64xf32, #tpu.memory_space<vmem>>
        %dma_start3A_1055 = arith.constant 0 : i32
        %dma_start3A_1056 = tpu.memref_slice %arg5[%add3A_1048, %dma_start3A_1055] : memref<512x26xi32, #tpu.memory_space<vmem>> -> memref<1x26xi32, #tpu.memory_space<vmem>>
        %dma_start3A_1057 = tpu.memref_squeeze %dma_start3A_1056 : memref<1x26xi32, #tpu.memory_space<vmem>> -> memref<26xi32, #tpu.memory_space<vmem>>
        %dma_start3A_1058 = arith.constant 0 : i32
        %dma_start3A_1059 = arith.constant 0 : i32
        %dma_start3A_1060 = tpu.memref_slice %arg3[%dma_start3A_1058, %dma_start3A_1059] : memref<2000000x64xf32, #tpu.memory_space<hbm>> -> memref<2000000x64xf32, #tpu.memory_space<hbm>>
        tpu.enqueue_indirect_dma source(%dma_start3A_1060 : memref<2000000x64xf32, #tpu.memory_space<hbm>>) target(%dma_start3A_1054 : memref<26x64xf32, #tpu.memory_space<vmem>>) offsets(%dma_start3A_1057 : memref<26xi32, #tpu.memory_space<vmem>>) semaphore(%arg7 : memref<!tpu.dma_semaphore, #tpu.memory_space<semaphore_mem>>)
        %add3A_1061 = arith.constant 13 : i32
        %add3A_1062 = arith.addi %mul3A_878, %add3A_1061 : i32
        %dma_start3A_1063 = arith.constant 0 : i32
        %dma_start3A_1064 = arith.constant 13 : i32
        %dma_start3A_1065 = arith.constant 0 : i32
        %dma_start3A_1066 = arith.constant 0 : i32
        %dma_start3A_1067 = tpu.memref_slice %arg6[%dma_start3A_1063, %dma_start3A_1064, %dma_start3A_1065, %dma_start3A_1066] : memref<2x16x26x64xf32, #tpu.memory_space<vmem>> -> memref<1x1x26x64xf32, #tpu.memory_space<vmem>>
        %dma_start3A_1068 = tpu.memref_squeeze %dma_start3A_1067 : memref<1x1x26x64xf32, #tpu.memory_space<vmem>> -> memref<26x64xf32, #tpu.memory_space<vmem>>
        %dma_start3A_1069 = arith.constant 0 : i32
        %dma_start3A_1070 = tpu.memref_slice %arg5[%add3A_1062, %dma_start3A_1069] : memref<512x26xi32, #tpu.memory_space<vmem>> -> memref<1x26xi32, #tpu.memory_space<vmem>>
        %dma_start3A_1071 = tpu.memref_squeeze %dma_start3A_1070 : memref<1x26xi32, #tpu.memory_space<vmem>> -> memref<26xi32, #tpu.memory_space<vmem>>
        %dma_start3A_1072 = arith.constant 0 : i32
        %dma_start3A_1073 = arith.constant 0 : i32
        %dma_start3A_1074 = tpu.memref_slice %arg3[%dma_start3A_1072, %dma_start3A_1073] : memref<2000000x64xf32, #tpu.memory_space<hbm>> -> memref<2000000x64xf32, #tpu.memory_space<hbm>>
        tpu.enqueue_indirect_dma source(%dma_start3A_1074 : memref<2000000x64xf32, #tpu.memory_space<hbm>>) target(%dma_start3A_1068 : memref<26x64xf32, #tpu.memory_space<vmem>>) offsets(%dma_start3A_1071 : memref<26xi32, #tpu.memory_space<vmem>>) semaphore(%arg7 : memref<!tpu.dma_semaphore, #tpu.memory_space<semaphore_mem>>)
        %add3A_1075 = arith.constant 14 : i32
        %add3A_1076 = arith.addi %mul3A_878, %add3A_1075 : i32
        %dma_start3A_1077 = arith.constant 0 : i32
        %dma_start3A_1078 = arith.constant 14 : i32
        %dma_start3A_1079 = arith.constant 0 : i32
        %dma_start3A_1080 = arith.constant 0 : i32
        %dma_start3A_1081 = tpu.memref_slice %arg6[%dma_start3A_1077, %dma_start3A_1078, %dma_start3A_1079, %dma_start3A_1080] : memref<2x16x26x64xf32, #tpu.memory_space<vmem>> -> memref<1x1x26x64xf32, #tpu.memory_space<vmem>>
        %dma_start3A_1082 = tpu.memref_squeeze %dma_start3A_1081 : memref<1x1x26x64xf32, #tpu.memory_space<vmem>> -> memref<26x64xf32, #tpu.memory_space<vmem>>
        %dma_start3A_1083 = arith.constant 0 : i32
        %dma_start3A_1084 = tpu.memref_slice %arg5[%add3A_1076, %dma_start3A_1083] : memref<512x26xi32, #tpu.memory_space<vmem>> -> memref<1x26xi32, #tpu.memory_space<vmem>>
        %dma_start3A_1085 = tpu.memref_squeeze %dma_start3A_1084 : memref<1x26xi32, #tpu.memory_space<vmem>> -> memref<26xi32, #tpu.memory_space<vmem>>
        %dma_start3A_1086 = arith.constant 0 : i32
        %dma_start3A_1087 = arith.constant 0 : i32
        %dma_start3A_1088 = tpu.memref_slice %arg3[%dma_start3A_1086, %dma_start3A_1087] : memref<2000000x64xf32, #tpu.memory_space<hbm>> -> memref<2000000x64xf32, #tpu.memory_space<hbm>>
        tpu.enqueue_indirect_dma source(%dma_start3A_1088 : memref<2000000x64xf32, #tpu.memory_space<hbm>>) target(%dma_start3A_1082 : memref<26x64xf32, #tpu.memory_space<vmem>>) offsets(%dma_start3A_1085 : memref<26xi32, #tpu.memory_space<vmem>>) semaphore(%arg7 : memref<!tpu.dma_semaphore, #tpu.memory_space<semaphore_mem>>)
        %add3A_1089 = arith.constant 15 : i32
        %add3A_1090 = arith.addi %mul3A_878, %add3A_1089 : i32
        %dma_start3A_1091 = arith.constant 0 : i32
        %dma_start3A_1092 = arith.constant 15 : i32
        %dma_start3A_1093 = arith.constant 0 : i32
        %dma_start3A_1094 = arith.constant 0 : i32
        %dma_start3A_1095 = tpu.memref_slice %arg6[%dma_start3A_1091, %dma_start3A_1092, %dma_start3A_1093, %dma_start3A_1094] : memref<2x16x26x64xf32, #tpu.memory_space<vmem>> -> memref<1x1x26x64xf32, #tpu.memory_space<vmem>>
        %dma_start3A_1096 = tpu.memref_squeeze %dma_start3A_1095 : memref<1x1x26x64xf32, #tpu.memory_space<vmem>> -> memref<26x64xf32, #tpu.memory_space<vmem>>
        %dma_start3A_1097 = arith.constant 0 : i32
        %dma_start3A_1098 = tpu.memref_slice %arg5[%add3A_1090, %dma_start3A_1097] : memref<512x26xi32, #tpu.memory_space<vmem>> -> memref<1x26xi32, #tpu.memory_space<vmem>>
        %dma_start3A_1099 = tpu.memref_squeeze %dma_start3A_1098 : memref<1x26xi32, #tpu.memory_space<vmem>> -> memref<26xi32, #tpu.memory_space<vmem>>
        %dma_start3A_1100 = arith.constant 0 : i32
        %dma_start3A_1101 = arith.constant 0 : i32
        %dma_start3A_1102 = tpu.memref_slice %arg3[%dma_start3A_1100, %dma_start3A_1101] : memref<2000000x64xf32, #tpu.memory_space<hbm>> -> memref<2000000x64xf32, #tpu.memory_space<hbm>>
        tpu.enqueue_indirect_dma source(%dma_start3A_1102 : memref<2000000x64xf32, #tpu.memory_space<hbm>>) target(%dma_start3A_1096 : memref<26x64xf32, #tpu.memory_space<vmem>>) offsets(%dma_start3A_1099 : memref<26xi32, #tpu.memory_space<vmem>>) semaphore(%arg7 : memref<!tpu.dma_semaphore, #tpu.memory_space<semaphore_mem>>)
      } else {
      }
      %dma_wait3A_662 = arith.constant 0 : i32
      %dma_wait3A_663 = arith.constant 1 : i32
      %dma_wait3A_664 = arith.constant 0 : i32
      %dma_wait3A_665 = arith.constant 0 : i32
      %dma_wait3A_666 = arith.constant 0 : i32
      %dma_wait3A_667 = tpu.memref_slice %arg6[%dma_wait3A_663, %dma_wait3A_664, %dma_wait3A_665, %dma_wait3A_666] : memref<2x16x26x64xf32, #tpu.memory_space<vmem>> -> memref<1x1x26x64xf32, #tpu.memory_space<vmem>>
      %dma_wait3A_668 = tpu.memref_squeeze %dma_wait3A_667 : memref<1x1x26x64xf32, #tpu.memory_space<vmem>> -> memref<26x64xf32, #tpu.memory_space<vmem>>
      %dma_wait3A_669 = arith.constant 0 : i32
      %dma_wait3A_670 = tpu.memref_slice %arg5[%dma_wait3A_662, %dma_wait3A_669] : memref<512x26xi32, #tpu.memory_space<vmem>> -> memref<1x26xi32, #tpu.memory_space<vmem>>
      %dma_wait3A_671 = tpu.memref_squeeze %dma_wait3A_670 : memref<1x26xi32, #tpu.memory_space<vmem>> -> memref<26xi32, #tpu.memory_space<vmem>>
      %dma_wait3A_672 = arith.constant 0 : i32
      %dma_wait3A_673 = arith.constant 0 : i32
      %dma_wait3A_674 = tpu.memref_slice %arg3[%dma_wait3A_672, %dma_wait3A_673] : memref<2000000x64xf32, #tpu.memory_space<hbm>> -> memref<2000000x64xf32, #tpu.memory_space<hbm>>
      tpu.wait_indirect_dma semaphore(%arg8 : memref<!tpu.dma_semaphore, #tpu.memory_space<semaphore_mem>>) src(%dma_wait3A_674 : memref<2000000x64xf32, #tpu.memory_space<hbm>>) dst(%dma_wait3A_668 : memref<26x64xf32, #tpu.memory_space<vmem>>)
      %dma_wait3A_675 = arith.constant 1 : i32
      %dma_wait3A_676 = arith.constant 1 : i32
      %dma_wait3A_677 = arith.constant 1 : i32
      %dma_wait3A_678 = arith.constant 0 : i32
      %dma_wait3A_679 = arith.constant 0 : i32
      %dma_wait3A_680 = tpu.memref_slice %arg6[%dma_wait3A_676, %dma_wait3A_677, %dma_wait3A_678, %dma_wait3A_679] : memref<2x16x26x64xf32, #tpu.memory_space<vmem>> -> memref<1x1x26x64xf32, #tpu.memory_space<vmem>>
      %dma_wait3A_681 = tpu.memref_squeeze %dma_wait3A_680 : memref<1x1x26x64xf32, #tpu.memory_space<vmem>> -> memref<26x64xf32, #tpu.memory_space<vmem>>
      %dma_wait3A_682 = arith.constant 0 : i32
      %dma_wait3A_683 = tpu.memref_slice %arg5[%dma_wait3A_675, %dma_wait3A_682] : memref<512x26xi32, #tpu.memory_space<vmem>> -> memref<1x26xi32, #tpu.memory_space<vmem>>
      %dma_wait3A_684 = tpu.memref_squeeze %dma_wait3A_683 : memref<1x26xi32, #tpu.memory_space<vmem>> -> memref<26xi32, #tpu.memory_space<vmem>>
      %dma_wait3A_685 = arith.constant 0 : i32
      %dma_wait3A_686 = arith.constant 0 : i32
      %dma_wait3A_687 = tpu.memref_slice %arg3[%dma_wait3A_685, %dma_wait3A_686] : memref<2000000x64xf32, #tpu.memory_space<hbm>> -> memref<2000000x64xf32, #tpu.memory_space<hbm>>
      tpu.wait_indirect_dma semaphore(%arg8 : memref<!tpu.dma_semaphore, #tpu.memory_space<semaphore_mem>>) src(%dma_wait3A_687 : memref<2000000x64xf32, #tpu.memory_space<hbm>>) dst(%dma_wait3A_681 : memref<26x64xf32, #tpu.memory_space<vmem>>)
      %dma_wait3A_688 = arith.constant 2 : i32
      %dma_wait3A_689 = arith.constant 1 : i32
      %dma_wait3A_690 = arith.constant 2 : i32
      %dma_wait3A_691 = arith.constant 0 : i32
      %dma_wait3A_692 = arith.constant 0 : i32
      %dma_wait3A_693 = tpu.memref_slice %arg6[%dma_wait3A_689, %dma_wait3A_690, %dma_wait3A_691, %dma_wait3A_692] : memref<2x16x26x64xf32, #tpu.memory_space<vmem>> -> memref<1x1x26x64xf32, #tpu.memory_space<vmem>>
      %dma_wait3A_694 = tpu.memref_squeeze %dma_wait3A_693 : memref<1x1x26x64xf32, #tpu.memory_space<vmem>> -> memref<26x64xf32, #tpu.memory_space<vmem>>
      %dma_wait3A_695 = arith.constant 0 : i32
      %dma_wait3A_696 = tpu.memref_slice %arg5[%dma_wait3A_688, %dma_wait3A_695] : memref<512x26xi32, #tpu.memory_space<vmem>> -> memref<1x26xi32, #tpu.memory_space<vmem>>
      %dma_wait3A_697 = tpu.memref_squeeze %dma_wait3A_696 : memref<1x26xi32, #tpu.memory_space<vmem>> -> memref<26xi32, #tpu.memory_space<vmem>>
      %dma_wait3A_698 = arith.constant 0 : i32
      %dma_wait3A_699 = arith.constant 0 : i32
      %dma_wait3A_700 = tpu.memref_slice %arg3[%dma_wait3A_698, %dma_wait3A_699] : memref<2000000x64xf32, #tpu.memory_space<hbm>> -> memref<2000000x64xf32, #tpu.memory_space<hbm>>
      tpu.wait_indirect_dma semaphore(%arg8 : memref<!tpu.dma_semaphore, #tpu.memory_space<semaphore_mem>>) src(%dma_wait3A_700 : memref<2000000x64xf32, #tpu.memory_space<hbm>>) dst(%dma_wait3A_694 : memref<26x64xf32, #tpu.memory_space<vmem>>)
      %dma_wait3A_701 = arith.constant 3 : i32
      %dma_wait3A_702 = arith.constant 1 : i32
      %dma_wait3A_703 = arith.constant 3 : i32
      %dma_wait3A_704 = arith.constant 0 : i32
      %dma_wait3A_705 = arith.constant 0 : i32
      %dma_wait3A_706 = tpu.memref_slice %arg6[%dma_wait3A_702, %dma_wait3A_703, %dma_wait3A_704, %dma_wait3A_705] : memref<2x16x26x64xf32, #tpu.memory_space<vmem>> -> memref<1x1x26x64xf32, #tpu.memory_space<vmem>>
      %dma_wait3A_707 = tpu.memref_squeeze %dma_wait3A_706 : memref<1x1x26x64xf32, #tpu.memory_space<vmem>> -> memref<26x64xf32, #tpu.memory_space<vmem>>
      %dma_wait3A_708 = arith.constant 0 : i32
      %dma_wait3A_709 = tpu.memref_slice %arg5[%dma_wait3A_701, %dma_wait3A_708] : memref<512x26xi32, #tpu.memory_space<vmem>> -> memref<1x26xi32, #tpu.memory_space<vmem>>
      %dma_wait3A_710 = tpu.memref_squeeze %dma_wait3A_709 : memref<1x26xi32, #tpu.memory_space<vmem>> -> memref<26xi32, #tpu.memory_space<vmem>>
      %dma_wait3A_711 = arith.constant 0 : i32
      %dma_wait3A_712 = arith.constant 0 : i32
      %dma_wait3A_713 = tpu.memref_slice %arg3[%dma_wait3A_711, %dma_wait3A_712] : memref<2000000x64xf32, #tpu.memory_space<hbm>> -> memref<2000000x64xf32, #tpu.memory_space<hbm>>
      tpu.wait_indirect_dma semaphore(%arg8 : memref<!tpu.dma_semaphore, #tpu.memory_space<semaphore_mem>>) src(%dma_wait3A_713 : memref<2000000x64xf32, #tpu.memory_space<hbm>>) dst(%dma_wait3A_707 : memref<26x64xf32, #tpu.memory_space<vmem>>)
      %dma_wait3A_714 = arith.constant 4 : i32
      %dma_wait3A_715 = arith.constant 1 : i32
      %dma_wait3A_716 = arith.constant 4 : i32
      %dma_wait3A_717 = arith.constant 0 : i32
      %dma_wait3A_718 = arith.constant 0 : i32
      %dma_wait3A_719 = tpu.memref_slice %arg6[%dma_wait3A_715, %dma_wait3A_716, %dma_wait3A_717, %dma_wait3A_718] : memref<2x16x26x64xf32, #tpu.memory_space<vmem>> -> memref<1x1x26x64xf32, #tpu.memory_space<vmem>>
      %dma_wait3A_720 = tpu.memref_squeeze %dma_wait3A_719 : memref<1x1x26x64xf32, #tpu.memory_space<vmem>> -> memref<26x64xf32, #tpu.memory_space<vmem>>
      %dma_wait3A_721 = arith.constant 0 : i32
      %dma_wait3A_722 = tpu.memref_slice %arg5[%dma_wait3A_714, %dma_wait3A_721] : memref<512x26xi32, #tpu.memory_space<vmem>> -> memref<1x26xi32, #tpu.memory_space<vmem>>
      %dma_wait3A_723 = tpu.memref_squeeze %dma_wait3A_722 : memref<1x26xi32, #tpu.memory_space<vmem>> -> memref<26xi32, #tpu.memory_space<vmem>>
      %dma_wait3A_724 = arith.constant 0 : i32
      %dma_wait3A_725 = arith.constant 0 : i32
      %dma_wait3A_726 = tpu.memref_slice %arg3[%dma_wait3A_724, %dma_wait3A_725] : memref<2000000x64xf32, #tpu.memory_space<hbm>> -> memref<2000000x64xf32, #tpu.memory_space<hbm>>
      tpu.wait_indirect_dma semaphore(%arg8 : memref<!tpu.dma_semaphore, #tpu.memory_space<semaphore_mem>>) src(%dma_wait3A_726 : memref<2000000x64xf32, #tpu.memory_space<hbm>>) dst(%dma_wait3A_720 : memref<26x64xf32, #tpu.memory_space<vmem>>)
      %dma_wait3A_727 = arith.constant 5 : i32
      %dma_wait3A_728 = arith.constant 1 : i32
      %dma_wait3A_729 = arith.constant 5 : i32
      %dma_wait3A_730 = arith.constant 0 : i32
      %dma_wait3A_731 = arith.constant 0 : i32
      %dma_wait3A_732 = tpu.memref_slice %arg6[%dma_wait3A_728, %dma_wait3A_729, %dma_wait3A_730, %dma_wait3A_731] : memref<2x16x26x64xf32, #tpu.memory_space<vmem>> -> memref<1x1x26x64xf32, #tpu.memory_space<vmem>>
      %dma_wait3A_733 = tpu.memref_squeeze %dma_wait3A_732 : memref<1x1x26x64xf32, #tpu.memory_space<vmem>> -> memref<26x64xf32, #tpu.memory_space<vmem>>
      %dma_wait3A_734 = arith.constant 0 : i32
      %dma_wait3A_735 = tpu.memref_slice %arg5[%dma_wait3A_727, %dma_wait3A_734] : memref<512x26xi32, #tpu.memory_space<vmem>> -> memref<1x26xi32, #tpu.memory_space<vmem>>
      %dma_wait3A_736 = tpu.memref_squeeze %dma_wait3A_735 : memref<1x26xi32, #tpu.memory_space<vmem>> -> memref<26xi32, #tpu.memory_space<vmem>>
      %dma_wait3A_737 = arith.constant 0 : i32
      %dma_wait3A_738 = arith.constant 0 : i32
      %dma_wait3A_739 = tpu.memref_slice %arg3[%dma_wait3A_737, %dma_wait3A_738] : memref<2000000x64xf32, #tpu.memory_space<hbm>> -> memref<2000000x64xf32, #tpu.memory_space<hbm>>
      tpu.wait_indirect_dma semaphore(%arg8 : memref<!tpu.dma_semaphore, #tpu.memory_space<semaphore_mem>>) src(%dma_wait3A_739 : memref<2000000x64xf32, #tpu.memory_space<hbm>>) dst(%dma_wait3A_733 : memref<26x64xf32, #tpu.memory_space<vmem>>)
      %dma_wait3A_740 = arith.constant 6 : i32
      %dma_wait3A_741 = arith.constant 1 : i32
      %dma_wait3A_742 = arith.constant 6 : i32
      %dma_wait3A_743 = arith.constant 0 : i32
      %dma_wait3A_744 = arith.constant 0 : i32
      %dma_wait3A_745 = tpu.memref_slice %arg6[%dma_wait3A_741, %dma_wait3A_742, %dma_wait3A_743, %dma_wait3A_744] : memref<2x16x26x64xf32, #tpu.memory_space<vmem>> -> memref<1x1x26x64xf32, #tpu.memory_space<vmem>>
      %dma_wait3A_746 = tpu.memref_squeeze %dma_wait3A_745 : memref<1x1x26x64xf32, #tpu.memory_space<vmem>> -> memref<26x64xf32, #tpu.memory_space<vmem>>
      %dma_wait3A_747 = arith.constant 0 : i32
      %dma_wait3A_748 = tpu.memref_slice %arg5[%dma_wait3A_740, %dma_wait3A_747] : memref<512x26xi32, #tpu.memory_space<vmem>> -> memref<1x26xi32, #tpu.memory_space<vmem>>
      %dma_wait3A_749 = tpu.memref_squeeze %dma_wait3A_748 : memref<1x26xi32, #tpu.memory_space<vmem>> -> memref<26xi32, #tpu.memory_space<vmem>>
      %dma_wait3A_750 = arith.constant 0 : i32
      %dma_wait3A_751 = arith.constant 0 : i32
      %dma_wait3A_752 = tpu.memref_slice %arg3[%dma_wait3A_750, %dma_wait3A_751] : memref<2000000x64xf32, #tpu.memory_space<hbm>> -> memref<2000000x64xf32, #tpu.memory_space<hbm>>
      tpu.wait_indirect_dma semaphore(%arg8 : memref<!tpu.dma_semaphore, #tpu.memory_space<semaphore_mem>>) src(%dma_wait3A_752 : memref<2000000x64xf32, #tpu.memory_space<hbm>>) dst(%dma_wait3A_746 : memref<26x64xf32, #tpu.memory_space<vmem>>)
      %dma_wait3A_753 = arith.constant 7 : i32
      %dma_wait3A_754 = arith.constant 1 : i32
      %dma_wait3A_755 = arith.constant 7 : i32
      %dma_wait3A_756 = arith.constant 0 : i32
      %dma_wait3A_757 = arith.constant 0 : i32
      %dma_wait3A_758 = tpu.memref_slice %arg6[%dma_wait3A_754, %dma_wait3A_755, %dma_wait3A_756, %dma_wait3A_757] : memref<2x16x26x64xf32, #tpu.memory_space<vmem>> -> memref<1x1x26x64xf32, #tpu.memory_space<vmem>>
      %dma_wait3A_759 = tpu.memref_squeeze %dma_wait3A_758 : memref<1x1x26x64xf32, #tpu.memory_space<vmem>> -> memref<26x64xf32, #tpu.memory_space<vmem>>
      %dma_wait3A_760 = arith.constant 0 : i32
      %dma_wait3A_761 = tpu.memref_slice %arg5[%dma_wait3A_753, %dma_wait3A_760] : memref<512x26xi32, #tpu.memory_space<vmem>> -> memref<1x26xi32, #tpu.memory_space<vmem>>
      %dma_wait3A_762 = tpu.memref_squeeze %dma_wait3A_761 : memref<1x26xi32, #tpu.memory_space<vmem>> -> memref<26xi32, #tpu.memory_space<vmem>>
      %dma_wait3A_763 = arith.constant 0 : i32
      %dma_wait3A_764 = arith.constant 0 : i32
      %dma_wait3A_765 = tpu.memref_slice %arg3[%dma_wait3A_763, %dma_wait3A_764] : memref<2000000x64xf32, #tpu.memory_space<hbm>> -> memref<2000000x64xf32, #tpu.memory_space<hbm>>
      tpu.wait_indirect_dma semaphore(%arg8 : memref<!tpu.dma_semaphore, #tpu.memory_space<semaphore_mem>>) src(%dma_wait3A_765 : memref<2000000x64xf32, #tpu.memory_space<hbm>>) dst(%dma_wait3A_759 : memref<26x64xf32, #tpu.memory_space<vmem>>)
      %dma_wait3A_766 = arith.constant 8 : i32
      %dma_wait3A_767 = arith.constant 1 : i32
      %dma_wait3A_768 = arith.constant 8 : i32
      %dma_wait3A_769 = arith.constant 0 : i32
      %dma_wait3A_770 = arith.constant 0 : i32
      %dma_wait3A_771 = tpu.memref_slice %arg6[%dma_wait3A_767, %dma_wait3A_768, %dma_wait3A_769, %dma_wait3A_770] : memref<2x16x26x64xf32, #tpu.memory_space<vmem>> -> memref<1x1x26x64xf32, #tpu.memory_space<vmem>>
      %dma_wait3A_772 = tpu.memref_squeeze %dma_wait3A_771 : memref<1x1x26x64xf32, #tpu.memory_space<vmem>> -> memref<26x64xf32, #tpu.memory_space<vmem>>
      %dma_wait3A_773 = arith.constant 0 : i32
      %dma_wait3A_774 = tpu.memref_slice %arg5[%dma_wait3A_766, %dma_wait3A_773] : memref<512x26xi32, #tpu.memory_space<vmem>> -> memref<1x26xi32, #tpu.memory_space<vmem>>
      %dma_wait3A_775 = tpu.memref_squeeze %dma_wait3A_774 : memref<1x26xi32, #tpu.memory_space<vmem>> -> memref<26xi32, #tpu.memory_space<vmem>>
      %dma_wait3A_776 = arith.constant 0 : i32
      %dma_wait3A_777 = arith.constant 0 : i32
      %dma_wait3A_778 = tpu.memref_slice %arg3[%dma_wait3A_776, %dma_wait3A_777] : memref<2000000x64xf32, #tpu.memory_space<hbm>> -> memref<2000000x64xf32, #tpu.memory_space<hbm>>
      tpu.wait_indirect_dma semaphore(%arg8 : memref<!tpu.dma_semaphore, #tpu.memory_space<semaphore_mem>>) src(%dma_wait3A_778 : memref<2000000x64xf32, #tpu.memory_space<hbm>>) dst(%dma_wait3A_772 : memref<26x64xf32, #tpu.memory_space<vmem>>)
      %dma_wait3A_779 = arith.constant 9 : i32
      %dma_wait3A_780 = arith.constant 1 : i32
      %dma_wait3A_781 = arith.constant 9 : i32
      %dma_wait3A_782 = arith.constant 0 : i32
      %dma_wait3A_783 = arith.constant 0 : i32
      %dma_wait3A_784 = tpu.memref_slice %arg6[%dma_wait3A_780, %dma_wait3A_781, %dma_wait3A_782, %dma_wait3A_783] : memref<2x16x26x64xf32, #tpu.memory_space<vmem>> -> memref<1x1x26x64xf32, #tpu.memory_space<vmem>>
      %dma_wait3A_785 = tpu.memref_squeeze %dma_wait3A_784 : memref<1x1x26x64xf32, #tpu.memory_space<vmem>> -> memref<26x64xf32, #tpu.memory_space<vmem>>
      %dma_wait3A_786 = arith.constant 0 : i32
      %dma_wait3A_787 = tpu.memref_slice %arg5[%dma_wait3A_779, %dma_wait3A_786] : memref<512x26xi32, #tpu.memory_space<vmem>> -> memref<1x26xi32, #tpu.memory_space<vmem>>
      %dma_wait3A_788 = tpu.memref_squeeze %dma_wait3A_787 : memref<1x26xi32, #tpu.memory_space<vmem>> -> memref<26xi32, #tpu.memory_space<vmem>>
      %dma_wait3A_789 = arith.constant 0 : i32
      %dma_wait3A_790 = arith.constant 0 : i32
      %dma_wait3A_791 = tpu.memref_slice %arg3[%dma_wait3A_789, %dma_wait3A_790] : memref<2000000x64xf32, #tpu.memory_space<hbm>> -> memref<2000000x64xf32, #tpu.memory_space<hbm>>
      tpu.wait_indirect_dma semaphore(%arg8 : memref<!tpu.dma_semaphore, #tpu.memory_space<semaphore_mem>>) src(%dma_wait3A_791 : memref<2000000x64xf32, #tpu.memory_space<hbm>>) dst(%dma_wait3A_785 : memref<26x64xf32, #tpu.memory_space<vmem>>)
      %dma_wait3A_792 = arith.constant 10 : i32
      %dma_wait3A_793 = arith.constant 1 : i32
      %dma_wait3A_794 = arith.constant 10 : i32
      %dma_wait3A_795 = arith.constant 0 : i32
      %dma_wait3A_796 = arith.constant 0 : i32
      %dma_wait3A_797 = tpu.memref_slice %arg6[%dma_wait3A_793, %dma_wait3A_794, %dma_wait3A_795, %dma_wait3A_796] : memref<2x16x26x64xf32, #tpu.memory_space<vmem>> -> memref<1x1x26x64xf32, #tpu.memory_space<vmem>>
      %dma_wait3A_798 = tpu.memref_squeeze %dma_wait3A_797 : memref<1x1x26x64xf32, #tpu.memory_space<vmem>> -> memref<26x64xf32, #tpu.memory_space<vmem>>
      %dma_wait3A_799 = arith.constant 0 : i32
      %dma_wait3A_800 = tpu.memref_slice %arg5[%dma_wait3A_792, %dma_wait3A_799] : memref<512x26xi32, #tpu.memory_space<vmem>> -> memref<1x26xi32, #tpu.memory_space<vmem>>
      %dma_wait3A_801 = tpu.memref_squeeze %dma_wait3A_800 : memref<1x26xi32, #tpu.memory_space<vmem>> -> memref<26xi32, #tpu.memory_space<vmem>>
      %dma_wait3A_802 = arith.constant 0 : i32
      %dma_wait3A_803 = arith.constant 0 : i32
      %dma_wait3A_804 = tpu.memref_slice %arg3[%dma_wait3A_802, %dma_wait3A_803] : memref<2000000x64xf32, #tpu.memory_space<hbm>> -> memref<2000000x64xf32, #tpu.memory_space<hbm>>
      tpu.wait_indirect_dma semaphore(%arg8 : memref<!tpu.dma_semaphore, #tpu.memory_space<semaphore_mem>>) src(%dma_wait3A_804 : memref<2000000x64xf32, #tpu.memory_space<hbm>>) dst(%dma_wait3A_798 : memref<26x64xf32, #tpu.memory_space<vmem>>)
      %dma_wait3A_805 = arith.constant 11 : i32
      %dma_wait3A_806 = arith.constant 1 : i32
      %dma_wait3A_807 = arith.constant 11 : i32
      %dma_wait3A_808 = arith.constant 0 : i32
      %dma_wait3A_809 = arith.constant 0 : i32
      %dma_wait3A_810 = tpu.memref_slice %arg6[%dma_wait3A_806, %dma_wait3A_807, %dma_wait3A_808, %dma_wait3A_809] : memref<2x16x26x64xf32, #tpu.memory_space<vmem>> -> memref<1x1x26x64xf32, #tpu.memory_space<vmem>>
      %dma_wait3A_811 = tpu.memref_squeeze %dma_wait3A_810 : memref<1x1x26x64xf32, #tpu.memory_space<vmem>> -> memref<26x64xf32, #tpu.memory_space<vmem>>
      %dma_wait3A_812 = arith.constant 0 : i32
      %dma_wait3A_813 = tpu.memref_slice %arg5[%dma_wait3A_805, %dma_wait3A_812] : memref<512x26xi32, #tpu.memory_space<vmem>> -> memref<1x26xi32, #tpu.memory_space<vmem>>
      %dma_wait3A_814 = tpu.memref_squeeze %dma_wait3A_813 : memref<1x26xi32, #tpu.memory_space<vmem>> -> memref<26xi32, #tpu.memory_space<vmem>>
      %dma_wait3A_815 = arith.constant 0 : i32
      %dma_wait3A_816 = arith.constant 0 : i32
      %dma_wait3A_817 = tpu.memref_slice %arg3[%dma_wait3A_815, %dma_wait3A_816] : memref<2000000x64xf32, #tpu.memory_space<hbm>> -> memref<2000000x64xf32, #tpu.memory_space<hbm>>
      tpu.wait_indirect_dma semaphore(%arg8 : memref<!tpu.dma_semaphore, #tpu.memory_space<semaphore_mem>>) src(%dma_wait3A_817 : memref<2000000x64xf32, #tpu.memory_space<hbm>>) dst(%dma_wait3A_811 : memref<26x64xf32, #tpu.memory_space<vmem>>)
      %dma_wait3A_818 = arith.constant 12 : i32
      %dma_wait3A_819 = arith.constant 1 : i32
      %dma_wait3A_820 = arith.constant 12 : i32
      %dma_wait3A_821 = arith.constant 0 : i32
      %dma_wait3A_822 = arith.constant 0 : i32
      %dma_wait3A_823 = tpu.memref_slice %arg6[%dma_wait3A_819, %dma_wait3A_820, %dma_wait3A_821, %dma_wait3A_822] : memref<2x16x26x64xf32, #tpu.memory_space<vmem>> -> memref<1x1x26x64xf32, #tpu.memory_space<vmem>>
      %dma_wait3A_824 = tpu.memref_squeeze %dma_wait3A_823 : memref<1x1x26x64xf32, #tpu.memory_space<vmem>> -> memref<26x64xf32, #tpu.memory_space<vmem>>
      %dma_wait3A_825 = arith.constant 0 : i32
      %dma_wait3A_826 = tpu.memref_slice %arg5[%dma_wait3A_818, %dma_wait3A_825] : memref<512x26xi32, #tpu.memory_space<vmem>> -> memref<1x26xi32, #tpu.memory_space<vmem>>
      %dma_wait3A_827 = tpu.memref_squeeze %dma_wait3A_826 : memref<1x26xi32, #tpu.memory_space<vmem>> -> memref<26xi32, #tpu.memory_space<vmem>>
      %dma_wait3A_828 = arith.constant 0 : i32
      %dma_wait3A_829 = arith.constant 0 : i32
      %dma_wait3A_830 = tpu.memref_slice %arg3[%dma_wait3A_828, %dma_wait3A_829] : memref<2000000x64xf32, #tpu.memory_space<hbm>> -> memref<2000000x64xf32, #tpu.memory_space<hbm>>
      tpu.wait_indirect_dma semaphore(%arg8 : memref<!tpu.dma_semaphore, #tpu.memory_space<semaphore_mem>>) src(%dma_wait3A_830 : memref<2000000x64xf32, #tpu.memory_space<hbm>>) dst(%dma_wait3A_824 : memref<26x64xf32, #tpu.memory_space<vmem>>)
      %dma_wait3A_831 = arith.constant 13 : i32
      %dma_wait3A_832 = arith.constant 1 : i32
      %dma_wait3A_833 = arith.constant 13 : i32
      %dma_wait3A_834 = arith.constant 0 : i32
      %dma_wait3A_835 = arith.constant 0 : i32
      %dma_wait3A_836 = tpu.memref_slice %arg6[%dma_wait3A_832, %dma_wait3A_833, %dma_wait3A_834, %dma_wait3A_835] : memref<2x16x26x64xf32, #tpu.memory_space<vmem>> -> memref<1x1x26x64xf32, #tpu.memory_space<vmem>>
      %dma_wait3A_837 = tpu.memref_squeeze %dma_wait3A_836 : memref<1x1x26x64xf32, #tpu.memory_space<vmem>> -> memref<26x64xf32, #tpu.memory_space<vmem>>
      %dma_wait3A_838 = arith.constant 0 : i32
      %dma_wait3A_839 = tpu.memref_slice %arg5[%dma_wait3A_831, %dma_wait3A_838] : memref<512x26xi32, #tpu.memory_space<vmem>> -> memref<1x26xi32, #tpu.memory_space<vmem>>
      %dma_wait3A_840 = tpu.memref_squeeze %dma_wait3A_839 : memref<1x26xi32, #tpu.memory_space<vmem>> -> memref<26xi32, #tpu.memory_space<vmem>>
      %dma_wait3A_841 = arith.constant 0 : i32
      %dma_wait3A_842 = arith.constant 0 : i32
      %dma_wait3A_843 = tpu.memref_slice %arg3[%dma_wait3A_841, %dma_wait3A_842] : memref<2000000x64xf32, #tpu.memory_space<hbm>> -> memref<2000000x64xf32, #tpu.memory_space<hbm>>
      tpu.wait_indirect_dma semaphore(%arg8 : memref<!tpu.dma_semaphore, #tpu.memory_space<semaphore_mem>>) src(%dma_wait3A_843 : memref<2000000x64xf32, #tpu.memory_space<hbm>>) dst(%dma_wait3A_837 : memref<26x64xf32, #tpu.memory_space<vmem>>)
      %dma_wait3A_844 = arith.constant 14 : i32
      %dma_wait3A_845 = arith.constant 1 : i32
      %dma_wait3A_846 = arith.constant 14 : i32
      %dma_wait3A_847 = arith.constant 0 : i32
      %dma_wait3A_848 = arith.constant 0 : i32
      %dma_wait3A_849 = tpu.memref_slice %arg6[%dma_wait3A_845, %dma_wait3A_846, %dma_wait3A_847, %dma_wait3A_848] : memref<2x16x26x64xf32, #tpu.memory_space<vmem>> -> memref<1x1x26x64xf32, #tpu.memory_space<vmem>>
      %dma_wait3A_850 = tpu.memref_squeeze %dma_wait3A_849 : memref<1x1x26x64xf32, #tpu.memory_space<vmem>> -> memref<26x64xf32, #tpu.memory_space<vmem>>
      %dma_wait3A_851 = arith.constant 0 : i32
      %dma_wait3A_852 = tpu.memref_slice %arg5[%dma_wait3A_844, %dma_wait3A_851] : memref<512x26xi32, #tpu.memory_space<vmem>> -> memref<1x26xi32, #tpu.memory_space<vmem>>
      %dma_wait3A_853 = tpu.memref_squeeze %dma_wait3A_852 : memref<1x26xi32, #tpu.memory_space<vmem>> -> memref<26xi32, #tpu.memory_space<vmem>>
      %dma_wait3A_854 = arith.constant 0 : i32
      %dma_wait3A_855 = arith.constant 0 : i32
      %dma_wait3A_856 = tpu.memref_slice %arg3[%dma_wait3A_854, %dma_wait3A_855] : memref<2000000x64xf32, #tpu.memory_space<hbm>> -> memref<2000000x64xf32, #tpu.memory_space<hbm>>
      tpu.wait_indirect_dma semaphore(%arg8 : memref<!tpu.dma_semaphore, #tpu.memory_space<semaphore_mem>>) src(%dma_wait3A_856 : memref<2000000x64xf32, #tpu.memory_space<hbm>>) dst(%dma_wait3A_850 : memref<26x64xf32, #tpu.memory_space<vmem>>)
      %dma_wait3A_857 = arith.constant 15 : i32
      %dma_wait3A_858 = arith.constant 1 : i32
      %dma_wait3A_859 = arith.constant 15 : i32
      %dma_wait3A_860 = arith.constant 0 : i32
      %dma_wait3A_861 = arith.constant 0 : i32
      %dma_wait3A_862 = tpu.memref_slice %arg6[%dma_wait3A_858, %dma_wait3A_859, %dma_wait3A_860, %dma_wait3A_861] : memref<2x16x26x64xf32, #tpu.memory_space<vmem>> -> memref<1x1x26x64xf32, #tpu.memory_space<vmem>>
      %dma_wait3A_863 = tpu.memref_squeeze %dma_wait3A_862 : memref<1x1x26x64xf32, #tpu.memory_space<vmem>> -> memref<26x64xf32, #tpu.memory_space<vmem>>
      %dma_wait3A_864 = arith.constant 0 : i32
      %dma_wait3A_865 = tpu.memref_slice %arg5[%dma_wait3A_857, %dma_wait3A_864] : memref<512x26xi32, #tpu.memory_space<vmem>> -> memref<1x26xi32, #tpu.memory_space<vmem>>
      %dma_wait3A_866 = tpu.memref_squeeze %dma_wait3A_865 : memref<1x26xi32, #tpu.memory_space<vmem>> -> memref<26xi32, #tpu.memory_space<vmem>>
      %dma_wait3A_867 = arith.constant 0 : i32
      %dma_wait3A_868 = arith.constant 0 : i32
      %dma_wait3A_869 = tpu.memref_slice %arg3[%dma_wait3A_867, %dma_wait3A_868] : memref<2000000x64xf32, #tpu.memory_space<hbm>> -> memref<2000000x64xf32, #tpu.memory_space<hbm>>
      tpu.wait_indirect_dma semaphore(%arg8 : memref<!tpu.dma_semaphore, #tpu.memory_space<semaphore_mem>>) src(%dma_wait3A_869 : memref<2000000x64xf32, #tpu.memory_space<hbm>>) dst(%dma_wait3A_863 : memref<26x64xf32, #tpu.memory_space<vmem>>)
      %mul3A_870 = arith.constant 16 : i32
      %mul3A_871 = arith.muli %add3A_223, %mul3A_870 : i32
      %add3A_872 = arith.addi %mul3A_2, %mul3A_871 : i32
      %run_scoped3A_873 = arith.constant 1 : i32
      "tpu.region"() ({
        %run_scoped3A_875 = tpu.sem_alloc : memref<!tpu.dma_semaphore, #tpu.memory_space<semaphore_mem>>
        %dma_start3A_876 = arith.constant 0 : i32
        %dma_start3A_877 = arith.constant 0 : i32
        %dma_start3A_878 = arith.constant 0 : i32
        %dma_start3A_879 = tpu.memref_slice %arg6[%run_scoped3A_873, %dma_start3A_876, %dma_start3A_877, %dma_start3A_878] : memref<2x16x26x64xf32, #tpu.memory_space<vmem>> -> memref<1x16x26x64xf32, #tpu.memory_space<vmem>>
        %dma_start3A_880 = tpu.memref_squeeze %dma_start3A_879 : memref<1x16x26x64xf32, #tpu.memory_space<vmem>> -> memref<16x26x64xf32, #tpu.memory_space<vmem>>
        %dma_start3A_881 = arith.constant 0 : i32
        %dma_start3A_882 = arith.constant 0 : i32
        %dma_start3A_883 = tpu.memref_slice %arg4[%add3A_872, %dma_start3A_881, %dma_start3A_882] : memref<16384x26x64xf32, #tpu.memory_space<hbm>> -> memref<16x26x64xf32, #tpu.memory_space<hbm>>
        %dma_start3A_884 = arith.constant 0 : i32
        %dma_start3A_885 = arith.constant 0 : i32
        %dma_start3A_886 = tpu.memref_slice %arg4[%add3A_872, %dma_start3A_884, %dma_start3A_885] : memref<16384x26x64xf32, #tpu.memory_space<hbm>> -> memref<16x26x64xf32, #tpu.memory_space<hbm>>
        %dma_start3A_887 = arith.constant 0 : i32
        %dma_start3A_888 = arith.constant 0 : i32
        %dma_start3A_889 = arith.constant 0 : i32
        %dma_start3A_890 = tpu.memref_slice %arg6[%run_scoped3A_873, %dma_start3A_887, %dma_start3A_888, %dma_start3A_889] : memref<2x16x26x64xf32, #tpu.memory_space<vmem>> -> memref<1x16x26x64xf32, #tpu.memory_space<vmem>>
        %dma_start3A_891 = tpu.memref_squeeze %dma_start3A_890 : memref<1x16x26x64xf32, #tpu.memory_space<vmem>> -> memref<16x26x64xf32, #tpu.memory_space<vmem>>
        tpu.enqueue_dma source(%dma_start3A_891 : memref<16x26x64xf32, #tpu.memory_space<vmem>>) target(%dma_start3A_886 : memref<16x26x64xf32, #tpu.memory_space<hbm>>) target_semaphore(%run_scoped3A_875 : memref<!tpu.dma_semaphore, #tpu.memory_space<semaphore_mem>>)
        %dma_wait3A_892 = arith.constant 0 : i32
        %dma_wait3A_893 = arith.constant 0 : i32
        %dma_wait3A_894 = arith.constant 0 : i32
        %dma_wait3A_895 = tpu.memref_slice %arg6[%run_scoped3A_873, %dma_wait3A_892, %dma_wait3A_893, %dma_wait3A_894] : memref<2x16x26x64xf32, #tpu.memory_space<vmem>> -> memref<1x16x26x64xf32, #tpu.memory_space<vmem>>
        %dma_wait3A_896 = tpu.memref_squeeze %dma_wait3A_895 : memref<1x16x26x64xf32, #tpu.memory_space<vmem>> -> memref<16x26x64xf32, #tpu.memory_space<vmem>>
        %dma_wait3A_897 = arith.constant 0 : i32
        %dma_wait3A_898 = arith.constant 0 : i32
        %dma_wait3A_899 = tpu.memref_slice %arg4[%add3A_872, %dma_wait3A_897, %dma_wait3A_898] : memref<16384x26x64xf32, #tpu.memory_space<hbm>> -> memref<16x26x64xf32, #tpu.memory_space<hbm>>
        %dma_wait3A_900 = arith.constant 0 : i32
        %dma_wait3A_901 = arith.constant 0 : i32
        %dma_wait3A_902 = tpu.memref_slice %arg4[%add3A_872, %dma_wait3A_900, %dma_wait3A_901] : memref<16384x26x64xf32, #tpu.memory_space<hbm>> -> memref<16x26x64xf32, #tpu.memory_space<hbm>>
        %dma_wait3A_903 = arith.constant 0 : i32
        %dma_wait3A_904 = arith.constant 0 : i32
        %dma_wait3A_905 = arith.constant 0 : i32
        %dma_wait3A_906 = tpu.memref_slice %arg6[%run_scoped3A_873, %dma_wait3A_903, %dma_wait3A_904, %dma_wait3A_905] : memref<2x16x26x64xf32, #tpu.memory_space<vmem>> -> memref<1x16x26x64xf32, #tpu.memory_space<vmem>>
        %dma_wait3A_907 = tpu.memref_squeeze %dma_wait3A_906 : memref<1x16x26x64xf32, #tpu.memory_space<vmem>> -> memref<16x26x64xf32, #tpu.memory_space<vmem>>
        tpu.wait_dma2 semaphore(%run_scoped3A_875 : memref<!tpu.dma_semaphore, #tpu.memory_space<semaphore_mem>>) src(%dma_wait3A_907 : memref<16x26x64xf32, #tpu.memory_space<vmem>>) dst(%dma_wait3A_902 : memref<16x26x64xf32, #tpu.memory_space<hbm>>)
        tpu.yield
      }) : () -> ()
      %scan3A_874 = arith.constant 0 : i32
      scf.yield %scan3A_874 : i32
    }
    %scan3A_215 = arith.constant 16 : i32
    return
  }
}

</mosaic_0001>

<sc_bundles>
// kernel: kernel.3.cloned.1.call-start
scs
__scs_entry_jumppad:
0x0: {  	(pc) =	sbr.rel $0x88, $3  }
0x1: {  	(tag) =	ssettag $0x0;
	lr =	simm.s32 $0x1  }
0x2: {  	[smem:$0x3F9F] =	sst lr;
	_ =	strace $0xD0000000  }
0x3: {  	_ = 	snop  }
0x4: {  	_ = 	snop  }
0x5: {  	_ = 	snop  }
0x6: {  	_ = 	snop  }
0x7: {  	_ = 	snop  }
__scs_overlays_trampoline_lowered:
0x8: {  	[smem:$0x3FAE] =	sst s0  }
0x9: {  	[smem:$0x3FAF] =	sst s1  }
0xa: {  	[smem:$0x3FB0] =	sst s2  }
0xb: {  	[smem:$0x3FB1] =	sst s3  }
0xc: {  	[smem:$0x3FB2] =	sst s4  }
0xd: {  	[smem:$0x3FB3] =	sst s5  }
0xe: {  	[smem:$0x3FB4] =	sst s6  }
0xf: {  	[smem:$0x3FB5] =	sst s7  }
0x10: {  	[smem:$0x3FB6] =	sst s8  }
0x11: {  	[smem:$0x3FB7] =	sst s9;
	s0 =	simm.s32 @!p0 $0x0  }
0x12: {  	s1 =	sld [smem:$0x3F9D];
	s0 =	simm.s32 @p0 $0x1  }
0x13: {  	[smem:$0x3FB8] =	sst s0;
	s0 =	simm.s32 @!p1 $0x0  }
0x14: {  	s2 =	sld [smem:$0x3F9C];
	s0 =	simm.s32 @p1 $0x1  }
0x15: {  	[smem:$0x3FB9] =	sst s0;
	s0 =	simm.s32 @!p2 $0x0  }
0x16: {  	s3 =	sld [smem:$0x3FDB];
	s0 =	simm.s32 @p2 $0x1  }
0x17: {  	s4 =	simm.s32 $0x1BF5;
	[smem:$0x3FBB] =	sst s0  }
0x18: {  	s0 =	sld [smem:$0x3F9E];
	_ =	swait.ge [sflag:s4], $0x0  }
0x19: {  	s7 =	sld [smem:$0x3F9F]  }
0x1a: {  	s8 =	sadd.s32 $0xFFFFE003, lr  }
0x1b: {  	s9 =	sadd.s32 $0xFFFFFEF7, lr;
	s5 =	simm.s32 $0xFFFFFFFF;
	p2 =	slt.u32 s8, $0xFFFFF086  }
0x1c: {  	p1 =	slt.u32 s9, $0xF7A;
	s5 =	simm.s32 @!p2 $0x0  }
0x1d: {  	s5 =	simm.s32 @p1 $0x1;
	p0 =	seq.s32 s7, s2  }
0x1e: {  	s7 =	smul.u32 @!p0 $0xF7A, s2;
	p2 =	seq.s32 @!p0 s5, $0x0  }
0x1f: {  	s9 =	smul.u32 $0xF7A, s1;
	s8 =	simm.s32 @!p0 $0x1BF5;
	p2 =	por !p2, p0  }
0x20: {  	[sflag:s8] =	ssyncset.s32 @!p0 $0xFFFFF086;
	s6 =	sadd.s32 @!p0 s3, s7;
	s7 =	simm.s32 @!p0 $0x108  }
0x21: {  	s3 =	sadd.s32 s3, s9;
	s6 =	sadd.s32 @!p0 $0x88, s6;
	s7 =	simm.s32 @p2 $0x1082  }
0x22: {  	[simem:s7], [sflag:s8] =	dma.local @!p0 [hbm:s6], $0xF7A  }
0x23: {  	s9 =	sor.u32 $0xD0000000, s2;
	s6 =	simm.s32 $0x108;
	_ =	swait.ge @!p0 [sflag:s8], $0x0  }
0x24: {  	s3 =	sadd.s32 $0x88, s3;
	s6 =	simm.s32 @!p1 $0x1082;
	[sflag:s4] =	ssyncset.s32 $0xFFFFF086  }
0x25: {  	[simem:s6], [sflag:s4] =	dma.local [hbm:s3], $0xF7A  }
0x26: {  	[smem:$0x3F9F] =	sst s1;
	(tag) =	ssettag s2;
	_ =	strace s9  }
0x27: {  	s1 =	sld [smem:$0x3FAF]  }
0x28: {  	s2 =	sld [smem:$0x3FB0]  }
0x29: {  	s4 =	sld [smem:$0x3FB2]  }
0x2a: {  	p0 =	seq.s32 s5, $0x0;
	s5 =	sld [smem:$0x3FB3]  }
0x2b: {  	s6 =	sld [smem:$0x3FB4]  }
0x2c: {  	s7 =	sld [smem:$0x3FB5]  }
0x2d: {  	s3 =	simm.s32 $0x108;
	s8 =	sld [smem:$0x3FB6]  }
0x2e: {  	s3 =	simm.s32 @!p0 $0x1082;
	s9 =	sld [smem:$0x3FB7]  }
0x2f: {  	lr =	sadd.s32 s0, s3;
	s0 =	sld [smem:$0x3FAE]  }
0x30: {  	s3 =	sld [smem:$0x3FB1]  }
0x31: {  	[smem:$0x3FBA] =	sst s10  }
0x32: {  	s10 =	sld [smem:$0x3FB8];
	_ =	sdelay $0x3  }
0x33: {  	p0 =	seq.s32 s10, $0x1;
	s10 =	sld [smem:$0x3FBA];
	_ =	sdelay $0x3  }
0x34: {  	[smem:$0x3FBA] =	sst s10  }
0x35: {  	s10 =	sld [smem:$0x3FB9];
	_ =	sdelay $0x3  }
0x36: {  	p1 =	seq.s32 s10, $0x1;
	s10 =	sld [smem:$0x3FBA];
	_ =	sdelay $0x3  }
0x37: {  	[smem:$0x3FBA] =	sst s10  }
0x38: {  	s10 =	sld [smem:$0x3FBB]  }
0x39: {  	_ = 	snop;
	(pc) =	sbr.ind lr, $3  }
0x3a: {  	_ = 	snop  }
0x3b: {  	_ = 	snop  }
0x3c: {  	p2 =	seq.s32 s10, $0x1;
	s10 =	sld [smem:$0x3FBA]  }
0x3d: {  	_ =	shalt  }
0x3e: {  	_ =	shalt  }
0x3f: {  	_ =	shalt  }
0x40: {  	_ =	shalt  }
0x41: {  	_ =	shalt  }
0x42: {  	_ =	shalt  }
0x43: {  	_ =	shalt  }
0x44: {  	_ =	shalt  }
0x45: {  	_ =	shalt  }
0x46: {  	_ =	shalt  }
0x47: {  	_ =	shalt  }
0x48: {  	_ =	shalt  }
0x49: {  	_ =	shalt  }
0x4a: {  	_ =	shalt  }
0x4b: {  	_ =	shalt  }
0x4c: {  	_ =	shalt  }
0x4d: {  	_ =	shalt  }
0x4e: {  	_ =	shalt  }
0x4f: {  	_ =	shalt  }
0x50: {  	_ =	shalt  }
0x51: {  	_ =	shalt  }
0x52: {  	_ =	shalt  }
0x53: {  	_ =	shalt  }
0x54: {  	_ =	shalt  }
0x55: {  	_ =	shalt  }
0x56: {  	_ =	shalt  }
0x57: {  	_ =	shalt  }
0x58: {  	_ =	shalt  }
0x59: {  	_ =	shalt  }
0x5a: {  	_ =	shalt  }
0x5b: {  	_ =	shalt  }
0x5c: {  	_ =	shalt  }
0x5d: {  	_ =	shalt  }
0x5e: {  	_ =	shalt  }
0x5f: {  	_ =	shalt  }
0x60: {  	_ =	shalt  }
0x61: {  	_ =	shalt  }
0x62: {  	_ =	shalt  }
0x63: {  	_ =	shalt  }
0x64: {  	_ =	shalt  }
0x65: {  	_ =	shalt  }
0x66: {  	_ =	shalt  }
0x67: {  	_ =	shalt  }
0x68: {  	_ =	shalt  }
0x69: {  	_ =	shalt  }
0x6a: {  	_ =	shalt  }
0x6b: {  	_ =	shalt  }
0x6c: {  	_ =	shalt  }
0x6d: {  	_ =	shalt  }
0x6e: {  	_ =	shalt  }
0x6f: {  	_ =	shalt  }
0x70: {  	_ =	shalt  }
0x71: {  	_ =	shalt  }
0x72: {  	_ =	shalt  }
0x73: {  	_ =	shalt  }
0x74: {  	_ =	shalt  }
0x75: {  	_ =	shalt  }
0x76: {  	_ =	shalt  }
0x77: {  	_ =	shalt  }
0x78: {  	_ =	shalt  }
0x79: {  	_ =	shalt  }
0x7a: {  	_ =	shalt  }
0x7b: {  	_ =	shalt  }
0x7c: {  	_ =	shalt  }
0x7d: {  	_ =	shalt  }
0x7e: {  	_ =	shalt  }
0x7f: {  	_ =	shalt  }
0x80: {  	_ =	shalt  }
0x81: {  	_ =	shalt  }
0x82: {  	_ =	shalt  }
0x83: {  	_ =	shalt  }
0x84: {  	_ =	shalt  }
0x85: {  	_ =	shalt  }
0x86: {  	_ =	shalt  }
0x87: {  	_ =	shalt  }
.Lfunc_end0:
.L_simem_size_0:
called_computation.2_lowered:
.L_overlay_start_0:
0x88: {  	s2 =	sld [smem:$0x3FD9]  }
0x89: {  	s3 =	sld [smem:$0x3FFE];
	_ =	sdelay $0x1  }
0x8a: {  	s1 =	srdreg.scid  }
0x8b: {  	s0 =	sand.u32 $0x1, s1  }
0x8c: {  	s17 =	sshll.u32 s0, $0xA;
	s2 =	sadd.s32 s3, s2  }
0x8d: {  	s2 =	sadd.s32 s2, s17  }
0x8e: {  	[smem:$0x3FC6] =	sst s2  }
0x8f: {  	_ = 	snop  }
0x90: {  	s2 =	sld [smem:$0x3FD0];
	(tm) =	ssettm $0x1  }
0x91: {  	s18 =	sld [smem:$0x3FFB];
	_ =	sdelay $0x3  }
0x92: {  	_ =	strace s18  }
0x93: {  	s3 =	sld [smem:$0x3FFC];
	_ =	sdelay $0x3  }
0x94: {  	_ =	strace s3  }
0x95: {  	s3 =	sld [smem:$0x3FFD];
	_ =	sdelay $0x3  }
0x96: {  	_ =	strace s3  }
0x97: {  	_ =	strace $0x8FFFFFFF  }
0x98: {  	s19 =	sld [smem:$0x3FDB];
	_ =	sdelay $0x1  }
0x99: {  	s4 =	simm.s32 $_scs_section_size  }
0x9a: {  	s5 =	simm.s32 $_size__tile_overlayer_lowered;
	s6 =	simm.s32 $_tile_overlayer_lowered  }
0x9b: {  	s22 =	simm.s32 $0x1BFF;
	s21 =	sshll.u32 s6, $0x1;
	s3 =	sadd.s32 s4, s19  }
0x9c: {  	s7 =	simm.s32 $0x0;
	s20 =	sshll.u32 s5, $0x1;
	s5 =	sadd.s32 s21, s3  }
0x9d: {  	[timem:s7], [sflag:s22] =	dma.local [hbm:s5], s20  }
0x9e: {  	_ =	swait.ge [sflag:s22], s20  }
0x9f: {  	s4 =	ssub.s32 $0x0, s20;
	[sflag:s22] =	ssyncset.done $0x0  }
0xa0: {  	[sflag:s22] =	ssyncadd.s32 s4;
	_ =	sdelay $0x1  }
0xa1: {  	s23 =	simm.s32 $0x1B8B  }
0xa2: {  	_ =	swait.ge [sflag:s23], $0x1  }
0xa3: {  	[sflag:s23] =	ssyncset.done $0x0  }
0xa4: {  	s25 =	simm.s32 $0x1B8E;
	s24 =	sld [smem:$0x3FFE];
	[sflag:s23] =	ssyncadd.s32 $0xFFFFFFFF  }
0xa5: {  	s26 =	simm.s32 $execute0_lowered;
	[smem:$0x3FD2] =	sst s25  }
0xa6: {  	s5 =	sshll.u32 s26, $0x1;
	_ =	strace $0x80000049;
	[dreg:$0x1] =	wrdreg $0xFFFFFFFF  }
0xa7: {  	s28 =	simm.s32 $_size_execute0_lowered;
	s3 =	sadd.s32 s3, s5;
	[dreg:$0x0] =	wrdreg $0x0  }
0xa8: {  	s5 =	sshll.u32 s28, $0x1;
	[dreg:$0x2] =	wrdreg s3  }
0xa9: {  	[dreg:$0x3] =	wrdreg s5  }
0xaa: {  	[dreg:$0x4] =	wrdreg $0xC0  }
0xab: {  	_ =	task [dreg:s7], $0x5FFFF  }
0xac: {  	[dreg:$0x1] =	wrdreg $0xFFFFFFFF  }
0xad: {  	[dreg:$0x0] =	wrdreg $0x60  }
0xae: {  	[dreg:$0x2] =	wrdreg s24  }
0xaf: {  	[dreg:$0x3] =	wrdreg s2  }
0xb0: {  	[dreg:$0x4] =	wrdreg $0x9  }
0xb1: {  	_ =	task.clear_ibuf [dreg:s7], $0x5FFFF;
	_ =	strace $0x90000049  }
0xb2: {  	s29 =	simm.s32 $0x9;
	_ =	strace $0x8000004B  }
0xb3: {  	_ =	swait.ge [sflag:s29], $0x1  }
0xb4: {  	[sflag:s29] =	ssyncadd.s32 $0xFFFFFFFF  }
0xb5: {  	_ =	strace $0x9000004B  }
0xb6: {  	_ =	sfence  }
0xb7: {  	s30 =	sld [smem:$0x0];
	_ =	sdelay $0x2  }
0xb8: {  	s31 =	sshll.u32 s1, $0xD;
	s1 =	sshrl.u32 s1, $0x2  }
0xb9: {  	s3 =	sand.u32 $0x4000, s31;
	s1 =	sadd.s32 s1, s30  }
0xba: {  	s0 =	sor.u32 s3, s0;
	s1 =	sshll.u32 s1, $0x11  }
0xbb: {  	s0 =	sor.u32 s1, s0  }
0xbc: {  	s0 =	sadd.s32 $0x8F2B, s0  }
0xbd: {  	[sflag:s0] =	ssyncadd.remote.s32 $0x1  }
0xbe: {  	_ =	sfence.sel $0xFFFF  }
0xbf: {  	[dreg:$0x0] =	wrdreg $0xFFFFFFFF;
	(pc) =	sbr.abs _section_cstart, $3  }
0xc0: {  	[dreg:$0x1] =	wrdreg $0xFFFFFFFF  }
0xc1: {  	_ =	task.clear_ibuf [dreg:s7], $0x2FFFF;
	_ =	strace $0x9FFFFFFF  }
0xc2: {  	(tm) =	ssettm $0x7FFFFFFF  }
0xc3: {  	_ =	shalt  }
tec
execute0_lowered:
.L_overlay_start_1:
0x0: {  	(tag) =	ssettag $0x1  }
0x1: {  	s0 =	rddreg [dreg:$0x0]  }
0x2: {  	s1 =	rddreg [dreg:$0x1];
	s2 =	simm.s32 $0x0  }
0x3: {  	s16 =	simm.s32 $0xAE80;
	[smem:$0x7FF] =	sst s2  }
0x4: {  	s17 =	simm.s32 $0xB500;
	_ =	strace $0x8000004A;
	[dreg:$0x3] =	wrdreg s16  }
0x5: {  	s18 =	simm.s32 $0xBB80;
	[dreg:$0x4] =	wrdreg s17  }
0x6: {  	s19 =	simm.s32 $0xC200;
	[dreg:$0x5] =	wrdreg s18  }
0x7: {  	s20 =	simm.s32 $0xC880;
	[dreg:$0x6] =	wrdreg s19  }
0x8: {  	s21 =	simm.s32 $0xCF00;
	[dreg:$0x7] =	wrdreg s20  }
0x9: {  	s3 =	srdreg.scid;
	s22 =	simm.s32 $0xD580;
	[dreg:$0x8] =	wrdreg s21  }
0xa: {  	s7 =	stileid.u32;
	s23 =	simm.s32 $0xDC00;
	[dreg:$0x9] =	wrdreg s22  }
0xb: {  	s9 =	simm.s32 $0x4000;
	s24 =	simm.s32 $0xE280;
	[dreg:$0xa] =	wrdreg s23  }
0xc: {  	s25 =	simm.s32 $0xE900;
	s26 =	simm.s32 $0xEF80;
	[dreg:$0xb] =	wrdreg s24  }
0xd: {  	s28 =	simm.s32 $0xF600;
	s29 =	simm.s32 $0xFC80;
	[dreg:$0xc] =	wrdreg s25  }
0xe: {  	s30 =	simm.s32 $0x10300;
	s31 =	simm.s32 $0x10980;
	[dreg:$0xd] =	wrdreg s26  }
0xf: {  	s12 =	simm.s32 $0x9480;
	s13 =	simm.s32 $0x1C0;
	[dreg:$0xe] =	wrdreg s28  }
0x10: {  	s4 =	sand.u32 $0x1, s3;
	s14 =	sshll.u32 s7, $0xC;
	[dreg:$0xf] =	wrdreg s29  }
0x11: {  	s7 =	smul.u32 $0x34000, s7;
	s5 =	sshll.u32 s4, $0xB;
	[dreg:$0x10] =	wrdreg s30  }
0x12: {  	s6 =	ssub.s32 $0x2, s4;
	s8 =	smul.u32 $0x1A000, s4;
	[dreg:$0x11] =	wrdreg s31  }
0x13: {  	s16 =	simm.s32 $0xA180;
	s17 =	simm.s32 $0xA800;
	s18 =	simm.s32 $0x1  }
0x14: {  	s19 =	simm.s32 $0x2;
	s20 =	simm.s32 $0x0;
	s3 =	sor.u32 s5, s14  }
0x15: {  	s15 =	sshrl.u32 s6, $0x1;
	s1 =	sadd.s32 s7, s1;
	s7 =	simm.s32 $0x3  }
0x16: {  	s14 =	simm.s32 $0x9B00;
	s5 =	sadd.s32 s3, s0;
	s3 =	sadd.s32 $0xF53200, s0  }
0x17: {  	s0 =	ssub.s32 s6, s15;
	s6 =	sadd.s32 s8, s1;
	s8 =	simm.s32 $0x1A  }
0x18: {  	s15 =	simm.s32 $0x1E0;
	s4 =	sadd.s32 $0xF43200, s5;
	s5 =	smax.u32 s0, $0x1  }
.LBB2_1:
0x19: {  	[tilespmem:s2], [sflag:$0x3] =	stream.linear.gather [hbm4b:s4+s2], $0x4000, $0x38;
	[tilespmem:$0x11000] =	vst v63  }
0x1a: {  	_ =	swait.ge [sflag:s7], $0x4000  }
0x1b: {  	[sflag:s7] =	ssyncset.done $0x0  }
0x1c: {  	[sflag:s7] =	ssyncadd.s32 $0xFFFFC000  }
0x1d: {  	[tilespmem:s9], [sflag:$0x1] =	stream.indirect.gather [hbm4b:s3+s8], $0x40, s2, s8, $0xb8;
	[tilespmem:$0x11000] =	vst v63  }
0x1e: {  	s0 =	simm.s32 $0x20;
	s1 =	simm.s32 $0x4680  }
0x1f: {  	[tilespmem:s1], [sflag:$0x1] =	stream.indirect.gather [hbm4b:s3+s8], $0x40, s0, s8, $0xb8;
	[tilespmem:$0x11000] =	vst v63  }
0x20: {  	s28 =	simm.s32 $0x40;
	s29 =	simm.s32 $0x4D00  }
0x21: {  	[tilespmem:s29], [sflag:$0x1] =	stream.indirect.gather [hbm4b:s3+s8], $0x40, s28, s8, $0xb8;
	[tilespmem:$0x11000] =	vst v63  }
0x22: {  	s30 =	simm.s32 $0x60;
	s31 =	simm.s32 $0x5380  }
0x23: {  	[tilespmem:s31], [sflag:$0x1] =	stream.indirect.gather [hbm4b:s3+s8], $0x40, s30, s8, $0xb8;
	[tilespmem:$0x11000] =	vst v63  }
0x24: {  	s10 =	simm.s32 $0x80;
	s11 =	simm.s32 $0x5A00  }
0x25: {  	[tilespmem:s11], [sflag:$0x1] =	stream.indirect.gather [hbm4b:s3+s8], $0x40, s10, s8, $0xb8;
	[tilespmem:$0x11000] =	vst v63  }
0x26: {  	s21 =	simm.s32 $0xA0;
	s22 =	simm.s32 $0x6080  }
0x27: {  	[tilespmem:s22], [sflag:$0x1] =	stream.indirect.gather [hbm4b:s3+s8], $0x40, s21, s8, $0xb8;
	[tilespmem:$0x11000] =	vst v63  }
0x28: {  	s23 =	simm.s32 $0xC0;
	s24 =	simm.s32 $0x6700  }
0x29: {  	[tilespmem:s24], [sflag:$0x1] =	stream.indirect.gather [hbm4b:s3+s8], $0x40, s23, s8, $0xb8;
	[tilespmem:$0x11000] =	vst v63  }
0x2a: {  	s25 =	simm.s32 $0xE0;
	s26 =	simm.s32 $0x6D80  }
0x2b: {  	[tilespmem:s26], [sflag:$0x1] =	stream.indirect.gather [hbm4b:s3+s8], $0x40, s25, s8, $0xb8;
	[tilespmem:$0x11000] =	vst v63  }
0x2c: {  	s28 =	simm.s32 $0x100;
	s29 =	simm.s32 $0x7400  }
0x2d: {  	[tilespmem:s29], [sflag:$0x1] =	stream.indirect.gather [hbm4b:s3+s8], $0x40, s28, s8, $0xb8;
	[tilespmem:$0x11000] =	vst v63  }
0x2e: {  	s30 =	simm.s32 $0x120;
	s31 =	simm.s32 $0x7A80  }
0x2f: {  	[tilespmem:s31], [sflag:$0x1] =	stream.indirect.gather [hbm4b:s3+s8], $0x40, s30, s8, $0xb8;
	[tilespmem:$0x11000] =	vst v63  }
0x30: {  	s10 =	simm.s32 $0x140;
	s11 =	simm.s32 $0x8100  }
0x31: {  	[tilespmem:s11], [sflag:$0x1] =	stream.indirect.gather [hbm4b:s3+s8], $0x40, s10, s8, $0xb8;
	[tilespmem:$0x11000] =	vst v63  }
0x32: {  	s21 =	simm.s32 $0x160;
	s22 =	simm.s32 $0x8780  }
0x33: {  	[tilespmem:s22], [sflag:$0x1] =	stream.indirect.gather [hbm4b:s3+s8], $0x40, s21, s8, $0xb8;
	[tilespmem:$0x11000] =	vst v63  }
0x34: {  	s23 =	simm.s32 $0x180;
	s24 =	simm.s32 $0x8E00  }
0x35: {  	[tilespmem:s24], [sflag:$0x1] =	stream.indirect.gather [hbm4b:s3+s8], $0x40, s23, s8, $0xb8;
	[tilespmem:$0x11000] =	vst v63  }
0x36: {  	s25 =	simm.s32 $0x1A0  }
0x37: {  	[tilespmem:s12], [sflag:$0x1] =	stream.indirect.gather [hbm4b:s3+s8], $0x40, s25, s8, $0xb8;
	[tilespmem:$0x11000] =	vst v63  }
0x38: {  	_ = 	snop  }
0x39: {  	[tilespmem:s14], [sflag:$0x1] =	stream.indirect.gather [hbm4b:s3+s8], $0x40, s13, s8, $0xb8;
	[tilespmem:$0x11000] =	vst v63  }
0x3a: {  	_ = 	snop  }
0x3b: {  	[tilespmem:s16], [sflag:$0x1] =	stream.indirect.gather [hbm4b:s3+s8], $0x40, s15, s8, $0xb8;
	[tilespmem:$0x11000] =	vst v63  }
0x3c: {  	s22 =	simm.s32 $0x200  }
0x3d: {  	[tilespmem:s17], [sflag:$0x2] =	stream.indirect.gather [hbm4b:s3+s8], $0x40, s22, s8, $0xb8;
	[tilespmem:$0x11000] =	vst v63  }
0x3e: {  	s26 =	simm.s32 $0x220;
	s21 =	rddreg [dreg:$0x3]  }
0x3f: {  	[tilespmem:s21], [sflag:$0x2] =	stream.indirect.gather [hbm4b:s3+s8], $0x40, s26, s8, $0xb8;
	[tilespmem:$0x11000] =	vst v63  }
0x40: {  	s28 =	simm.s32 $0x240;
	s23 =	rddreg [dreg:$0x4]  }
0x41: {  	[tilespmem:s23], [sflag:$0x2] =	stream.indirect.gather [hbm4b:s3+s8], $0x40, s28, s8, $0xb8;
	[tilespmem:$0x11000] =	vst v63  }
0x42: {  	s29 =	rddreg [dreg:$0x5];
	s30 =	simm.s32 $0x260  }
0x43: {  	[tilespmem:s29], [sflag:$0x2] =	stream.indirect.gather [hbm4b:s3+s8], $0x40, s30, s8, $0xb8;
	[tilespmem:$0x11000] =	vst v63  }
0x44: {  	s0 =	simm.s32 $0x280;
	s31 =	rddreg [dreg:$0x6]  }
0x45: {  	[tilespmem:s31], [sflag:$0x2] =	stream.indirect.gather [hbm4b:s3+s8], $0x40, s0, s8, $0xb8;
	[tilespmem:$0x11000] =	vst v63  }
0x46: {  	s1 =	rddreg [dreg:$0x7];
	s10 =	simm.s32 $0x2A0  }
0x47: {  	[tilespmem:s1], [sflag:$0x2] =	stream.indirect.gather [hbm4b:s3+s8], $0x40, s10, s8, $0xb8;
	[tilespmem:$0x11000] =	vst v63  }
0x48: {  	s11 =	rddreg [dreg:$0x8];
	s22 =	simm.s32 $0x2C0  }
0x49: {  	[tilespmem:s11], [sflag:$0x2] =	stream.indirect.gather [hbm4b:s3+s8], $0x40, s22, s8, $0xb8;
	[tilespmem:$0x11000] =	vst v63  }
0x4a: {  	s24 =	rddreg [dreg:$0x9];
	s25 =	simm.s32 $0x2E0  }
0x4b: {  	[tilespmem:s24], [sflag:$0x2] =	stream.indirect.gather [hbm4b:s3+s8], $0x40, s25, s8, $0xb8;
	[tilespmem:$0x11000] =	vst v63  }
0x4c: {  	s26 =	rddreg [dreg:$0xa];
	s28 =	simm.s32 $0x300  }
0x4d: {  	[tilespmem:s26], [sflag:$0x2] =	stream.indirect.gather [hbm4b:s3+s8], $0x40, s28, s8, $0xb8;
	[tilespmem:$0x11000] =	vst v63  }
0x4e: {  	s29 =	rddreg [dreg:$0xb];
	s30 =	simm.s32 $0x320  }
0x4f: {  	[tilespmem:s29], [sflag:$0x2] =	stream.indirect.gather [hbm4b:s3+s8], $0x40, s30, s8, $0xb8;
	[tilespmem:$0x11000] =	vst v63  }
0x50: {  	s31 =	rddreg [dreg:$0xc];
	s0 =	simm.s32 $0x340  }
0x51: {  	[tilespmem:s31], [sflag:$0x2] =	stream.indirect.gather [hbm4b:s3+s8], $0x40, s0, s8, $0xb8;
	[tilespmem:$0x11000] =	vst v63  }
0x52: {  	s1 =	rddreg [dreg:$0xd];
	s10 =	simm.s32 $0x360  }
0x53: {  	[tilespmem:s1], [sflag:$0x2] =	stream.indirect.gather [hbm4b:s3+s8], $0x40, s10, s8, $0xb8;
	[tilespmem:$0x11000] =	vst v63  }
0x54: {  	s11 =	rddreg [dreg:$0xe];
	s22 =	simm.s32 $0x380  }
0x55: {  	[tilespmem:s11], [sflag:$0x2] =	stream.indirect.gather [hbm4b:s3+s8], $0x40, s22, s8, $0xb8;
	[tilespmem:$0x11000] =	vst v63  }
0x56: {  	s24 =	rddreg [dreg:$0xf];
	s25 =	simm.s32 $0x3A0  }
0x57: {  	[tilespmem:s24], [sflag:$0x2] =	stream.indirect.gather [hbm4b:s3+s8], $0x40, s25, s8, $0xb8;
	[tilespmem:$0x11000] =	vst v63  }
0x58: {  	s26 =	rddreg [dreg:$0x10];
	s28 =	simm.s32 $0x3C0  }
0x59: {  	[tilespmem:s26], [sflag:$0x2] =	stream.indirect.gather [hbm4b:s3+s8], $0x40, s28, s8, $0xb8;
	[tilespmem:$0x11000] =	vst v63  }
0x5a: {  	s29 =	rddreg [dreg:$0x11];
	s30 =	simm.s32 $0x3E0  }
0x5b: {  	[tilespmem:s29], [sflag:$0x2] =	stream.indirect.gather [hbm4b:s3+s8], $0x40, s30, s8, $0xb8;
	[tilespmem:$0x11000] =	vst v63  }
0x5c: {  	_ =	swait.ge [sflag:s18], $0x680  }
0x5d: {  	[sflag:s18] =	ssyncset.done $0x0  }
0x5e: {  	[sflag:s18] =	ssyncadd.s32 $0xFFFFF980  }
0x5f: {  	_ =	swait.ge [sflag:s18], $0x680  }
0x60: {  	[sflag:s18] =	ssyncset.done $0x0  }
0x61: {  	[sflag:s18] =	ssyncadd.s32 $0xFFFFF980  }
0x62: {  	_ =	swait.ge [sflag:s18], $0x680  }
0x63: {  	[sflag:s18] =	ssyncset.done $0x0  }
0x64: {  	[sflag:s18] =	ssyncadd.s32 $0xFFFFF980  }
0x65: {  	_ =	swait.ge [sflag:s18], $0x680  }
0x66: {  	[sflag:s18] =	ssyncset.done $0x0  }
0x67: {  	[sflag:s18] =	ssyncadd.s32 $0xFFFFF980  }
0x68: {  	_ =	swait.ge [sflag:s18], $0x680  }
0x69: {  	[sflag:s18] =	ssyncset.done $0x0  }
0x6a: {  	[sflag:s18] =	ssyncadd.s32 $0xFFFFF980  }
0x6b: {  	_ =	swait.ge [sflag:s18], $0x680  }
0x6c: {  	[sflag:s18] =	ssyncset.done $0x0  }
0x6d: {  	[sflag:s18] =	ssyncadd.s32 $0xFFFFF980  }
0x6e: {  	_ =	swait.ge [sflag:s18], $0x680  }
0x6f: {  	[sflag:s18] =	ssyncset.done $0x0  }
0x70: {  	[sflag:s18] =	ssyncadd.s32 $0xFFFFF980  }
0x71: {  	_ =	swait.ge [sflag:s18], $0x680  }
0x72: {  	[sflag:s18] =	ssyncset.done $0x0  }
0x73: {  	[sflag:s18] =	ssyncadd.s32 $0xFFFFF980  }
0x74: {  	_ =	swait.ge [sflag:s18], $0x680  }
0x75: {  	[sflag:s18] =	ssyncset.done $0x0  }
0x76: {  	[sflag:s18] =	ssyncadd.s32 $0xFFFFF980  }
0x77: {  	_ =	swait.ge [sflag:s18], $0x680  }
0x78: {  	[sflag:s18] =	ssyncset.done $0x0  }
0x79: {  	[sflag:s18] =	ssyncadd.s32 $0xFFFFF980  }
0x7a: {  	_ =	swait.ge [sflag:s18], $0x680  }
0x7b: {  	[sflag:s18] =	ssyncset.done $0x0  }
0x7c: {  	[sflag:s18] =	ssyncadd.s32 $0xFFFFF980  }
0x7d: {  	_ =	swait.ge [sflag:s18], $0x680  }
0x7e: {  	[sflag:s18] =	ssyncset.done $0x0  }
0x7f: {  	[sflag:s18] =	ssyncadd.s32 $0xFFFFF980  }
0x80: {  	_ =	swait.ge [sflag:s18], $0x680  }
0x81: {  	[sflag:s18] =	ssyncset.done $0x0  }
0x82: {  	[sflag:s18] =	ssyncadd.s32 $0xFFFFF980  }
0x83: {  	_ =	swait.ge [sflag:s18], $0x680  }
0x84: {  	[sflag:s18] =	ssyncset.done $0x0  }
0x85: {  	[sflag:s18] =	ssyncadd.s32 $0xFFFFF980  }
0x86: {  	_ =	swait.ge [sflag:s18], $0x680  }
0x87: {  	[sflag:s18] =	ssyncset.done $0x0  }
0x88: {  	[sflag:s18] =	ssyncadd.s32 $0xFFFFF980  }
0x89: {  	_ =	swait.ge [sflag:s18], $0x680  }
0x8a: {  	[sflag:s18] =	ssyncset.done $0x0  }
0x8b: {  	[sflag:s18] =	ssyncadd.s32 $0xFFFFF980  }
0x8c: {  	[hbm4b:s6+s2] =	stream.linear.scatter [tilespmem:s9], [sflag:$0x3], $0x6800, $0x38;
	[tilespmem:$0x11000] =	vst v63  }
0x8d: {  	p0 =	por $0x0, $0x0;
	_ =	swait.ge [sflag:s7], $0x6800  }
0x8e: {  	s21 =	simm.s32 @!p0 $0x4000;
	[sflag:s7] =	ssyncset.done $0x0  }
0x8f: {  	s23 =	simm.s32 @!p0 $0x1A;
	s22 =	simm.s32 @!p0 $0x400;
	[sflag:s7] =	ssyncadd.s32 $0xFFFF9800  }
0x90: {  	[tilespmem:s21], [sflag:$0x1] =	stream.indirect.gather @!p0 [hbm4b:s3+s23], $0x40, s22, s23, $0xb8;
	[tilespmem:$0x11000] =	vst v63  }
0x91: {  	s21 =	simm.s32 @!p0 $0x420;
	s22 =	simm.s32 @!p0 $0x4680  }
0x92: {  	[tilespmem:s22], [sflag:$0x1] =	stream.indirect.gather @!p0 [hbm4b:s3+s23], $0x40, s21, s23, $0xb8;
	[tilespmem:$0x11000] =	vst v63  }
0x93: {  	s21 =	simm.s32 @!p0 $0x440;
	s22 =	simm.s32 @!p0 $0x4D00  }
0x94: {  	[tilespmem:s22], [sflag:$0x1] =	stream.indirect.gather @!p0 [hbm4b:s3+s23], $0x40, s21, s23, $0xb8;
	[tilespmem:$0x11000] =	vst v63  }
0x95: {  	s21 =	simm.s32 @!p0 $0x460;
	s22 =	simm.s32 @!p0 $0x5380  }
0x96: {  	[tilespmem:s22], [sflag:$0x1] =	stream.indirect.gather @!p0 [hbm4b:s3+s23], $0x40, s21, s23, $0xb8;
	[tilespmem:$0x11000] =	vst v63  }
0x97: {  	s21 =	simm.s32 @!p0 $0x480;
	s22 =	simm.s32 @!p0 $0x5A00  }
0x98: {  	[tilespmem:s22], [sflag:$0x1] =	stream.indirect.gather @!p0 [hbm4b:s3+s23], $0x40, s21, s23, $0xb8;
	[tilespmem:$0x11000] =	vst v63  }
0x99: {  	s21 =	simm.s32 @!p0 $0x4A0;
	s22 =	simm.s32 @!p0 $0x6080  }
0x9a: {  	[tilespmem:s22], [sflag:$0x1] =	stream.indirect.gather @!p0 [hbm4b:s3+s23], $0x40, s21, s23, $0xb8;
	[tilespmem:$0x11000] =	vst v63  }
0x9b: {  	s21 =	simm.s32 @!p0 $0x4C0;
	s22 =	simm.s32 @!p0 $0x6700  }
0x9c: {  	[tilespmem:s22], [sflag:$0x1] =	stream.indirect.gather @!p0 [hbm4b:s3+s23], $0x40, s21, s23, $0xb8;
	[tilespmem:$0x11000] =	vst v63  }
0x9d: {  	s21 =	simm.s32 @!p0 $0x4E0;
	s22 =	simm.s32 @!p0 $0x6D80  }
0x9e: {  	[tilespmem:s22], [sflag:$0x1] =	stream.indirect.gather @!p0 [hbm4b:s3+s23], $0x40, s21, s23, $0xb8;
	[tilespmem:$0x11000] =	vst v63  }
0x9f: {  	s21 =	simm.s32 @!p0 $0x500;
	s22 =	simm.s32 @!p0 $0x7400  }
0xa0: {  	[tilespmem:s22], [sflag:$0x1] =	stream.indirect.gather @!p0 [hbm4b:s3+s23], $0x40, s21, s23, $0xb8;
	[tilespmem:$0x11000] =	vst v63  }
0xa1: {  	s21 =	simm.s32 @!p0 $0x520;
	s22 =	simm.s32 @!p0 $0x7A80  }
0xa2: {  	[tilespmem:s22], [sflag:$0x1] =	stream.indirect.gather @!p0 [hbm4b:s3+s23], $0x40, s21, s23, $0xb8;
	[tilespmem:$0x11000] =	vst v63  }
0xa3: {  	s21 =	simm.s32 @!p0 $0x540;
	s22 =	simm.s32 @!p0 $0x8100  }
0xa4: {  	[tilespmem:s22], [sflag:$0x1] =	stream.indirect.gather @!p0 [hbm4b:s3+s23], $0x40, s21, s23, $0xb8;
	[tilespmem:$0x11000] =	vst v63  }
0xa5: {  	s21 =	simm.s32 @!p0 $0x560;
	s22 =	simm.s32 @!p0 $0x8780  }
0xa6: {  	[tilespmem:s22], [sflag:$0x1] =	stream.indirect.gather @!p0 [hbm4b:s3+s23], $0x40, s21, s23, $0xb8;
	[tilespmem:$0x11000] =	vst v63  }
0xa7: {  	s21 =	simm.s32 @!p0 $0x580;
	s22 =	simm.s32 @!p0 $0x8E00  }
0xa8: {  	[tilespmem:s22], [sflag:$0x1] =	stream.indirect.gather @!p0 [hbm4b:s3+s23], $0x40, s21, s23, $0xb8;
	[tilespmem:$0x11000] =	vst v63  }
0xa9: {  	s21 =	simm.s32 @!p0 $0x5A0;
	s22 =	simm.s32 @!p0 $0x9480  }
0xaa: {  	[tilespmem:s22], [sflag:$0x1] =	stream.indirect.gather @!p0 [hbm4b:s3+s23], $0x40, s21, s23, $0xb8;
	[tilespmem:$0x11000] =	vst v63  }
0xab: {  	s21 =	simm.s32 @!p0 $0x5C0;
	s22 =	simm.s32 @!p0 $0x9B00  }
0xac: {  	[tilespmem:s22], [sflag:$0x1] =	stream.indirect.gather @!p0 [hbm4b:s3+s23], $0x40, s21, s23, $0xb8;
	[tilespmem:$0x11000] =	vst v63  }
0xad: {  	s21 =	simm.s32 @!p0 $0x5E0;
	s22 =	simm.s32 @!p0 $0xA180  }
0xae: {  	[tilespmem:s22], [sflag:$0x1] =	stream.indirect.gather @!p0 [hbm4b:s3+s23], $0x40, s21, s23, $0xb8;
	[tilespmem:$0x11000] =	vst v63  }
0xaf: {  	_ =	swait.ge [sflag:s19], $0x680  }
0xb0: {  	[sflag:s19] =	ssyncset.done $0x0  }
0xb1: {  	[sflag:s19] =	ssyncadd.s32 $0xFFFFF980  }
0xb2: {  	_ =	swait.ge [sflag:s19], $0x680  }
0xb3: {  	[sflag:s19] =	ssyncset.done $0x0  }
0xb4: {  	[sflag:s19] =	ssyncadd.s32 $0xFFFFF980  }
0xb5: {  	_ =	swait.ge [sflag:s19], $0x680  }
0xb6: {  	[sflag:s19] =	ssyncset.done $0x0  }
0xb7: {  	[sflag:s19] =	ssyncadd.s32 $0xFFFFF980  }
0xb8: {  	_ =	swait.ge [sflag:s19], $0x680  }
0xb9: {  	[sflag:s19] =	ssyncset.done $0x0  }
0xba: {  	[sflag:s19] =	ssyncadd.s32 $0xFFFFF980  }
0xbb: {  	_ =	swait.ge [sflag:s19], $0x680  }
0xbc: {  	[sflag:s19] =	ssyncset.done $0x0  }
0xbd: {  	[sflag:s19] =	ssyncadd.s32 $0xFFFFF980  }
0xbe: {  	_ =	swait.ge [sflag:s19], $0x680  }
0xbf: {  	[sflag:s19] =	ssyncset.done $0x0  }
0xc0: {  	[sflag:s19] =	ssyncadd.s32 $0xFFFFF980  }
0xc1: {  	_ =	swait.ge [sflag:s19], $0x680  }
0xc2: {  	[sflag:s19] =	ssyncset.done $0x0  }
0xc3: {  	[sflag:s19] =	ssyncadd.s32 $0xFFFFF980  }
0xc4: {  	_ =	swait.ge [sflag:s19], $0x680  }
0xc5: {  	[sflag:s19] =	ssyncset.done $0x0  }
0xc6: {  	[sflag:s19] =	ssyncadd.s32 $0xFFFFF980  }
0xc7: {  	_ =	swait.ge [sflag:s19], $0x680  }
0xc8: {  	[sflag:s19] =	ssyncset.done $0x0  }
0xc9: {  	[sflag:s19] =	ssyncadd.s32 $0xFFFFF980  }
0xca: {  	_ =	swait.ge [sflag:s19], $0x680  }
0xcb: {  	[sflag:s19] =	ssyncset.done $0x0  }
0xcc: {  	[sflag:s19] =	ssyncadd.s32 $0xFFFFF980  }
0xcd: {  	_ =	swait.ge [sflag:s19], $0x680  }
0xce: {  	[sflag:s19] =	ssyncset.done $0x0  }
0xcf: {  	[sflag:s19] =	ssyncadd.s32 $0xFFFFF980  }
0xd0: {  	_ =	swait.ge [sflag:s19], $0x680  }
0xd1: {  	[sflag:s19] =	ssyncset.done $0x0  }
0xd2: {  	[sflag:s19] =	ssyncadd.s32 $0xFFFFF980  }
0xd3: {  	_ =	swait.ge [sflag:s19], $0x680  }
0xd4: {  	[sflag:s19] =	ssyncset.done $0x0  }
0xd5: {  	[sflag:s19] =	ssyncadd.s32 $0xFFFFF980  }
0xd6: {  	_ =	swait.ge [sflag:s19], $0x680  }
0xd7: {  	[sflag:s19] =	ssyncset.done $0x0  }
0xd8: {  	[sflag:s19] =	ssyncadd.s32 $0xFFFFF980  }
0xd9: {  	_ =	swait.ge [sflag:s19], $0x680  }
0xda: {  	[sflag:s19] =	ssyncset.done $0x0  }
0xdb: {  	[sflag:s19] =	ssyncadd.s32 $0xFFFFF980  }
0xdc: {  	_ =	swait.ge [sflag:s19], $0x680  }
0xdd: {  	[sflag:s19] =	ssyncset.done $0x0  }
0xde: {  	s31 =	sadd.s32 $0xD00, s6;
	s25 =	simm.s32 $0x400;
	[sflag:s19] =	ssyncadd.s32 $0xFFFFF980  }
0xdf: {  	[hbm4b:s31+s2] =	stream.linear.scatter [tilespmem:s17], [sflag:$0x3], $0x6800, $0x38;
	[tilespmem:$0x11000] =	vst v63  }
0xe0: {  	s22 =	simm.s32 $0x1000;
	s23 =	simm.s32 $0x2000;
	_ =	swait.ge [sflag:s7], $0x6800  }
0xe1: {  	s21 =	sadd.s32 $0x1A00, s6;
	s26 =	rddreg [dreg:$0x3];
	[sflag:s7] =	ssyncset.done $0x0  }
.LBB2_2:
0xe2: {  	s28 =	sadd.s32 $0x200, s25;
	[sflag:s7] =	ssyncadd.s32 $0xFFFF9800  }
0xe3: {  	[tilespmem:s17], [sflag:$0x2] =	stream.indirect.gather [hbm4b:s3+s8], $0x40, s28, s8, $0xb8;
	[tilespmem:$0x11000] =	vst v63  }
0xe4: {  	s1 =	sadd.s32 $0x220, s25  }
0xe5: {  	[tilespmem:s26], [sflag:$0x2] =	stream.indirect.gather [hbm4b:s3+s8], $0x40, s1, s8, $0xb8;
	[tilespmem:$0x11000] =	vst v63  }
0xe6: {  	s29 =	rddreg [dreg:$0x4];
	s10 =	sadd.s32 $0x240, s25  }
0xe7: {  	[tilespmem:s29], [sflag:$0x2] =	stream.indirect.gather [hbm4b:s3+s8], $0x40, s10, s8, $0xb8;
	[tilespmem:$0x11000] =	vst v63  }
0xe8: {  	s11 =	rddreg [dreg:$0x5];
	s30 =	sadd.s32 $0x260, s25  }
0xe9: {  	[tilespmem:s11], [sflag:$0x2] =	stream.indirect.gather [hbm4b:s3+s8], $0x40, s30, s8, $0xb8;
	[tilespmem:$0x11000] =	vst v63  }
0xea: {  	s31 =	rddreg [dreg:$0x6];
	s0 =	sadd.s32 $0x280, s25  }
0xeb: {  	[tilespmem:s31], [sflag:$0x2] =	stream.indirect.gather [hbm4b:s3+s8], $0x40, s0, s8, $0xb8;
	[tilespmem:$0x11000] =	vst v63  }
0xec: {  	s1 =	rddreg [dreg:$0x7];
	s10 =	sadd.s32 $0x2A0, s25  }
0xed: {  	[tilespmem:s1], [sflag:$0x2] =	stream.indirect.gather [hbm4b:s3+s8], $0x40, s10, s8, $0xb8;
	[tilespmem:$0x11000] =	vst v63  }
0xee: {  	s11 =	rddreg [dreg:$0x8];
	s30 =	sadd.s32 $0x2C0, s25  }
0xef: {  	[tilespmem:s11], [sflag:$0x2] =	stream.indirect.gather [hbm4b:s3+s8], $0x40, s30, s8, $0xb8;
	[tilespmem:$0x11000] =	vst v63  }
0xf0: {  	s31 =	rddreg [dreg:$0x9];
	s0 =	sadd.s32 $0x2E0, s25  }
0xf1: {  	[tilespmem:s31], [sflag:$0x2] =	stream.indirect.gather [hbm4b:s3+s8], $0x40, s0, s8, $0xb8;
	[tilespmem:$0x11000] =	vst v63  }
0xf2: {  	s1 =	rddreg [dreg:$0xa];
	s10 =	sadd.s32 $0x300, s25  }
0xf3: {  	[tilespmem:s1], [sflag:$0x2] =	stream.indirect.gather [hbm4b:s3+s8], $0x40, s10, s8, $0xb8;
	[tilespmem:$0x11000] =	vst v63  }
0xf4: {  	s11 =	rddreg [dreg:$0xb];
	s30 =	sadd.s32 $0x320, s25  }
0xf5: {  	[tilespmem:s11], [sflag:$0x2] =	stream.indirect.gather [hbm4b:s3+s8], $0x40, s30, s8, $0xb8;
	[tilespmem:$0x11000] =	vst v63  }
0xf6: {  	s31 =	rddreg [dreg:$0xc];
	s0 =	sadd.s32 $0x340, s25  }
0xf7: {  	[tilespmem:s31], [sflag:$0x2] =	stream.indirect.gather [hbm4b:s3+s8], $0x40, s0, s8, $0xb8;
	[tilespmem:$0x11000] =	vst v63  }
0xf8: {  	s1 =	rddreg [dreg:$0xd];
	s10 =	sadd.s32 $0x360, s25  }
0xf9: {  	[tilespmem:s1], [sflag:$0x2] =	stream.indirect.gather [hbm4b:s3+s8], $0x40, s10, s8, $0xb8;
	[tilespmem:$0x11000] =	vst v63  }
0xfa: {  	s11 =	rddreg [dreg:$0xe];
	s30 =	sadd.s32 $0x380, s25  }
0xfb: {  	[tilespmem:s11], [sflag:$0x2] =	stream.indirect.gather [hbm4b:s3+s8], $0x40, s30, s8, $0xb8;
	[tilespmem:$0x11000] =	vst v63  }
0xfc: {  	s31 =	rddreg [dreg:$0xf];
	s0 =	sadd.s32 $0x3A0, s25  }
0xfd: {  	[tilespmem:s31], [sflag:$0x2] =	stream.indirect.gather [hbm4b:s3+s8], $0x40, s0, s8, $0xb8;
	[tilespmem:$0x11000] =	vst v63  }
0xfe: {  	s1 =	rddreg [dreg:$0x10];
	s10 =	sadd.s32 $0x3C0, s25  }
0xff: {  	[tilespmem:s1], [sflag:$0x2] =	stream.indirect.gather [hbm4b:s3+s8], $0x40, s10, s8, $0xb8;
	[tilespmem:$0x11000] =	vst v63  }
0x100: {  	s11 =	rddreg [dreg:$0x11];
	s30 =	sadd.s32 $0x3E0, s25  }
0x101: {  	[tilespmem:s11], [sflag:$0x2] =	stream.indirect.gather [hbm4b:s3+s8], $0x40, s30, s8, $0xb8;
	[tilespmem:$0x11000] =	vst v63  }
0x102: {  	_ =	swait.ge [sflag:s18], $0x680  }
0x103: {  	[sflag:s18] =	ssyncset.done $0x0  }
0x104: {  	[sflag:s18] =	ssyncadd.s32 $0xFFFFF980  }
0x105: {  	_ =	swait.ge [sflag:s18], $0x680  }
0x106: {  	[sflag:s18] =	ssyncset.done $0x0  }
0x107: {  	[sflag:s18] =	ssyncadd.s32 $0xFFFFF980  }
0x108: {  	_ =	swait.ge [sflag:s18], $0x680  }
0x109: {  	[sflag:s18] =	ssyncset.done $0x0  }
0x10a: {  	[sflag:s18] =	ssyncadd.s32 $0xFFFFF980  }
0x10b: {  	_ =	swait.ge [sflag:s18], $0x680  }
0x10c: {  	[sflag:s18] =	ssyncset.done $0x0  }
0x10d: {  	[sflag:s18] =	ssyncadd.s32 $0xFFFFF980  }
0x10e: {  	_ =	swait.ge [sflag:s18], $0x680  }
0x10f: {  	[sflag:s18] =	ssyncset.done $0x0  }
0x110: {  	[sflag:s18] =	ssyncadd.s32 $0xFFFFF980  }
0x111: {  	_ =	swait.ge [sflag:s18], $0x680  }
0x112: {  	[sflag:s18] =	ssyncset.done $0x0  }
0x113: {  	[sflag:s18] =	ssyncadd.s32 $0xFFFFF980  }
0x114: {  	_ =	swait.ge [sflag:s18], $0x680  }
0x115: {  	[sflag:s18] =	ssyncset.done $0x0  }
0x116: {  	[sflag:s18] =	ssyncadd.s32 $0xFFFFF980  }
0x117: {  	_ =	swait.ge [sflag:s18], $0x680  }
0x118: {  	[sflag:s18] =	ssyncset.done $0x0  }
0x119: {  	[sflag:s18] =	ssyncadd.s32 $0xFFFFF980  }
0x11a: {  	_ =	swait.ge [sflag:s18], $0x680  }
0x11b: {  	[sflag:s18] =	ssyncset.done $0x0  }
0x11c: {  	[sflag:s18] =	ssyncadd.s32 $0xFFFFF980  }
0x11d: {  	_ =	swait.ge [sflag:s18], $0x680  }
0x11e: {  	[sflag:s18] =	ssyncset.done $0x0  }
0x11f: {  	[sflag:s18] =	ssyncadd.s32 $0xFFFFF980  }
0x120: {  	_ =	swait.ge [sflag:s18], $0x680  }
0x121: {  	[sflag:s18] =	ssyncset.done $0x0  }
0x122: {  	[sflag:s18] =	ssyncadd.s32 $0xFFFFF980  }
0x123: {  	_ =	swait.ge [sflag:s18], $0x680  }
0x124: {  	[sflag:s18] =	ssyncset.done $0x0  }
0x125: {  	[sflag:s18] =	ssyncadd.s32 $0xFFFFF980  }
0x126: {  	_ =	swait.ge [sflag:s18], $0x680  }
0x127: {  	[sflag:s18] =	ssyncset.done $0x0  }
0x128: {  	[sflag:s18] =	ssyncadd.s32 $0xFFFFF980  }
0x129: {  	_ =	swait.ge [sflag:s18], $0x680  }
0x12a: {  	[sflag:s18] =	ssyncset.done $0x0  }
0x12b: {  	[sflag:s18] =	ssyncadd.s32 $0xFFFFF980  }
0x12c: {  	_ =	swait.ge [sflag:s18], $0x680  }
0x12d: {  	[sflag:s18] =	ssyncset.done $0x0  }
0x12e: {  	[sflag:s18] =	ssyncadd.s32 $0xFFFFF980  }
0x12f: {  	_ =	swait.ge [sflag:s18], $0x680  }
0x130: {  	[sflag:s18] =	ssyncset.done $0x0  }
0x131: {  	p1 =	seq.s32 s22, $0xF000;
	[sflag:s18] =	ssyncadd.s32 $0xFFFFF980  }
0x132: {  	[hbm4b:s21+s2] =	stream.linear.scatter [tilespmem:s9], [sflag:$0x3], $0x6800, $0x38;
	[tilespmem:$0x11000] =	vst v63  }
0x133: {  	s22 =	sshra.s32 @!p1 s22, $0x2;
	_ =	swait.ge [sflag:s7], $0x6800  }
0x134: {  	s28 =	sadd.s32 @!p1 $0x400, s22;
	[sflag:s7] =	ssyncset.done $0x0  }
0x135: {  	s26 =	simm.s32 @!p1 $0x4000;
	s25 =	simm.s32 @!p1 $0x1A;
	[sflag:s7] =	ssyncadd.s32 $0xFFFF9800  }
0x136: {  	[tilespmem:s26], [sflag:$0x1] =	stream.indirect.gather @!p1 [hbm4b:s3+s25], $0x40, s28, s25, $0xb8;
	[tilespmem:$0x11000] =	vst v63  }
0x137: {  	s26 =	sadd.s32 @!p1 $0x420, s22;
	s28 =	simm.s32 @!p1 $0x4680  }
0x138: {  	[tilespmem:s28], [sflag:$0x1] =	stream.indirect.gather @!p1 [hbm4b:s3+s25], $0x40, s26, s25, $0xb8;
	[tilespmem:$0x11000] =	vst v63  }
0x139: {  	s29 =	sadd.s32 @!p1 $0x440, s22;
	s26 =	simm.s32 @!p1 $0x4D00  }
0x13a: {  	[tilespmem:s26], [sflag:$0x1] =	stream.indirect.gather @!p1 [hbm4b:s3+s25], $0x40, s29, s25, $0xb8;
	[tilespmem:$0x11000] =	vst v63  }
0x13b: {  	s28 =	sadd.s32 @!p1 $0x460, s22;
	s26 =	simm.s32 @!p1 $0x5380  }
0x13c: {  	[tilespmem:s26], [sflag:$0x1] =	stream.indirect.gather @!p1 [hbm4b:s3+s25], $0x40, s28, s25, $0xb8;
	[tilespmem:$0x11000] =	vst v63  }
0x13d: {  	s30 =	sadd.s32 @!p1 $0x480, s22;
	s26 =	simm.s32 @!p1 $0x5A00  }
0x13e: {  	[tilespmem:s26], [sflag:$0x1] =	stream.indirect.gather @!p1 [hbm4b:s3+s25], $0x40, s30, s25, $0xb8;
	[tilespmem:$0x11000] =	vst v63  }
0x13f: {  	s29 =	sadd.s32 @!p1 $0x4A0, s22;
	s26 =	simm.s32 @!p1 $0x6080  }
0x140: {  	[tilespmem:s26], [sflag:$0x1] =	stream.indirect.gather @!p1 [hbm4b:s3+s25], $0x40, s29, s25, $0xb8;
	[tilespmem:$0x11000] =	vst v63  }
0x141: {  	s31 =	sadd.s32 @!p1 $0x4C0, s22;
	s26 =	simm.s32 @!p1 $0x6700  }
0x142: {  	[tilespmem:s26], [sflag:$0x1] =	stream.indirect.gather @!p1 [hbm4b:s3+s25], $0x40, s31, s25, $0xb8;
	[tilespmem:$0x11000] =	vst v63  }
0x143: {  	s28 =	sadd.s32 @!p1 $0x4E0, s22;
	s26 =	simm.s32 @!p1 $0x6D80  }
0x144: {  	[tilespmem:s26], [sflag:$0x1] =	stream.indirect.gather @!p1 [hbm4b:s3+s25], $0x40, s28, s25, $0xb8;
	[tilespmem:$0x11000] =	vst v63  }
0x145: {  	s0 =	sadd.s32 @!p1 $0x500, s22;
	s26 =	simm.s32 @!p1 $0x7400  }
0x146: {  	[tilespmem:s26], [sflag:$0x1] =	stream.indirect.gather @!p1 [hbm4b:s3+s25], $0x40, s0, s25, $0xb8;
	[tilespmem:$0x11000] =	vst v63  }
0x147: {  	s30 =	sadd.s32 @!p1 $0x520, s22;
	s0 =	simm.s32 @!p1 $0x7A80  }
0x148: {  	[tilespmem:s0], [sflag:$0x1] =	stream.indirect.gather @!p1 [hbm4b:s3+s25], $0x40, s30, s25, $0xb8;
	[tilespmem:$0x11000] =	vst v63  }
0x149: {  	s1 =	sadd.s32 @!p1 $0x540, s22;
	s0 =	simm.s32 @!p1 $0x8100  }
0x14a: {  	[tilespmem:s0], [sflag:$0x1] =	stream.indirect.gather @!p1 [hbm4b:s3+s25], $0x40, s1, s25, $0xb8;
	[tilespmem:$0x11000] =	vst v63  }
0x14b: {  	s29 =	sadd.s32 @!p1 $0x560, s22;
	s0 =	simm.s32 @!p1 $0x8780  }
0x14c: {  	[tilespmem:s0], [sflag:$0x1] =	stream.indirect.gather @!p1 [hbm4b:s3+s25], $0x40, s29, s25, $0xb8;
	[tilespmem:$0x11000] =	vst v63  }
0x14d: {  	s10 =	sadd.s32 @!p1 $0x580, s22;
	s0 =	simm.s32 @!p1 $0x8E00  }
0x14e: {  	[tilespmem:s0], [sflag:$0x1] =	stream.indirect.gather @!p1 [hbm4b:s3+s25], $0x40, s10, s25, $0xb8;
	[tilespmem:$0x11000] =	vst v63  }
0x14f: {  	s31 =	sadd.s32 @!p1 $0x5A0, s22;
	s0 =	simm.s32 @!p1 $0x9480  }
0x150: {  	[tilespmem:s0], [sflag:$0x1] =	stream.indirect.gather @!p1 [hbm4b:s3+s25], $0x40, s31, s25, $0xb8;
	[tilespmem:$0x11000] =	vst v63  }
0x151: {  	s11 =	sadd.s32 @!p1 $0x5C0, s22;
	s0 =	simm.s32 @!p1 $0x9B00  }
0x152: {  	[tilespmem:s0], [sflag:$0x1] =	stream.indirect.gather @!p1 [hbm4b:s3+s25], $0x40, s11, s25, $0xb8;
	[tilespmem:$0x11000] =	vst v63  }
0x153: {  	s28 =	sadd.s32 @!p1 $0x5E0, s22;
	s0 =	simm.s32 @!p1 $0xA180  }
0x154: {  	[tilespmem:s0], [sflag:$0x1] =	stream.indirect.gather @!p1 [hbm4b:s3+s25], $0x40, s28, s25, $0xb8;
	[tilespmem:$0x11000] =	vst v63  }
0x155: {  	_ =	swait.ge [sflag:s19], $0x680  }
0x156: {  	[sflag:s19] =	ssyncset.done $0x0  }
0x157: {  	[sflag:s19] =	ssyncadd.s32 $0xFFFFF980  }
0x158: {  	_ =	swait.ge [sflag:s19], $0x680  }
0x159: {  	[sflag:s19] =	ssyncset.done $0x0  }
0x15a: {  	[sflag:s19] =	ssyncadd.s32 $0xFFFFF980  }
0x15b: {  	_ =	swait.ge [sflag:s19], $0x680  }
0x15c: {  	[sflag:s19] =	ssyncset.done $0x0  }
0x15d: {  	[sflag:s19] =	ssyncadd.s32 $0xFFFFF980  }
0x15e: {  	_ =	swait.ge [sflag:s19], $0x680  }
0x15f: {  	[sflag:s19] =	ssyncset.done $0x0  }
0x160: {  	[sflag:s19] =	ssyncadd.s32 $0xFFFFF980  }
0x161: {  	_ =	swait.ge [sflag:s19], $0x680  }
0x162: {  	[sflag:s19] =	ssyncset.done $0x0  }
0x163: {  	[sflag:s19] =	ssyncadd.s32 $0xFFFFF980  }
0x164: {  	_ =	swait.ge [sflag:s19], $0x680  }
0x165: {  	[sflag:s19] =	ssyncset.done $0x0  }
0x166: {  	[sflag:s19] =	ssyncadd.s32 $0xFFFFF980  }
0x167: {  	_ =	swait.ge [sflag:s19], $0x680  }
0x168: {  	[sflag:s19] =	ssyncset.done $0x0  }
0x169: {  	[sflag:s19] =	ssyncadd.s32 $0xFFFFF980  }
0x16a: {  	_ =	swait.ge [sflag:s19], $0x680  }
0x16b: {  	[sflag:s19] =	ssyncset.done $0x0  }
0x16c: {  	[sflag:s19] =	ssyncadd.s32 $0xFFFFF980  }
0x16d: {  	_ =	swait.ge [sflag:s19], $0x680  }
0x16e: {  	[sflag:s19] =	ssyncset.done $0x0  }
0x16f: {  	[sflag:s19] =	ssyncadd.s32 $0xFFFFF980  }
0x170: {  	_ =	swait.ge [sflag:s19], $0x680  }
0x171: {  	[sflag:s19] =	ssyncset.done $0x0  }
0x172: {  	[sflag:s19] =	ssyncadd.s32 $0xFFFFF980  }
0x173: {  	_ =	swait.ge [sflag:s19], $0x680  }
0x174: {  	[sflag:s19] =	ssyncset.done $0x0  }
0x175: {  	[sflag:s19] =	ssyncadd.s32 $0xFFFFF980  }
0x176: {  	_ =	swait.ge [sflag:s19], $0x680  }
0x177: {  	[sflag:s19] =	ssyncset.done $0x0  }
0x178: {  	[sflag:s19] =	ssyncadd.s32 $0xFFFFF980  }
0x179: {  	_ =	swait.ge [sflag:s19], $0x680  }
0x17a: {  	[sflag:s19] =	ssyncset.done $0x0  }
0x17b: {  	[sflag:s19] =	ssyncadd.s32 $0xFFFFF980  }
0x17c: {  	_ =	swait.ge [sflag:s19], $0x680  }
0x17d: {  	[sflag:s19] =	ssyncset.done $0x0  }
0x17e: {  	[sflag:s19] =	ssyncadd.s32 $0xFFFFF980  }
0x17f: {  	_ =	swait.ge [sflag:s19], $0x680  }
0x180: {  	[sflag:s19] =	ssyncset.done $0x0  }
0x181: {  	s24 =	smov.u32 s23;
	s23 =	sadd.s32 $0x1000, s23;
	[sflag:s19] =	ssyncadd.s32 $0xFFFFF980  }
0x182: {  	p0 =	sne.s32 s23, $0x10000;
	_ =	swait.ge [sflag:s19], $0x680  }
.Ltmp0:
0x183: {  	[sflag:s19] =	ssyncset.done $0x0;
	(pc) =	sbr.rel @p0 .LBB2_2-.Ltmp0, $4  }
0x184: {  	s31 =	sadd.s32 $0xD00, s21;
	[sflag:s19] =	ssyncadd.s32 $0xFFFFF980  }
0x185: {  	[hbm4b:s31+s2] =	stream.linear.scatter [tilespmem:s17], [sflag:$0x3], $0x6800, $0x38;
	[tilespmem:$0x11000] =	vst v63  }
0x186: {  	s22 =	smov.u32 s24;
	s21 =	sadd.s32 $0x1A00, s21;
	_ =	swait.ge [sflag:s7], $0x6800  }
0x187: {  	s25 =	sshra.s32 s22, $0x2;
	s26 =	rddreg [dreg:$0x3];
	[sflag:s7] =	ssyncset.done $0x0  }
0x188: {  	s0 =	sadd.s32 $0x200, s25;
	[sflag:s7] =	ssyncadd.s32 $0xFFFF9800  }
0x189: {  	[tilespmem:s17], [sflag:$0x2] =	stream.indirect.gather [hbm4b:s3+s8], $0x40, s0, s8, $0xb8;
	[tilespmem:$0x11000] =	vst v63  }
0x18a: {  	s28 =	sadd.s32 $0x220, s25  }
0x18b: {  	[tilespmem:s26], [sflag:$0x2] =	stream.indirect.gather [hbm4b:s3+s8], $0x40, s28, s8, $0xb8;
	[tilespmem:$0x11000] =	vst v63  }
0x18c: {  	s1 =	rddreg [dreg:$0x4];
	s29 =	sadd.s32 $0x240, s25  }
0x18d: {  	[tilespmem:s1], [sflag:$0x2] =	stream.indirect.gather [hbm4b:s3+s8], $0x40, s29, s8, $0xb8;
	[tilespmem:$0x11000] =	vst v63  }
0x18e: {  	s10 =	rddreg [dreg:$0x5];
	s30 =	sadd.s32 $0x260, s25  }
0x18f: {  	[tilespmem:s10], [sflag:$0x2] =	stream.indirect.gather [hbm4b:s3+s8], $0x40, s30, s8, $0xb8;
	[tilespmem:$0x11000] =	vst v63  }
0x190: {  	s31 =	rddreg [dreg:$0x6];
	s11 =	sadd.s32 $0x280, s25  }
0x191: {  	[tilespmem:s31], [sflag:$0x2] =	stream.indirect.gather [hbm4b:s3+s8], $0x40, s11, s8, $0xb8;
	[tilespmem:$0x11000] =	vst v63  }
0x192: {  	s23 =	rddreg [dreg:$0x7];
	s24 =	sadd.s32 $0x2A0, s25  }
0x193: {  	[tilespmem:s23], [sflag:$0x2] =	stream.indirect.gather [hbm4b:s3+s8], $0x40, s24, s8, $0xb8;
	[tilespmem:$0x11000] =	vst v63  }
0x194: {  	s26 =	rddreg [dreg:$0x8];
	s28 =	sadd.s32 $0x2C0, s25  }
0x195: {  	[tilespmem:s26], [sflag:$0x2] =	stream.indirect.gather [hbm4b:s3+s8], $0x40, s28, s8, $0xb8;
	[tilespmem:$0x11000] =	vst v63  }
0x196: {  	s29 =	rddreg [dreg:$0x9];
	s30 =	sadd.s32 $0x2E0, s25  }
0x197: {  	[tilespmem:s29], [sflag:$0x2] =	stream.indirect.gather [hbm4b:s3+s8], $0x40, s30, s8, $0xb8;
	[tilespmem:$0x11000] =	vst v63  }
0x198: {  	s31 =	rddreg [dreg:$0xa];
	s11 =	sadd.s32 $0x300, s25  }
0x199: {  	[tilespmem:s31], [sflag:$0x2] =	stream.indirect.gather [hbm4b:s3+s8], $0x40, s11, s8, $0xb8;
	[tilespmem:$0x11000] =	vst v63  }
0x19a: {  	s23 =	rddreg [dreg:$0xb];
	s24 =	sadd.s32 $0x320, s25  }
0x19b: {  	[tilespmem:s23], [sflag:$0x2] =	stream.indirect.gather [hbm4b:s3+s8], $0x40, s24, s8, $0xb8;
	[tilespmem:$0x11000] =	vst v63  }
0x19c: {  	s26 =	rddreg [dreg:$0xc];
	s28 =	sadd.s32 $0x340, s25  }
0x19d: {  	[tilespmem:s26], [sflag:$0x2] =	stream.indirect.gather [hbm4b:s3+s8], $0x40, s28, s8, $0xb8;
	[tilespmem:$0x11000] =	vst v63  }
0x19e: {  	s29 =	rddreg [dreg:$0xd];
	s30 =	sadd.s32 $0x360, s25  }
0x19f: {  	[tilespmem:s29], [sflag:$0x2] =	stream.indirect.gather [hbm4b:s3+s8], $0x40, s30, s8, $0xb8;
	[tilespmem:$0x11000] =	vst v63  }
0x1a0: {  	s31 =	rddreg [dreg:$0xe];
	s11 =	sadd.s32 $0x380, s25  }
0x1a1: {  	[tilespmem:s31], [sflag:$0x2] =	stream.indirect.gather [hbm4b:s3+s8], $0x40, s11, s8, $0xb8;
	[tilespmem:$0x11000] =	vst v63  }
0x1a2: {  	s23 =	rddreg [dreg:$0xf];
	s24 =	sadd.s32 $0x3A0, s25  }
0x1a3: {  	[tilespmem:s23], [sflag:$0x2] =	stream.indirect.gather [hbm4b:s3+s8], $0x40, s24, s8, $0xb8;
	[tilespmem:$0x11000] =	vst v63  }
0x1a4: {  	s26 =	rddreg [dreg:$0x10];
	s28 =	sadd.s32 $0x3C0, s25  }
0x1a5: {  	[tilespmem:s26], [sflag:$0x2] =	stream.indirect.gather [hbm4b:s3+s8], $0x40, s28, s8, $0xb8;
	[tilespmem:$0x11000] =	vst v63  }
0x1a6: {  	s29 =	rddreg [dreg:$0x11];
	s30 =	sadd.s32 $0x3E0, s25  }
0x1a7: {  	[tilespmem:s29], [sflag:$0x2] =	stream.indirect.gather [hbm4b:s3+s8], $0x40, s30, s8, $0xb8;
	[tilespmem:$0x11000] =	vst v63  }
0x1a8: {  	_ =	swait.ge [sflag:s18], $0x680  }
0x1a9: {  	[sflag:s18] =	ssyncset.done $0x0  }
0x1aa: {  	[sflag:s18] =	ssyncadd.s32 $0xFFFFF980  }
0x1ab: {  	_ =	swait.ge [sflag:s18], $0x680  }
0x1ac: {  	[sflag:s18] =	ssyncset.done $0x0  }
0x1ad: {  	[sflag:s18] =	ssyncadd.s32 $0xFFFFF980  }
0x1ae: {  	_ =	swait.ge [sflag:s18], $0x680  }
0x1af: {  	[sflag:s18] =	ssyncset.done $0x0  }
0x1b0: {  	[sflag:s18] =	ssyncadd.s32 $0xFFFFF980  }
0x1b1: {  	_ =	swait.ge [sflag:s18], $0x680  }
0x1b2: {  	[sflag:s18] =	ssyncset.done $0x0  }
0x1b3: {  	[sflag:s18] =	ssyncadd.s32 $0xFFFFF980  }
0x1b4: {  	_ =	swait.ge [sflag:s18], $0x680  }
0x1b5: {  	[sflag:s18] =	ssyncset.done $0x0  }
0x1b6: {  	[sflag:s18] =	ssyncadd.s32 $0xFFFFF980  }
0x1b7: {  	_ =	swait.ge [sflag:s18], $0x680  }
0x1b8: {  	[sflag:s18] =	ssyncset.done $0x0  }
0x1b9: {  	[sflag:s18] =	ssyncadd.s32 $0xFFFFF980  }
0x1ba: {  	_ =	swait.ge [sflag:s18], $0x680  }
0x1bb: {  	[sflag:s18] =	ssyncset.done $0x0  }
0x1bc: {  	[sflag:s18] =	ssyncadd.s32 $0xFFFFF980  }
0x1bd: {  	_ =	swait.ge [sflag:s18], $0x680  }
0x1be: {  	[sflag:s18] =	ssyncset.done $0x0  }
0x1bf: {  	[sflag:s18] =	ssyncadd.s32 $0xFFFFF980  }
0x1c0: {  	_ =	swait.ge [sflag:s18], $0x680  }
0x1c1: {  	[sflag:s18] =	ssyncset.done $0x0  }
0x1c2: {  	[sflag:s18] =	ssyncadd.s32 $0xFFFFF980  }
0x1c3: {  	_ =	swait.ge [sflag:s18], $0x680  }
0x1c4: {  	[sflag:s18] =	ssyncset.done $0x0  }
0x1c5: {  	[sflag:s18] =	ssyncadd.s32 $0xFFFFF980  }
0x1c6: {  	_ =	swait.ge [sflag:s18], $0x680  }
0x1c7: {  	[sflag:s18] =	ssyncset.done $0x0  }
0x1c8: {  	[sflag:s18] =	ssyncadd.s32 $0xFFFFF980  }
0x1c9: {  	_ =	swait.ge [sflag:s18], $0x680  }
0x1ca: {  	[sflag:s18] =	ssyncset.done $0x0  }
0x1cb: {  	[sflag:s18] =	ssyncadd.s32 $0xFFFFF980  }
0x1cc: {  	_ =	swait.ge [sflag:s18], $0x680  }
0x1cd: {  	[sflag:s18] =	ssyncset.done $0x0  }
0x1ce: {  	[sflag:s18] =	ssyncadd.s32 $0xFFFFF980  }
0x1cf: {  	_ =	swait.ge [sflag:s18], $0x680  }
0x1d0: {  	[sflag:s18] =	ssyncset.done $0x0  }
0x1d1: {  	[sflag:s18] =	ssyncadd.s32 $0xFFFFF980  }
0x1d2: {  	_ =	swait.ge [sflag:s18], $0x680  }
0x1d3: {  	[sflag:s18] =	ssyncset.done $0x0  }
0x1d4: {  	[sflag:s18] =	ssyncadd.s32 $0xFFFFF980  }
0x1d5: {  	_ =	swait.ge [sflag:s18], $0x680  }
0x1d6: {  	[sflag:s18] =	ssyncset.done $0x0  }
0x1d7: {  	[sflag:s18] =	ssyncadd.s32 $0xFFFFF980  }
0x1d8: {  	[hbm4b:s21+s2] =	stream.linear.scatter [tilespmem:s9], [sflag:$0x3], $0x6800, $0x38;
	[tilespmem:$0x11000] =	vst v63  }
0x1d9: {  	p0 =	seq.s32 s22, $0xF000;
	_ =	swait.ge [sflag:s7], $0x6800  }
0x1da: {  	s0 =	sshra.s32 @!p0 s22, $0x2;
	s1 =	simm.s32 @!p0 $0x4000;
	[sflag:s7] =	ssyncset.done $0x0  }
0x1db: {  	s10 =	sadd.s32 @!p0 $0x400, s0;
	s11 =	simm.s32 @!p0 $0x1A;
	[sflag:s7] =	ssyncadd.s32 $0xFFFF9800  }
0x1dc: {  	[tilespmem:s1], [sflag:$0x1] =	stream.indirect.gather @!p0 [hbm4b:s3+s11], $0x40, s10, s11, $0xb8;
	[tilespmem:$0x11000] =	vst v63  }
0x1dd: {  	s1 =	sadd.s32 @!p0 $0x420, s0;
	s10 =	simm.s32 @!p0 $0x4680  }
0x1de: {  	[tilespmem:s10], [sflag:$0x1] =	stream.indirect.gather @!p0 [hbm4b:s3+s11], $0x40, s1, s11, $0xb8;
	[tilespmem:$0x11000] =	vst v63  }
0x1df: {  	s1 =	sadd.s32 @!p0 $0x440, s0;
	s10 =	simm.s32 @!p0 $0x4D00  }
0x1e0: {  	[tilespmem:s10], [sflag:$0x1] =	stream.indirect.gather @!p0 [hbm4b:s3+s11], $0x40, s1, s11, $0xb8;
	[tilespmem:$0x11000] =	vst v63  }
0x1e1: {  	s1 =	sadd.s32 @!p0 $0x460, s0;
	s10 =	simm.s32 @!p0 $0x5380  }
0x1e2: {  	[tilespmem:s10], [sflag:$0x1] =	stream.indirect.gather @!p0 [hbm4b:s3+s11], $0x40, s1, s11, $0xb8;
	[tilespmem:$0x11000] =	vst v63  }
0x1e3: {  	s1 =	sadd.s32 @!p0 $0x480, s0;
	s10 =	simm.s32 @!p0 $0x5A00  }
0x1e4: {  	[tilespmem:s10], [sflag:$0x1] =	stream.indirect.gather @!p0 [hbm4b:s3+s11], $0x40, s1, s11, $0xb8;
	[tilespmem:$0x11000] =	vst v63  }
0x1e5: {  	s1 =	sadd.s32 @!p0 $0x4A0, s0;
	s10 =	simm.s32 @!p0 $0x6080  }
0x1e6: {  	[tilespmem:s10], [sflag:$0x1] =	stream.indirect.gather @!p0 [hbm4b:s3+s11], $0x40, s1, s11, $0xb8;
	[tilespmem:$0x11000] =	vst v63  }
0x1e7: {  	s1 =	sadd.s32 @!p0 $0x4C0, s0;
	s10 =	simm.s32 @!p0 $0x6700  }
0x1e8: {  	[tilespmem:s10], [sflag:$0x1] =	stream.indirect.gather @!p0 [hbm4b:s3+s11], $0x40, s1, s11, $0xb8;
	[tilespmem:$0x11000] =	vst v63  }
0x1e9: {  	s1 =	sadd.s32 @!p0 $0x4E0, s0;
	s10 =	simm.s32 @!p0 $0x6D80  }
0x1ea: {  	[tilespmem:s10], [sflag:$0x1] =	stream.indirect.gather @!p0 [hbm4b:s3+s11], $0x40, s1, s11, $0xb8;
	[tilespmem:$0x11000] =	vst v63  }
0x1eb: {  	s1 =	sadd.s32 @!p0 $0x500, s0;
	s10 =	simm.s32 @!p0 $0x7400  }
0x1ec: {  	[tilespmem:s10], [sflag:$0x1] =	stream.indirect.gather @!p0 [hbm4b:s3+s11], $0x40, s1, s11, $0xb8;
	[tilespmem:$0x11000] =	vst v63  }
0x1ed: {  	s1 =	sadd.s32 @!p0 $0x520, s0;
	s10 =	simm.s32 @!p0 $0x7A80  }
0x1ee: {  	[tilespmem:s10], [sflag:$0x1] =	stream.indirect.gather @!p0 [hbm4b:s3+s11], $0x40, s1, s11, $0xb8;
	[tilespmem:$0x11000] =	vst v63  }
0x1ef: {  	s1 =	sadd.s32 @!p0 $0x540, s0;
	s10 =	simm.s32 @!p0 $0x8100  }
0x1f0: {  	[tilespmem:s10], [sflag:$0x1] =	stream.indirect.gather @!p0 [hbm4b:s3+s11], $0x40, s1, s11, $0xb8;
	[tilespmem:$0x11000] =	vst v63  }
0x1f1: {  	s1 =	sadd.s32 @!p0 $0x560, s0;
	s10 =	simm.s32 @!p0 $0x8780  }
0x1f2: {  	[tilespmem:s10], [sflag:$0x1] =	stream.indirect.gather @!p0 [hbm4b:s3+s11], $0x40, s1, s11, $0xb8;
	[tilespmem:$0x11000] =	vst v63  }
0x1f3: {  	s1 =	sadd.s32 @!p0 $0x580, s0;
	s10 =	simm.s32 @!p0 $0x8E00  }
0x1f4: {  	[tilespmem:s10], [sflag:$0x1] =	stream.indirect.gather @!p0 [hbm4b:s3+s11], $0x40, s1, s11, $0xb8;
	[tilespmem:$0x11000] =	vst v63  }
0x1f5: {  	s1 =	sadd.s32 @!p0 $0x5A0, s0;
	s10 =	simm.s32 @!p0 $0x9480  }
0x1f6: {  	[tilespmem:s10], [sflag:$0x1] =	stream.indirect.gather @!p0 [hbm4b:s3+s11], $0x40, s1, s11, $0xb8;
	[tilespmem:$0x11000] =	vst v63  }
0x1f7: {  	s1 =	sadd.s32 @!p0 $0x5C0, s0;
	s10 =	simm.s32 @!p0 $0x9B00  }
0x1f8: {  	[tilespmem:s10], [sflag:$0x1] =	stream.indirect.gather @!p0 [hbm4b:s3+s11], $0x40, s1, s11, $0xb8;
	[tilespmem:$0x11000] =	vst v63  }
0x1f9: {  	s0 =	sadd.s32 @!p0 $0x5E0, s0;
	s1 =	simm.s32 @!p0 $0xA180  }
0x1fa: {  	[tilespmem:s1], [sflag:$0x1] =	stream.indirect.gather @!p0 [hbm4b:s3+s11], $0x40, s0, s11, $0xb8;
	[tilespmem:$0x11000] =	vst v63  }
0x1fb: {  	_ =	swait.ge [sflag:s19], $0x680  }
0x1fc: {  	[sflag:s19] =	ssyncset.done $0x0  }
0x1fd: {  	[sflag:s19] =	ssyncadd.s32 $0xFFFFF980  }
0x1fe: {  	_ =	swait.ge [sflag:s19], $0x680  }
0x1ff: {  	[sflag:s19] =	ssyncset.done $0x0  }
0x200: {  	[sflag:s19] =	ssyncadd.s32 $0xFFFFF980  }
0x201: {  	_ =	swait.ge [sflag:s19], $0x680  }
0x202: {  	[sflag:s19] =	ssyncset.done $0x0  }
0x203: {  	[sflag:s19] =	ssyncadd.s32 $0xFFFFF980  }
0x204: {  	_ =	swait.ge [sflag:s19], $0x680  }
0x205: {  	[sflag:s19] =	ssyncset.done $0x0  }
0x206: {  	[sflag:s19] =	ssyncadd.s32 $0xFFFFF980  }
0x207: {  	_ =	swait.ge [sflag:s19], $0x680  }
0x208: {  	[sflag:s19] =	ssyncset.done $0x0  }
0x209: {  	[sflag:s19] =	ssyncadd.s32 $0xFFFFF980  }
0x20a: {  	_ =	swait.ge [sflag:s19], $0x680  }
0x20b: {  	[sflag:s19] =	ssyncset.done $0x0  }
0x20c: {  	[sflag:s19] =	ssyncadd.s32 $0xFFFFF980  }
0x20d: {  	_ =	swait.ge [sflag:s19], $0x680  }
0x20e: {  	[sflag:s19] =	ssyncset.done $0x0  }
0x20f: {  	[sflag:s19] =	ssyncadd.s32 $0xFFFFF980  }
0x210: {  	_ =	swait.ge [sflag:s19], $0x680  }
0x211: {  	[sflag:s19] =	ssyncset.done $0x0  }
0x212: {  	[sflag:s19] =	ssyncadd.s32 $0xFFFFF980  }
0x213: {  	_ =	swait.ge [sflag:s19], $0x680  }
0x214: {  	[sflag:s19] =	ssyncset.done $0x0  }
0x215: {  	[sflag:s19] =	ssyncadd.s32 $0xFFFFF980  }
0x216: {  	_ =	swait.ge [sflag:s19], $0x680  }
0x217: {  	[sflag:s19] =	ssyncset.done $0x0  }
0x218: {  	[sflag:s19] =	ssyncadd.s32 $0xFFFFF980  }
0x219: {  	_ =	swait.ge [sflag:s19], $0x680  }
0x21a: {  	[sflag:s19] =	ssyncset.done $0x0  }
0x21b: {  	[sflag:s19] =	ssyncadd.s32 $0xFFFFF980  }
0x21c: {  	_ =	swait.ge [sflag:s19], $0x680  }
0x21d: {  	[sflag:s19] =	ssyncset.done $0x0  }
0x21e: {  	[sflag:s19] =	ssyncadd.s32 $0xFFFFF980  }
0x21f: {  	_ =	swait.ge [sflag:s19], $0x680  }
0x220: {  	[sflag:s19] =	ssyncset.done $0x0  }
0x221: {  	[sflag:s19] =	ssyncadd.s32 $0xFFFFF980  }
0x222: {  	_ =	swait.ge [sflag:s19], $0x680  }
0x223: {  	[sflag:s19] =	ssyncset.done $0x0  }
0x224: {  	[sflag:s19] =	ssyncadd.s32 $0xFFFFF980  }
0x225: {  	_ =	swait.ge [sflag:s19], $0x680  }
0x226: {  	[sflag:s19] =	ssyncset.done $0x0  }
0x227: {  	[sflag:s19] =	ssyncadd.s32 $0xFFFFF980  }
0x228: {  	s20 =	sadd.s32 $0x1, s20;
	_ =	swait.ge [sflag:s19], $0x680  }
0x229: {  	p0 =	sne.s32 s20, s5;
	[sflag:s19] =	ssyncset.done $0x0  }
.Ltmp1:
0x22a: {  	s31 =	sadd.s32 $0xD00, s21;
	[sflag:s19] =	ssyncadd.s32 $0xFFFFF980;
	(pc) =	sbr.rel @p0 .LBB2_1-.Ltmp1, $4  }
0x22b: {  	[hbm4b:s31+s2] =	stream.linear.scatter [tilespmem:s17], [sflag:$0x3], $0x6800, $0x38;
	[tilespmem:$0x11000] =	vst v63  }
0x22c: {  	_ =	swait.ge [sflag:s7], $0x6800  }
0x22d: {  	[sflag:s7] =	ssyncset.done $0x0  }
0x22e: {  	[sflag:s7] =	ssyncadd.s32 $0xFFFF9800  }
0x22f: {  	_ =	sfence.sel $0x180000  }
0x230: {  	[bflag:$0x0] =	sbarrier.arrive $0xFFFF  }
0x231: {  	_ =	strace $0x9000004A  }
0x232: {  	s0 =	stileid.u32;
	[bflag:$0x2] =	sbarrier.arrive $0xFFFF  }
0x233: {  	p0 =	sne.s32 s0, $0x0;
	s0 =	rddreg [dreg:$0x2]  }
0x234: {  	s0 =	sadd.s32 @!p0 $0x100000, s0  }
0x235: {  	[sflag:s0] =	ssyncadd.tile.s32 @!p0 $0x1;
	_ =	shalt  }
.Lfunc_end2:
_tile_overlayer_lowered:
.L_overlay_start_2:
0x236: {  	(tag) =	ssettag $0x2  }
0x237: {  	s0 =	rddreg [dreg:$0x0];
	s2 =	stileid.u32  }
0x238: {  	s1 =	rddreg [dreg:$0x1];
	p0 =	sne.s32 s2, $0x0  }
0x239: {  	s3 =	rddreg [dreg:$0x2];
	[bflag:$0x3] =	sbarrier.arrive $0xFFFF;
	s2 =	simm.s32 @!p0 $0x1C03  }
0x23a: {  	[timem:s3], [sflag:s2] =	dma.local @!p0 [hbm:s0], s1  }
0x23b: {  	s0 =	simm.s32 @!p0 $0x3  }
0x23c: {  	_ =	swait.ge @!p0 [sflag:s0], s1  }
0x23d: {  	s1 =	ssub.s32 @!p0 $0x0, s1;
	[sflag:s0] =	ssyncset.done @!p0 $0x0  }
0x23e: {  	[sflag:s0] =	ssyncadd.s32 @!p0 s1  }
0x23f: {  	[bflag:$0x3] =	sbarrier.arrive $0xFFFF  }
0x240: {  	_ =	shalt  }

// kernel: sparse-core-data-format-call.1.cloned.1.call-start
scs
called_computation.1_lowered:
.L_overlay_start_0:
0x0: {  	s2 =	sld [smem:$0x3FD9]  }
0x1: {  	s3 =	sld [smem:$0x3FFE];
	_ =	sdelay $0x1  }
0x2: {  	s1 =	srdreg.scid  }
0x3: {  	s0 =	sand.u32 $0x1, s1  }
0x4: {  	s18 =	sshll.u32 s0, $0xA;
	s2 =	sadd.s32 s3, s2  }
0x5: {  	s2 =	sadd.s32 s2, s18  }
0x6: {  	[smem:$0x3FC6] =	sst s2  }
0x7: {  	_ = 	snop  }
0x8: {  	s2 =	sld [smem:$0x3FC8];
	(tm) =	ssettm $0x1  }
0x9: {  	s19 =	sld [smem:$0x3FFB];
	_ =	sdelay $0x3  }
0xa: {  	_ =	strace s19  }
0xb: {  	s3 =	sld [smem:$0x3FFC];
	_ =	sdelay $0x3  }
0xc: {  	_ =	strace s3  }
0xd: {  	s3 =	sld [smem:$0x3FFD];
	_ =	sdelay $0x3  }
0xe: {  	_ =	strace s3  }
0xf: {  	_ =	strace $0x8FFFFFFF  }
0x10: {  	s20 =	sld [smem:$0x3FDB];
	_ =	sdelay $0x1  }
0x11: {  	s4 =	simm.s32 $_scs_section_size  }
0x12: {  	s5 =	simm.s32 $_size__tile_overlayer_lowered;
	s6 =	simm.s32 $_tile_overlayer_lowered  }
0x13: {  	s23 =	simm.s32 $0x1BFF;
	s22 =	sshll.u32 s6, $0x1;
	s3 =	sadd.s32 s4, s20  }
0x14: {  	s7 =	simm.s32 $0x0;
	s21 =	sshll.u32 s5, $0x1;
	s5 =	sadd.s32 s22, s3  }
0x15: {  	[timem:s7], [sflag:s23] =	dma.local [hbm:s5], s21  }
0x16: {  	_ =	swait.ge [sflag:s23], s21  }
0x17: {  	s4 =	ssub.s32 $0x0, s21;
	[sflag:s23] =	ssyncset.done $0x0  }
0x18: {  	[sflag:s23] =	ssyncadd.s32 s4;
	_ =	sdelay $0x1  }
0x19: {  	s24 =	simm.s32 $0x1B8B  }
0x1a: {  	_ =	swait.ge [sflag:s24], $0x1  }
0x1b: {  	[sflag:s24] =	ssyncset.done $0x0  }
0x1c: {  	s26 =	simm.s32 $0x1B8E;
	s25 =	sld [smem:$0x3FFE];
	[sflag:s24] =	ssyncadd.s32 $0xFFFFFFFF  }
0x1d: {  	s27 =	simm.s32 $execute0_lowered;
	[smem:$0x3FD2] =	sst s26  }
0x1e: {  	s5 =	sshll.u32 s27, $0x1;
	_ =	strace $0x80000046;
	[dreg:$0x1] =	wrdreg $0xFFFFFFFF  }
0x1f: {  	s28 =	simm.s32 $_size_execute0_lowered;
	s3 =	sadd.s32 s3, s5;
	[dreg:$0x0] =	wrdreg $0x0  }
0x20: {  	s5 =	sshll.u32 s28, $0x1;
	[dreg:$0x2] =	wrdreg s3  }
0x21: {  	[dreg:$0x3] =	wrdreg s5  }
0x22: {  	[dreg:$0x4] =	wrdreg $0xC0  }
0x23: {  	_ =	task [dreg:s7], $0x5FFFF  }
0x24: {  	[dreg:$0x1] =	wrdreg $0xFFFFFFFF  }
0x25: {  	[dreg:$0x0] =	wrdreg $0x60  }
0x26: {  	[dreg:$0x2] =	wrdreg s2  }
0x27: {  	[dreg:$0x3] =	wrdreg s25  }
0x28: {  	[dreg:$0x4] =	wrdreg $0x9  }
0x29: {  	_ =	task.clear_ibuf [dreg:s7], $0x5FFFF;
	_ =	strace $0x90000046  }
0x2a: {  	s29 =	simm.s32 $0x9;
	_ =	strace $0x80000048  }
0x2b: {  	_ =	swait.ge [sflag:s29], $0x1  }
0x2c: {  	[sflag:s29] =	ssyncadd.s32 $0xFFFFFFFF  }
0x2d: {  	_ =	strace $0x90000048  }
0x2e: {  	_ =	sfence  }
0x2f: {  	s30 =	sld [smem:$0x0];
	_ =	sdelay $0x2  }
0x30: {  	s31 =	sshll.u32 s1, $0xD;
	s1 =	sshrl.u32 s1, $0x2  }
0x31: {  	s3 =	sand.u32 $0x4000, s31;
	s1 =	sadd.s32 s1, s30  }
0x32: {  	s0 =	sor.u32 s3, s0;
	s1 =	sshll.u32 s1, $0x11  }
0x33: {  	s0 =	sor.u32 s1, s0  }
0x34: {  	s0 =	sadd.s32 $0x8F2B, s0  }
0x35: {  	[sflag:s0] =	ssyncadd.remote.s32 $0x1  }
0x36: {  	_ =	sfence.sel $0xFFFF  }
0x37: {  	[dreg:$0x0] =	wrdreg $0xFFFFFFFF;
	(pc) =	sbr.abs _section_cstart, $3  }
0x38: {  	[dreg:$0x1] =	wrdreg $0xFFFFFFFF  }
0x39: {  	_ =	task.clear_ibuf [dreg:s7], $0x2FFFF;
	_ =	strace $0x9FFFFFFF  }
0x3a: {  	(tm) =	ssettm $0x7FFFFFFF  }
0x3b: {  	_ =	shalt  }
tec
execute0_lowered:
.L_overlay_start_1:
0x0: {  	(tag) =	ssettag $0x1  }
0x1: {  	s0 =	srdreg.scid;
	s2 =	rddreg [dreg:$0x0]  }
0x2: {  	s5 =	rddreg [dreg:$0x1];
	s1 =	stileid.u32  }
0x3: {  	s4 =	simm.s32 $0x1;
	s6 =	simm.s32 $0x2;
	s15 =	simm.s32 $0x0  }
0x4: {  	p0 =	por $0x0, $0x0;
	s8 =	simm.s32 $0x80;
	s0 =	sshll.u32 s0, $0x4  }
0x5: {  	s14 =	simm.s32 $0x0;
	s9 =	simm.s32 $0x0;
	s3 =	sand.u32 $0x10, s0  }
.Ltmp0:
0x6: {  	s10 =	simm.s32 $0x0;
	s3 =	sor.u32 s1, s3;
	(pc) =	sbr.rel .LBB1_1-.Ltmp0, $4  }
0x7: {  	s0 =	rddreg [dreg:$0x2];
	_ =	strace $0x80000047;
	s3 =	sshll.u32 s3, $0x7  }
0x8: {  	s12 =	simm.s32 $0x0;
	[sflag:s4] =	ssyncpa.u1 $0x0;
	s7 =	ssub.s32 $0xF4200, s3  }
0x9: {  	s13 =	simm.s32 $0x0;
	[sflag:s6] =	ssyncpa.u1 $0x0;
	s6 =	sshrl.u32 s7, $0xC  }
0xa: {  	s5 =	sadd.s32 $0xE00, s5;
	s11 =	smov.u32 s3;
	s7 =	sadd.s32 $0x2, s6  }
.LBB1_5:
0xb: {  	p1 =	slt.u32 s13, $0x2  }
0xc: {  	s17 =	smov.u32 s15;
	p2 =	sgt.s32 @!p1 s15, $0xF41C0;
	s16 =	sshra.s32 @!p1 s15, $0x1F  }
0xd: {  	p3 =	sgt.s32 @!p1 s14, $0x40;
	s18 =	sshra.s32 @!p1 s14, $0x1F;
	p2 =	por !p2, p1  }
0xe: {  	s15 =	sand.u32 @!p1 s16, s15;
	p3 =	por !p3, p1;
	s16 =	smov.u32 s14  }
0xf: {  	s14 =	sand.u32 @!p1 s18, s14;
	s17 =	simm.s32 @p2 $0xF41C0;
	s16 =	simm.s32 @p3 $0x40  }
0x10: {  	s15 =	ssub.s32 @!p1 s17, s15;
	s14 =	ssub.s32 @!p1 s16, s14  }
0x11: {  	s18 =	smov.u32 s12;
	s16 =	sadd.s32 @!p1 $0xFFF0BE40, s15;
	s17 =	sadd.s32 @!p1 $0xFFFFFFC0, s14  }
0x12: {  	s15 =	ssub.s32 @!p1 $0xF4240, s15;
	p2 =	sgt.s32 @!p1 s16, $0x7F;
	p3 =	sgt.s32 @!p1 s17, $0x3F  }
0x13: {  	s14 =	ssub.s32 @!p1 $0x80, s14;
	p2 =	por !p2, p1;
	p3 =	por !p3, p1  }
0x14: {  	s16 =	sadd.s32 $0x1000, s11;
	s15 =	simm.s32 @!p2 $0x0;
	s14 =	simm.s32 @!p3 $0x0  }
0x15: {  	p2 =	sgt.s32 s16, $0xF423F;
	s14 =	smul.u32 @!p1 s14, s15;
	s15 =	sadd.s32 $0x40, s12  }
0x16: {  	s18 =	smov.u32 @p2 s15  }
0x17: {  	s16 =	smov.u32 @p2 s3;
	p2 =	sgt.s32 s18, $0x3F  }
0x18: {  	s18 =	simm.s32 @p2 $0x0;
	p2 =	sne.s32 s13, s7  }
.Ltmp1:
0x19: {  	p0 =	por !p0, !p0;
	s17 =	simm.s32 @!p1 $0x2;
	(pc) =	sbr.rel @!p2 .LBB1_6-.Ltmp1, $4  }
0x1a: {  	s15 =	smov.u32 s9;
	s9 =	smov.u32 s11;
	s14 =	sand.u32 @!p1 $0x3FFFFFFF, s14  }
0x1b: {  	s11 =	smov.u32 s16;
	_ =	swait.ge @!p1 [sflag:s17], s14;
	s19 =	ssub.s32 @!p1 $0x0, s14  }
0x1c: {  	s14 =	smov.u32 s10;
	s13 =	sadd.s32 $0x1, s13;
	[sflag:s17] =	ssyncset.done @!p1 $0x0  }
0x1d: {  	s10 =	smov.u32 s12;
	s12 =	smov.u32 s18;
	[sflag:s17] =	ssyncadd.s32 @!p1 s19  }
.LBB1_1:
0x1e: {  	p1 =	sgt.u32 s13, s6  }
0x1f: {  	s16 =	sshrl.u32 @!p1 s12, $0x3  }
0x20: {  	s17 =	sshll.u32 @!p1 s11, $0x3;
	s16 =	smul.u32 @!p1 $0x7A1400, s16  }
0x21: {  	s18 =	sshll.u32 @!p1 s12, $0x7;
	s17 =	sand.u32 @!p1 $0xFFFFFC00, s17  }
0x22: {  	s16 =	sadd.s32 @!p1 s16, s17;
	s17 =	sand.u32 @!p1 $0x380, s18  }
0x23: {  	s18 =	sand.u32 @!p1 $0x7F, s11;
	s16 =	sor.u32 @!p1 s17, s16  }
0x24: {  	s17 =	sor.u32 @!p1 s18, s16  }
0x25: {  	s18 =	smulhi.u32 @!p1 $0x218D6287, s17;
	_ =	sdelay $0x1  }
0x26: {  	s16 =	smulhi.u32 @!p1 $0x218D6287, s16;
	s18 =	sshrl.u32 @!p1 s18, $0x11  }
0x27: {  	s18 =	smul.u32 @!p1 $0xF4280, s18  }
0x28: {  	s19 =	sxor.u32 @!p1 $0xFFFFFFFF, s13;
	s16 =	sshrl.u32 @!p1 s16, $0x11  }
0x29: {  	s19 =	sshll.u32 @!p1 s19, $0xD;
	s16 =	sand.u32 @!p1 $0x3F, s16;
	s17 =	ssub.s32 @!p1 s17, s18  }
0x2a: {  	s16 =	smul.u32 @!p1 $0x1E850, s16;
	s18 =	sshrl.u32 @!p1 s17, $0x3;
	s17 =	sand.u32 @!p1 $0x7, s17  }
0x2b: {  	s19 =	sand.u32 @!p1 $0x2000, s19;
	s18 =	sadd.s32 @!p1 s2, s18;
	s17 =	sshll.u32 @!p1 s17, $0x12  }
0x2c: {  	s16 =	sadd.s32 @!p1 s16, s18;
	s17 =	sor.u32 @!p1 $0x400, s17;
	s18 =	simm.s32 @!p1 $0x7A1400  }
0x2d: {  	[tilespmem:s19], [sflag:$0x1] =	stream.strided.gather @!p1 [hbm4b:s16+s17], $0x2000, s18, s17, $0x38;
	[tilespmem:$0x8100] =	vst v63  }
0x2e: {  	p1 =	seq.s32 s13, $0x0  }
0x2f: {  	p2 =	sge.u32 @!p1 s13, s7  }
0x30: {  	p1 =	por p1, p2  }
.Ltmp2:
0x31: {  	_ = 	snop;
	(pc) =	sbr.rel @p1 .LBB1_5-.Ltmp2, $1  }
0x32: {  	_ =	sdelay $0x3  }
0x33: {  	s16 =	simm.s32 $0x1  }
0x34: {  	_ =	swait.ge [sflag:s4], $0x2000;
	s16 =	simm.s32 @!p0 $0x0  }
0x35: {  	[sflag:s4] =	ssyncset.done $0x0;
	s17 =	sshll.u32 s16, $0xD  }
0x36: {  	[sflag:s4] =	ssyncadd.s32 $0xFFFFE000;
	s17 =	sor.u32 $0x40, s17  }
0x37: {  	s16 =	smul.u32 $0x8200, s16;
	v0 =	vld [tilespmem:s17+$0x30]  }
0x38: {  	v1 =	vld [tilespmem:s17+$0xFFFFFFD0]  }
0x39: {  	s16 =	sshrl.u32 s16, $0x2;
	v5 =	vld [tilespmem:s17+$0xFFFFFFE0]  }
0x3a: {  	v6 =	vld [tilespmem:s17+$0xFFFFFFF0];
	s19 =	sor.u32 $0x4000, s16  }
0x3b: {  	s31 =	sand.u32 $0x1, s13;
	v4 =	vld [tilespmem:s17+$0x0];
	s18 =	sadd.s32 $0x0, s19  }
0x3c: {  	v3 =	vld [tilespmem:s17+$0x10];
	s16 =	smul.u32 $0x8200, s31;
	[tilespmem:s18+$0x1C70 ss:$0x41] =	vst.msk $0xffff, v0  }
0x3d: {  	v2 =	vld [tilespmem:s17+$0x20];
	[tilespmem:s18+$0x410 ss:$0x41] =	vst.msk $0xffff, v1  }
0x3e: {  	s16 =	sshrl.u32 s16, $0x2;
	v1 =	vld [tilespmem:s17+$0xFFFFFFC0];
	[tilespmem:s18+$0x820 ss:$0x41] =	vst.msk $0xffff, v5;
	s17 =	sadd.s32 $0x80, s17  }
0x3f: {  	s20 =	simm.s32 $0x4;
	s21 =	simm.s32 $0x8;
	s16 =	sor.u32 $0x4000, s16;
	[tilespmem:s18+$0xC30 ss:$0x41] =	vst.msk $0xffff, v6;
	v0 =	vld [tilespmem:s17+$0x30]  }
.LBB1_3:
0x40: {  	p1 =	sne.s32 s21, $0xFC;
	v5 =	vld [tilespmem:s17+$0xFFFFFFD0];
	[tilespmem:s18+$0x1040 ss:$0x41] =	vst.msk $0xffff, v4  }
0x41: {  	v6 =	vld [tilespmem:s17+$0xFFFFFFE0];
	[tilespmem:s18+$0x1450 ss:$0x41] =	vst.msk $0xffff, v3  }
0x42: {  	s22 =	sshra.s32 s20, $0x2;
	s20 =	smov.u32 s21;
	v7 =	vld [tilespmem:s17+$0xFFFFFFF0];
	[tilespmem:s18+$0x1860 ss:$0x41] =	vst.msk $0xffff, v2  }
.Ltmp3:
0x43: {  	v4 =	vld [tilespmem:s17+$0x0];
	[tilespmem:s18+$0x0 ss:$0x41] =	vst.msk $0xffff, v1;
	s18 =	sadd.s32 s22, s19;
	(pc) =	sbr.rel @p1 .LBB1_3-.Ltmp3, $4  }
0x44: {  	v3 =	vld [tilespmem:s17+$0x10];
	[tilespmem:s18+$0x1C70 ss:$0x41] =	vst.msk $0xffff, v0  }
0x45: {  	[tilespmem:s18+$0x410 ss:$0x41] =	vst.msk $0xffff, v5;
	v2 =	vld [tilespmem:s17+$0x20]  }
0x46: {  	v1 =	vld [tilespmem:s17+$0xFFFFFFC0];
	[tilespmem:s18+$0x820 ss:$0x41] =	vst.msk $0xffff, v6;
	s17 =	sadd.s32 $0x80, s17  }
0x47: {  	s21 =	sadd.s32 $0x4, s21;
	v0 =	vld [tilespmem:s17+$0x30];
	[tilespmem:s18+$0xC30 ss:$0x41] =	vst.msk $0xffff, v7  }
0x48: {  	s21 =	sshll.u32 s9, $0x7;
	s22 =	sshll.u32 s10, $0x3;
	s20 =	sshra.s32 s20, $0x2  }
0x49: {  	p1 =	sgt.s32 s9, $0xF41C0;
	s30 =	sshra.s32 s9, $0x1F;
	s25 =	sshra.s32 s10, $0x1F  }
0x4a: {  	v5 =	vld [tilespmem:s17+$0xFFFFFFD0];
	s28 =	sshrl.u32 s10, $0x3;
	s23 =	sand.u32 $0xFFFFFC00, s21;
	s22 =	sand.u32 $0xFFFFFC00, s22  }
0x4b: {  	[tilespmem:s18+$0x1040 ss:$0x41] =	vst.msk $0xffff, v4;
	v58 =	vld [tilespmem:s17+$0xFFFFFFE0];
	s21 =	sand.u32 $0x380, s21;
	s19 =	sadd.s32 s20, s19;
	s22 =	sadd.s32 s22, s23  }
0x4c: {  	v59 =	vld [tilespmem:s17+$0xFFFFFFF0];
	[tilespmem:s18+$0x1450 ss:$0x41] =	vst.msk $0xffff, v3;
	s29 =	sor.u32 s21, s22;
	s21 =	smov.u32 s9;
	s22 =	sand.u32 s30, s9  }
0x4d: {  	v60 =	vld [tilespmem:s17+$0x0];
	[tilespmem:s18+$0x1860 ss:$0x41] =	vst.msk $0xffff, v2;
	s30 =	sand.u32 $0x7, s10;
	s20 =	sshrl.u32 s29, $0x7;
	s21 =	simm.s32 @!p1 $0xF41C0  }
0x4e: {  	v61 =	vld [tilespmem:s17+$0x10];
	[tilespmem:s18+$0x0 ss:$0x41] =	vst.msk $0xffff, v1;
	p1 =	sgt.s32 s10, $0x40;
	s24 =	ssub.s32 s21, s22;
	s21 =	smov.u32 s10  }
0x4f: {  	v62 =	vld [tilespmem:s17+$0x20];
	[tilespmem:s19+$0x1C70 ss:$0x41] =	vst.msk $0xffff, v0;
	s31 =	smulhi.u32 $0x218DEF5, s20;
	s22 =	sand.u32 s25, s10;
	s21 =	simm.s32 @!p1 $0x40  }
0x50: {  	v63 =	vld [tilespmem:s17+$0xFFFFFFC0];
	[tilespmem:s19+$0x410 ss:$0x41] =	vst.msk $0xffff, v5;
	s26 =	sadd.s32 $0xFFF0BE40, s24;
	s17 =	ssub.s32 $0xF4240, s24;
	s21 =	ssub.s32 s21, s22  }
0x51: {  	[tilespmem:s19+$0x820 ss:$0x41] =	vst.msk $0xffff, v58;
	s23 =	sshrl.u32 s31, $0xD;
	p1 =	sgt.s32 s26, $0x7F;
	s27 =	sadd.s32 $0xFFFFFFC0, s21  }
0x52: {  	[tilespmem:s19+$0xC30 ss:$0x41] =	vst.msk $0xffff, v59;
	s23 =	smul.u32 $0xF4240, s23;
	s18 =	ssub.s32 $0x80, s21;
	p2 =	sgt.s32 s27, $0x3F  }
.Ltmp4:
0x53: {  	[tilespmem:s19+$0x1040 ss:$0x41] =	vst.msk $0xffff, v60;
	s17 =	simm.s32 @p1 $0x0;
	s18 =	simm.s32 @p2 $0x0;
	(pc) =	sbr.rel .LBB1_5-.Ltmp4, $4  }
0x54: {  	s29 =	sand.u32 $0xF, s28;
	[tilespmem:s19+$0x1450 ss:$0x41] =	vst.msk $0xffff, v61;
	s20 =	ssub.s32 s20, s23;
	s17 =	smul.u32 s18, s17  }
0x55: {  	[tilespmem:s19+$0x1860 ss:$0x41] =	vst.msk $0xffff, v62;
	s21 =	sshll.u32 s30, $0x12;
	s20 =	sshll.u32 s20, $0x4;
	s18 =	sadd.s32 s5, s29  }
0x56: {  	[tilespmem:s19+$0x0 ss:$0x41] =	vst.msk $0xffff, v63;
	s31 =	sor.u32 $0x40, s21;
	s18 =	sadd.s32 s20, s18;
	s17 =	sand.u32 $0x3FFFFFFF, s17  }
0x57: {  	[hbm4b:s18+s31] =	stream.strided.scatter [tilespmem:s16], [sflag:$0x2], s17, s8, s31, $0x18;
	[tilespmem:$0x8100] =	vst v63  }
.LBB1_6:
0x58: {  	_ =	sfence.sel $0x180000  }
0x59: {  	s2 =	simm.s32 $0x1;
	[bflag:$0x0] =	sbarrier.arrive $0xFFFF  }
0x5a: {  	s31 =	simm.s32 $0x2;
	[sflag:s2] =	ssyncpa.u1 $0x1  }
0x5b: {  	[sflag:s31] =	ssyncpa.u1 $0x1  }
0x5c: {  	p0 =	sne.s32 s1, $0x0;
	_ =	strace $0x90000047  }
0x5d: {  	s0 =	sadd.s32 @!p0 $0x100000, s0;
	[bflag:$0x2] =	sbarrier.arrive $0xFFFF  }
0x5e: {  	[sflag:s0] =	ssyncadd.tile.s32 @!p0 $0x1;
	_ =	shalt  }
.Lfunc_end1:
_tile_overlayer_lowered:
.L_overlay_start_2:
0x5f: {  	(tag) =	ssettag $0x2  }
0x60: {  	s0 =	rddreg [dreg:$0x0];
	s2 =	stileid.u32  }
0x61: {  	s1 =	rddreg [dreg:$0x1];
	p0 =	sne.s32 s2, $0x0  }
0x62: {  	s3 =	rddreg [dreg:$0x2];
	[bflag:$0x3] =	sbarrier.arrive $0xFFFF;
	s2 =	simm.s32 @!p0 $0x1C01  }
0x63: {  	[timem:s3], [sflag:s2] =	dma.local @!p0 [hbm:s0], s1  }
0x64: {  	s0 =	simm.s32 @!p0 $0x1  }
0x65: {  	_ =	swait.ge @!p0 [sflag:s0], s1  }
0x66: {  	s1 =	ssub.s32 @!p0 $0x0, s1;
	[sflag:s0] =	ssyncset.done @!p0 $0x0  }
0x67: {  	[sflag:s0] =	ssyncadd.s32 @!p0 s1  }
0x68: {  	[bflag:$0x3] =	sbarrier.arrive $0xFFFF  }
0x69: {  	_ =	shalt  }

// kernel: sparse-core-data-format-call.cloned.1.call-start
scs
called_computation_lowered:
.L_overlay_start_0:
0x0: {  	s2 =	sld [smem:$0x3FD9]  }
0x1: {  	s3 =	sld [smem:$0x3FFE];
	_ =	sdelay $0x1  }
0x2: {  	s1 =	srdreg.scid  }
0x3: {  	s0 =	sand.u32 $0x1, s1  }
0x4: {  	s18 =	sshll.u32 s0, $0xA;
	s2 =	sadd.s32 s3, s2  }
0x5: {  	s2 =	sadd.s32 s2, s18  }
0x6: {  	[smem:$0x3FC6] =	sst s2  }
0x7: {  	_ = 	snop  }
0x8: {  	s2 =	sld [smem:$0x3FD0];
	(tm) =	ssettm $0x1  }
0x9: {  	s19 =	sld [smem:$0x3FFB];
	_ =	sdelay $0x3  }
0xa: {  	_ =	strace s19  }
0xb: {  	s3 =	sld [smem:$0x3FFC];
	_ =	sdelay $0x3  }
0xc: {  	_ =	strace s3  }
0xd: {  	s3 =	sld [smem:$0x3FFD];
	_ =	sdelay $0x3  }
0xe: {  	_ =	strace s3  }
0xf: {  	_ =	strace $0x8FFFFFFF  }
0x10: {  	s20 =	sld [smem:$0x3FDB];
	_ =	sdelay $0x1  }
0x11: {  	s4 =	simm.s32 $_scs_section_size  }
0x12: {  	s5 =	simm.s32 $_size__tile_overlayer_lowered;
	s6 =	simm.s32 $_tile_overlayer_lowered  }
0x13: {  	s23 =	simm.s32 $0x1BFF;
	s22 =	sshll.u32 s6, $0x1;
	s3 =	sadd.s32 s4, s20  }
0x14: {  	s7 =	simm.s32 $0x0;
	s21 =	sshll.u32 s5, $0x1;
	s5 =	sadd.s32 s22, s3  }
0x15: {  	[timem:s7], [sflag:s23] =	dma.local [hbm:s5], s21  }
0x16: {  	_ =	swait.ge [sflag:s23], s21  }
0x17: {  	s4 =	ssub.s32 $0x0, s21;
	[sflag:s23] =	ssyncset.done $0x0  }
0x18: {  	[sflag:s23] =	ssyncadd.s32 s4;
	_ =	sdelay $0x1  }
0x19: {  	s24 =	simm.s32 $0x1B8B  }
0x1a: {  	_ =	swait.ge [sflag:s24], $0x1  }
0x1b: {  	[sflag:s24] =	ssyncset.done $0x0  }
0x1c: {  	s26 =	simm.s32 $0x1B8E;
	s25 =	sld [smem:$0x3FFE];
	[sflag:s24] =	ssyncadd.s32 $0xFFFFFFFF  }
0x1d: {  	s27 =	simm.s32 $execute0_lowered;
	[smem:$0x3FD2] =	sst s26  }
0x1e: {  	s5 =	sshll.u32 s27, $0x1;
	_ =	strace $0x8000004C;
	[dreg:$0x1] =	wrdreg $0xFFFFFFFF  }
0x1f: {  	s28 =	simm.s32 $_size_execute0_lowered;
	s3 =	sadd.s32 s3, s5;
	[dreg:$0x0] =	wrdreg $0x0  }
0x20: {  	s5 =	sshll.u32 s28, $0x1;
	[dreg:$0x2] =	wrdreg s3  }
0x21: {  	[dreg:$0x3] =	wrdreg s5  }
0x22: {  	[dreg:$0x4] =	wrdreg $0xC0  }
0x23: {  	_ =	task [dreg:s7], $0x5FFFF  }
0x24: {  	[dreg:$0x1] =	wrdreg $0xFFFFFFFF  }
0x25: {  	[dreg:$0x0] =	wrdreg $0x60  }
0x26: {  	[dreg:$0x2] =	wrdreg s25  }
0x27: {  	[dreg:$0x3] =	wrdreg s2  }
0x28: {  	[dreg:$0x4] =	wrdreg $0x9  }
0x29: {  	_ =	task.clear_ibuf [dreg:s7], $0x5FFFF;
	_ =	strace $0x9000004C  }
0x2a: {  	s29 =	simm.s32 $0x9;
	_ =	strace $0x8000004E  }
0x2b: {  	_ =	swait.ge [sflag:s29], $0x1  }
0x2c: {  	[sflag:s29] =	ssyncadd.s32 $0xFFFFFFFF  }
0x2d: {  	_ =	strace $0x9000004E  }
0x2e: {  	_ =	sfence  }
0x2f: {  	s30 =	sld [smem:$0x0];
	_ =	sdelay $0x2  }
0x30: {  	s31 =	sshll.u32 s1, $0xD;
	s1 =	sshrl.u32 s1, $0x2  }
0x31: {  	s3 =	sand.u32 $0x4000, s31;
	s1 =	sadd.s32 s1, s30  }
0x32: {  	s0 =	sor.u32 s3, s0;
	s1 =	sshll.u32 s1, $0x11  }
0x33: {  	s0 =	sor.u32 s1, s0  }
0x34: {  	s0 =	sadd.s32 $0x8F2B, s0  }
0x35: {  	[sflag:s0] =	ssyncadd.remote.s32 $0x1  }
0x36: {  	_ =	sfence.sel $0xFFFF  }
0x37: {  	[dreg:$0x0] =	wrdreg $0xFFFFFFFF;
	(pc) =	sbr.abs _section_cstart, $3  }
0x38: {  	[dreg:$0x1] =	wrdreg $0xFFFFFFFF  }
0x39: {  	_ =	task.clear_ibuf [dreg:s7], $0x2FFFF;
	_ =	strace $0x9FFFFFFF  }
0x3a: {  	(tm) =	ssettm $0x7FFFFFFF  }
0x3b: {  	_ =	shalt  }
tec
execute0_lowered:
.L_overlay_start_1:
0x0: {  	(tag) =	ssettag $0x1  }
0x1: {  	s0 =	srdreg.scid  }
0x2: {  	s1 =	sshll.u32 s0, $0x4  }
0x3: {  	s0 =	stileid.u32;
	s1 =	sand.u32 $0x10, s1  }
0x4: {  	s1 =	sor.u32 s0, s1  }
0x5: {  	s6 =	rddreg [dreg:$0x0];
	s4 =	simm.s32 $0x1;
	s2 =	sshll.u32 s1, $0x7  }
0x6: {  	s7 =	simm.s32 $0x2;
	s12 =	simm.s32 $0x0;
	s1 =	ssub.s32 $0x4000, s2  }
0x7: {  	s8 =	simm.s32 $0x20000;
	s13 =	simm.s32 $0x0;
	s3 =	sand.u32 $0xF80, s1  }
0x8: {  	s9 =	simm.s32 $0x0;
	s5 =	sshrl.u32 s1, $0xC;
	p0 =	sne.s32 s3, $0x0  }
.Ltmp0:
0x9: {  	s1 =	rddreg [dreg:$0x2];
	s4 =	simm.s32 @!p0 $0x0;
	(pc) =	sbr.rel .LBB1_1-.Ltmp0, $4  }
0xa: {  	s11 =	simm.s32 $0x0;
	s3 =	rddreg [dreg:$0x1];
	s5 =	sadd.s32 s4, s5  }
0xb: {  	_ =	strace $0x8000004D;
	s4 =	simm.s32 $0x1;
	s5 =	smul.u32 $0x1A, s5  }
0xc: {  	s6 =	sadd.s32 $0xE00, s6;
	s10 =	smov.u32 s2;
	[sflag:s4] =	ssyncpa.u1 $0x0  }
0xd: {  	p0 =	por $0x0, $0x0;
	[sflag:s7] =	ssyncpa.u1 $0x0;
	s7 =	sor.u32 $0x1, s5  }
.LBB1_4:
0xe: {  	s16 =	sshll.u32 s13, $0x3;
	s17 =	sand.u32 $0x78, s13  }
0xf: {  	s30 =	sand.u32 $0x1F800, s13;
	s12 =	sshll.u32 s12, $0x11;
	s16 =	sand.u32 $0x3C00, s16  }
0x10: {  	[tilespmem:s15+$0x810 ss:$0x81] =	vst.msk $0xffff, v2;
	s31 =	sand.u32 $0x7, s13;
	s16 =	sor.u32 s17, s16;
	s17 =	sadd.s32 s3, s30  }
0x11: {  	[tilespmem:s15+$0x1020 ss:$0x81] =	vst.msk $0xffff, v0;
	s13 =	sshll.u32 s31, $0x12;
	s12 =	sadd.s32 s12, s17;
	s16 =	sshrl.u32 s16, $0x3  }
0x12: {  	[tilespmem:s15+$0x0 ss:$0x81] =	vst.msk $0xffff, v1;
	s13 =	sor.u32 $0x400, s13;
	s12 =	sadd.s32 s16, s12  }
0x13: {  	[hbm4b:s12+s13] =	stream.strided.scatter [tilespmem:s14], [sflag:$0x2], $0x2000, s8, s13, $0x20;
	[tilespmem:$0x8080] =	vst v63  }
.LBB1_5:
0x14: {  	s14 =	sadd.s32 $0x1, s9  }
0x15: {  	s12 =	sadd.s32 $0x1000, s10;
	s16 =	smov.u32 s10;
	p2 =	sgt.s32 s14, $0x19  }
0x16: {  	s16 =	smov.u32 @p2 s12  }
0x17: {  	s14 =	simm.s32 @p2 $0x0;
	p2 =	sgt.s32 s16, $0x3FFF  }
0x18: {  	s16 =	smov.u32 @p2 s2;
	p2 =	sne.s32 s11, s7  }
.Ltmp1:
0x19: {  	p1 =	slt.u32 s11, $0x2;
	(pc) =	sbr.rel @!p2 .LBB1_6-.Ltmp1, $4  }
0x1a: {  	s15 =	simm.s32 @!p1 $0x2  }
0x1b: {  	s13 =	smov.u32 s10;
	p0 =	por !p0, !p0;
	_ =	swait.ge @!p1 [sflag:s15], $0x2000  }
0x1c: {  	s12 =	smov.u32 s9;
	[sflag:s15] =	ssyncset.done @!p1 $0x0;
	s9 =	smov.u32 s14  }
0x1d: {  	s11 =	sadd.s32 $0x1, s11;
	[sflag:s15] =	ssyncadd.s32 @!p1 $0xFFFFE000;
	s10 =	smov.u32 s16  }
.LBB1_1:
0x1e: {  	p1 =	sge.u32 s11, s5  }
0x1f: {  	s31 =	sadd.s32 $0xFFFFFFFF, s11;
	s14 =	sxor.u32 @!p1 $0xFFFFFFFF, s11  }
0x20: {  	s15 =	sshll.u32 @!p1 s10, $0x9;
	s16 =	sshll.u32 @!p1 s9, $0x4;
	s17 =	simm.s32 @!p1 $0x1000  }
0x21: {  	s14 =	sshll.u32 @!p1 s14, $0xD;
	s16 =	sand.u32 @!p1 $0x1F0, s16;
	s15 =	sadd.s32 @!p1 s6, s15  }
0x22: {  	s14 =	sand.u32 @!p1 $0x2000, s14;
	s15 =	sadd.s32 @!p1 s16, s15;
	s16 =	simm.s32 @!p1 $0x40  }
0x23: {  	[tilespmem:s14], [sflag:$0x1] =	stream.strided.gather @!p1 [hbm4b:s15+s16], $0x2000, s17, s16, $0x38;
	[tilespmem:$0x8080] =	vst v63  }
0x24: {  	p1 =	sge.u32 s31, s5  }
.Ltmp2:
0x25: {  	_ = 	snop;
	(pc) =	sbr.rel @p1 .LBB1_5-.Ltmp2, $1  }
0x26: {  	_ =	sdelay $0x3  }
0x27: {  	s14 =	simm.s32 $0x1  }
0x28: {  	_ =	swait.ge [sflag:s4], $0x2000;
	s14 =	simm.s32 @!p0 $0x0  }
0x29: {  	[sflag:s4] =	ssyncset.done $0x0;
	s15 =	sshll.u32 s14, $0xD  }
0x2a: {  	[sflag:s4] =	ssyncadd.s32 $0xFFFFE000;
	s18 =	sor.u32 $0x20, s15  }
0x2b: {  	s14 =	smul.u32 $0x8100, s14;
	v3 =	vld [tilespmem:s18+$0x10]  }
0x2c: {  	s30 =	sand.u32 $0x1, s11;
	v2 =	vld [tilespmem:s18+$0xFFFFFFF0]  }
0x2d: {  	s15 =	smul.u32 $0x8100, s30;
	s14 =	sshrl.u32 s14, $0x2;
	v0 =	vld [tilespmem:s18+$0x0]  }
0x2e: {  	v1 =	vld [tilespmem:s18+$0xFFFFFFE0];
	s16 =	sor.u32 $0x4000, s14  }
0x2f: {  	s31 =	sshrl.u32 s15, $0x2;
	s15 =	sadd.s32 $0x0, s16  }
0x30: {  	s17 =	simm.s32 $0x4;
	s18 =	sadd.s32 $0x40, s18;
	s14 =	sor.u32 $0x4000, s31;
	[tilespmem:s15+$0x1830 ss:$0x81] =	vst.msk $0xffff, v3  }
.LBB1_3:
0x31: {  	v3 =	vld [tilespmem:s18+$0x10];
	p1 =	sne.s32 s17, $0x1FC;
	[tilespmem:s15+$0x810 ss:$0x81] =	vst.msk $0xffff, v2;
	s19 =	smov.u32 s17;
	s17 =	sadd.s32 $0x4, s17  }
.Ltmp3:
0x32: {  	v2 =	vld [tilespmem:s18+$0xFFFFFFF0];
	[tilespmem:s15+$0x1020 ss:$0x81] =	vst.msk $0xffff, v0;
	(pc) =	sbr.rel @p1 .LBB1_3-.Ltmp3, $4  }
0x33: {  	v0 =	vld [tilespmem:s18+$0x0];
	[tilespmem:s15+$0x0 ss:$0x81] =	vst.msk $0xffff, v1  }
0x34: {  	s15 =	sshra.s32 s19, $0x2;
	v1 =	vld [tilespmem:s18+$0xFFFFFFE0]  }
0x35: {  	s15 =	sadd.s32 s15, s16  }
0x36: {  	s18 =	sadd.s32 $0x40, s18;
	[tilespmem:s15+$0x1830 ss:$0x81] =	vst.msk $0xffff, v3  }
.Ltmp4:
0x37: {  	_ = 	snop;
	(pc) =	sbr.rel .LBB1_4-.Ltmp4, $1  }
0x38: {  	_ =	sdelay $0x3  }
.LBB1_6:
0x39: {  	_ =	sfence.sel $0x180000  }
0x3a: {  	s2 =	simm.s32 $0x1;
	[bflag:$0x0] =	sbarrier.arrive $0xFFFF  }
0x3b: {  	s31 =	simm.s32 $0x2;
	[sflag:s2] =	ssyncpa.u1 $0x1  }
0x3c: {  	[sflag:s31] =	ssyncpa.u1 $0x1  }
0x3d: {  	p0 =	sne.s32 s0, $0x0;
	_ =	strace $0x9000004D  }
0x3e: {  	s0 =	sadd.s32 @!p0 $0x100000, s1;
	[bflag:$0x2] =	sbarrier.arrive $0xFFFF  }
0x3f: {  	[sflag:s0] =	ssyncadd.tile.s32 @!p0 $0x1;
	_ =	shalt  }
.Lfunc_end1:
_tile_overlayer_lowered:
.L_overlay_start_2:
0x40: {  	(tag) =	ssettag $0x2  }
0x41: {  	s0 =	rddreg [dreg:$0x0];
	s2 =	stileid.u32  }
0x42: {  	s1 =	rddreg [dreg:$0x1];
	p0 =	sne.s32 s2, $0x0  }
0x43: {  	s3 =	rddreg [dreg:$0x2];
	[bflag:$0x3] =	sbarrier.arrive $0xFFFF;
	s2 =	simm.s32 @!p0 $0x1C01  }
0x44: {  	[timem:s3], [sflag:s2] =	dma.local @!p0 [hbm:s0], s1  }
0x45: {  	s0 =	simm.s32 @!p0 $0x1  }
0x46: {  	_ =	swait.ge @!p0 [sflag:s0], s1  }
0x47: {  	s1 =	ssub.s32 @!p0 $0x0, s1;
	[sflag:s0] =	ssyncset.done @!p0 $0x0  }
0x48: {  	[sflag:s0] =	ssyncadd.s32 @!p0 s1  }
0x49: {  	[bflag:$0x3] =	sbarrier.arrive $0xFFFF  }
0x4a: {  	_ =	shalt  }

</sc_bundles>
